<compile_context>
chip_gen: v7x
topology: tpu7x:2x2x1
jax: 0.10.2.dev20260603
libtpu: 0.0.44.dev20260713+nightly
codegen_flags: <defaults>
</compile_context>

<pallas_src>
import functools
import jax
import jax.numpy as jnp
from jax import lax
from jax.experimental import pallas as pl
from jax.experimental.pallas import tpu as pltpu
from jax.experimental.pallas import tpu_sc as plsc

B = 1024
T = 200
NPH = 1001
NSG = 1000
NLG = 1000
PH_DIM = 128
SG_DIM = 16
LG_DIM = 8
NMEL = 80

NW = 32
BPW = B // NW
LANES = 16
UNROLL = 8


def _tc_precompute(pt_ref, st_ref, lt_ref, sid_ref, lid_ref, w_ref, bias_ref,
                   p_ref, base_ref):
    W = w_ref[...]
    hp = lax.Precision.HIGHEST
    p_ref[...] = jnp.dot(pt_ref[...], W[1:1 + PH_DIM],
                         preferred_element_type=jnp.float32, precision=hp)
    SW = jnp.dot(st_ref[...], W[1 + PH_DIM:1 + PH_DIM + SG_DIM],
                 preferred_element_type=jnp.float32, precision=hp)
    LW = jnp.dot(lt_ref[...], W[1 + PH_DIM + SG_DIM:],
                 preferred_element_type=jnp.float32, precision=hp)
    iota_s = lax.broadcasted_iota(jnp.int32, (B, NSG), 1)
    oh_s = (sid_ref[...] == iota_s).astype(jnp.float32)
    oh_l = (lid_ref[...] == iota_s).astype(jnp.float32)
    base = (jnp.dot(oh_s, SW, preferred_element_type=jnp.float32, precision=hp)
            + jnp.dot(oh_l, LW, preferred_element_type=jnp.float32, precision=hp)
            + bias_ref[...])
    base_ref[...] = base


def _precompute(phoneme_table, singer_table, language_table, sid, lid, W, bias):
    return pl.pallas_call(
        _tc_precompute,
        out_shape=[
            jax.ShapeDtypeStruct((NPH, NMEL), jnp.float32),
            jax.ShapeDtypeStruct((B, NMEL), jnp.float32),
        ],
    )(phoneme_table, singer_table, language_table, sid, lid, W, bias)


def _sc_body(p_hbm, w_hbm, base_hbm, f0_hbm, idx_hbm, outa_hbm, outb_hbm,
             p_loc, w0_loc, base_loc, f0a, idxa, sa0, sa1, sb0, sb1,
             osem0, osem1):
    sta = (sa0, sa1)
    stb = (sb0, sb1)
    wid = lax.axis_index("s") * 2 + lax.axis_index("c")
    b0 = wid * BPW

    PH = NPH * NMEL // 2
    c0 = pltpu.async_copy(p_hbm.at[pl.ds(0, PH)], p_loc.at[pl.ds(0, PH)], osem0)
    c1 = pltpu.async_copy(p_hbm.at[pl.ds(PH, PH)], p_loc.at[pl.ds(PH, PH)],
                          osem1)
    c2 = pltpu.async_copy(w_hbm.at[0], w0_loc, osem0)
    c3 = pltpu.async_copy(base_hbm.at[pl.ds(b0 * NMEL, BPW * NMEL)], base_loc,
                          osem1)
    c4 = pltpu.async_copy(f0_hbm.at[wid], f0a, osem0)
    c5 = pltpu.async_copy(idx_hbm.at[wid], idxa, osem1)
    for c in (c0, c1, c2, c3, c4, c5):
        c.wait()

    iotav = lax.iota(jnp.int32, LANES)
    w0v = [w0_loc[pl.ds(16 * k, 16)] for k in range(5)]

    def fill(bl, buf):
        basev = [base_loc[pl.ds(bl * NMEL + 16 * k, 16)] for k in range(5)]
        tok0 = bl * T

        @plsc.parallel_loop(0, T, unroll=UNROLL)
        def tok_body(t):
            ts = jnp.full((LANES,), tok0 + t, dtype=jnp.int32)
            r = plsc.load_gather(idxa, [ts])
            f = plsc.load_gather(f0a, [ts])
            rbase = r * NMEL
            for k in range(5):
                g5 = plsc.load_gather(p_loc, [rbase + (iotav + 16 * k)])
                val = g5 + (f * w0v[k] + basev[k])
                if k < 3:
                    sta[buf][pl.ds(t * 48 + 16 * k, 16)] = val
                else:
                    stb[buf][pl.ds(t * 32 + 16 * (k - 3), 16)] = val

    def copy_out(b, buf):
        pltpu.async_copy(sta[buf], outa_hbm.at[b], osem0)
        pltpu.async_copy(stb[buf], outb_hbm.at[b], osem1)

    def wait_out(b, buf):
        pltpu.make_async_copy(sta[buf], outa_hbm.at[b], osem0).wait()
        pltpu.make_async_copy(stb[buf], outb_hbm.at[b], osem1).wait()

    fill(0, 0)
    copy_out(b0, 0)
    fill(1, 1)
    copy_out(b0 + 1, 1)

    def pair_body(i, c):
        b = b0 + 2 * i
        wait_out(b, 0)
        fill(2 * i, 0)
        copy_out(b, 0)
        wait_out(b + 1, 1)
        fill(2 * i + 1, 1)
        copy_out(b + 1, 1)
        return c

    lax.fori_loop(1, BPW // 2, pair_body, 0)
    wait_out(b0, 0)
    wait_out(b0 + 1, 1)


@functools.lru_cache(maxsize=1)
def _sc_lookup():
    mesh = plsc.VectorSubcoreMesh(core_axis_name="c", subcore_axis_name="s")
    return pl.kernel(
        _sc_body,
        out_type=[jax.ShapeDtypeStruct((B, T * 48), jnp.float32),
                  jax.ShapeDtypeStruct((B, T * 32), jnp.float32)],
        mesh=mesh,
        compiler_params=pltpu.CompilerParams(needs_layout_passes=False),
        scratch_types=[
            pltpu.VMEM((NPH * NMEL,), jnp.float32),
            pltpu.VMEM((NMEL,), jnp.float32),
            pltpu.VMEM((BPW * NMEL,), jnp.float32),
            pltpu.VMEM((BPW * T,), jnp.float32),
            pltpu.VMEM((BPW * T,), jnp.int32),
            pltpu.VMEM((T * 48,), jnp.float32),
            pltpu.VMEM((T * 48,), jnp.float32),
            pltpu.VMEM((T * 32,), jnp.float32),
            pltpu.VMEM((T * 32,), jnp.float32),
            pltpu.SemaphoreType.DMA,
            pltpu.SemaphoreType.DMA,
        ],
    )


def kernel(f0, phoneme_seq, singer_id, language_id, phoneme_table,
           singer_table, language_table, W, b):
    idx = phoneme_seq.astype(jnp.int32)
    sid = singer_id.astype(jnp.int32).reshape(B, 1)
    lid = language_id.astype(jnp.int32).reshape(B, 1)
    bias = b.reshape(1, NMEL)

    P, base = _precompute(phoneme_table, singer_table, language_table,
                          sid, lid, W, bias)

    oa, ob = _sc_lookup()(P.reshape(-1), W, base.reshape(-1),
                          f0.reshape(NW, BPW * T), idx.reshape(NW, BPW * T))
    return jnp.concatenate([oa.reshape(B, T, 48), ob.reshape(B, T, 32)],
                           axis=-1)

# --- scband reference (transcript-rebuilt; emitter-appended) ---
"""Pipeline reference for scband-sing2-mel-21388937134114 (READ-ONLY COPY).

The authoritative reference and input builder live on the scoring server;
editing this copy changes nothing except your own understanding.
"""

import jax, jax.numpy as jnp
import numpy as np

B = 1024
T = 200
NUM_PHONEMES = 1000
NUM_SINGERS = 1000
NUM_LANGUAGES = 1000
PH_DIM = 128
SG_DIM = 16
LG_DIM = 8
N_MELS = 80


def setup_inputs(seed: int = 0) -> dict:
    key = jax.random.key(seed)
    ks = jax.random.split(key, 10)
    f0 = jax.random.uniform(ks[0], (B, T), dtype=jnp.float32) * 400.0 + 80.0
    phoneme_seq = jax.random.randint(ks[1], (B, T), 0, NUM_PHONEMES + 1, dtype=jnp.int64)
    singer_id = jax.random.randint(ks[2], (B,), 0, NUM_SINGERS, dtype=jnp.int64)
    language_id = jax.random.randint(ks[3], (B,), 0, NUM_LANGUAGES, dtype=jnp.int64)
    phoneme_table = jax.random.normal(ks[4], (NUM_PHONEMES + 1, PH_DIM), dtype=jnp.float32)
    singer_table = jax.random.normal(ks[5], (NUM_SINGERS, SG_DIM), dtype=jnp.float32)
    language_table = jax.random.normal(ks[6], (NUM_LANGUAGES, LG_DIM), dtype=jnp.float32)
    d_in = 1 + PH_DIM + SG_DIM + LG_DIM
    W = jax.random.normal(ks[7], (d_in, N_MELS), dtype=jnp.float32) * (1.0 / np.sqrt(d_in))
    b = jnp.zeros((N_MELS,), dtype=jnp.float32)
    return {"f0": f0, "phoneme_seq": phoneme_seq, "singer_id": singer_id, "language_id": language_id,
            "phoneme_table": phoneme_table, "singer_table": singer_table, "language_table": language_table,
            "W": W, "b": b}


def reference(f0, phoneme_seq, singer_id, language_id, phoneme_table, singer_table, language_table, W, b):
    # Embedding lookups (nn.Embedding -> jnp.take on table rows)
    phoneme_emb = jnp.take(phoneme_table, phoneme_seq, axis=0)          # [B, T, 128]
    singer_emb = jnp.take(singer_table, singer_id, axis=0)              # [B, 16]
    language_emb = jnp.take(language_table, language_id, axis=0)        # [B, 8]
    f0_unsqueeze = f0[:, :, None]                                       # [B, T, 1]
    Bb, Tt = f0.shape
    # MelEncoder: fuse frame-level (f0, phoneme) with utterance-level (singer, language)
    singer_b = jnp.broadcast_to(singer_emb[:, None, :], (Bb, Tt, singer_emb.shape[-1]))
    language_b = jnp.broadcast_to(language_emb[:, None, :], (Bb, Tt, language_emb.shape[-1]))
    h = jnp.concatenate([f0_unsqueeze, phoneme_emb, singer_b, language_b], axis=-1)  # [B, T, 153]
    predicted_mel = jnp.dot(h, W) + b                                   # [B, T, n_mels]
    return predicted_mel

if __name__ == "__main__":
    import jax
    _d = setup_inputs()
    print(jax.jit(kernel)(*tuple(_d.values())))

</pallas_src>

<mosaic_0001>
#map = affine_map<(d0, d1) -> (0)>
#map1 = affine_map<(d0, d1) -> (0, 0)>
module attributes {stable_mosaic.version = 14 : i64} {
  func.func @_sc_body(%arg0: i32, %arg1: i32, %arg2: memref<80080xf32, #tpu.memory_space<hbm>>, %arg3: memref<153x80xf32, #tpu.memory_space<hbm>>, %arg4: memref<81920xf32, #tpu.memory_space<hbm>>, %arg5: memref<32x6400xf32, #tpu.memory_space<hbm>>, %arg6: memref<32x6400xi32, #tpu.memory_space<hbm>>, %arg7: memref<1024x9600xf32, #tpu.memory_space<hbm>>, %arg8: memref<1024x6400xf32, #tpu.memory_space<hbm>>, %arg9: memref<80080xf32, #tpu.memory_space<vmem>>, %arg10: memref<80xf32, #tpu.memory_space<vmem>>, %arg11: memref<2560xf32, #tpu.memory_space<vmem>>, %arg12: memref<6400xf32, #tpu.memory_space<vmem>>, %arg13: memref<6400xi32, #tpu.memory_space<vmem>>, %arg14: memref<9600xf32, #tpu.memory_space<vmem>>, %arg15: memref<9600xf32, #tpu.memory_space<vmem>>, %arg16: memref<6400xf32, #tpu.memory_space<vmem>>, %arg17: memref<6400xf32, #tpu.memory_space<vmem>>, %arg18: memref<!tpu.dma_semaphore, #tpu.memory_space<semaphore_mem>>, %arg19: memref<!tpu.dma_semaphore, #tpu.memory_space<semaphore_mem>>) attributes {dimension_semantics = [#tpu.dimension_semantics<core_parallel>, #tpu.dimension_semantics<subcore_parallel>], iteration_bounds = array<i64: 2, 16>, scalar_prefetch = 0 : i64, scratch_operands = 11 : i64, tpu.core_type = #tpu.core_type<sc_vector_subcore>, window_params = [{transform_indices = #map}, {transform_indices = #map1}, {transform_indices = #map}, {transform_indices = #map1}, {transform_indices = #map1}, {transform_indices = #map1}, {transform_indices = #map1}]} {
    %mul3A = arith.constant 2 : i32
    %mul3A_0 = arith.muli %arg1, %mul3A : i32
    %add3A = arith.addi %mul3A_0, %arg0 : i32
    %mul3A_1 = arith.constant 32 : i32
    %mul3A_2 = arith.muli %add3A, %mul3A_1 : i32
    %dma_start3A = arith.constant 0 : i32
    %dma_start3A_3 = tpu.memref_slice %arg9[%dma_start3A] : memref<80080xf32, #tpu.memory_space<vmem>> -> memref<40040xf32, #tpu.memory_space<vmem>>
    %dma_start3A_4 = arith.constant 0 : i32
    %dma_start3A_5 = tpu.memref_slice %arg2[%dma_start3A_4] : memref<80080xf32, #tpu.memory_space<hbm>> -> memref<40040xf32, #tpu.memory_space<hbm>>
    %dma_start3A_6 = arith.constant 0 : i32
    %dma_start3A_7 = tpu.memref_slice %arg9[%dma_start3A_6] : memref<80080xf32, #tpu.memory_space<vmem>> -> memref<40040xf32, #tpu.memory_space<vmem>>
    %dma_start3A_8 = arith.constant 0 : i32
    %dma_start3A_9 = tpu.memref_slice %arg2[%dma_start3A_8] : memref<80080xf32, #tpu.memory_space<hbm>> -> memref<40040xf32, #tpu.memory_space<hbm>>
    tpu.enqueue_dma source(%dma_start3A_9 : memref<40040xf32, #tpu.memory_space<hbm>>) target(%dma_start3A_7 : memref<40040xf32, #tpu.memory_space<vmem>>) target_semaphore(%arg18 : memref<!tpu.dma_semaphore, #tpu.memory_space<semaphore_mem>>)
    %dma_start3A_10 = arith.constant 40040 : i32
    %dma_start3A_11 = tpu.memref_slice %arg9[%dma_start3A_10] : memref<80080xf32, #tpu.memory_space<vmem>> -> memref<40040xf32, #tpu.memory_space<vmem>>
    %dma_start3A_12 = arith.constant 40040 : i32
    %dma_start3A_13 = tpu.memref_slice %arg2[%dma_start3A_12] : memref<80080xf32, #tpu.memory_space<hbm>> -> memref<40040xf32, #tpu.memory_space<hbm>>
    %dma_start3A_14 = arith.constant 40040 : i32
    %dma_start3A_15 = tpu.memref_slice %arg9[%dma_start3A_14] : memref<80080xf32, #tpu.memory_space<vmem>> -> memref<40040xf32, #tpu.memory_space<vmem>>
    %dma_start3A_16 = arith.constant 40040 : i32
    %dma_start3A_17 = tpu.memref_slice %arg2[%dma_start3A_16] : memref<80080xf32, #tpu.memory_space<hbm>> -> memref<40040xf32, #tpu.memory_space<hbm>>
    tpu.enqueue_dma source(%dma_start3A_17 : memref<40040xf32, #tpu.memory_space<hbm>>) target(%dma_start3A_15 : memref<40040xf32, #tpu.memory_space<vmem>>) target_semaphore(%arg19 : memref<!tpu.dma_semaphore, #tpu.memory_space<semaphore_mem>>)
    %dma_start3A_18 = arith.constant 0 : i32
    %dma_start3A_19 = arith.constant 0 : i32
    %dma_start3A_20 = tpu.memref_slice %arg3[%dma_start3A_18, %dma_start3A_19] : memref<153x80xf32, #tpu.memory_space<hbm>> -> memref<1x80xf32, #tpu.memory_space<hbm>>
    %dma_start3A_21 = tpu.memref_squeeze %dma_start3A_20 : memref<1x80xf32, #tpu.memory_space<hbm>> -> memref<80xf32, #tpu.memory_space<hbm>>
    %dma_start3A_22 = arith.constant 0 : i32
    %dma_start3A_23 = tpu.memref_slice %arg3[%dma_start3A_18, %dma_start3A_22] : memref<153x80xf32, #tpu.memory_space<hbm>> -> memref<1x80xf32, #tpu.memory_space<hbm>>
    %dma_start3A_24 = tpu.memref_squeeze %dma_start3A_23 : memref<1x80xf32, #tpu.memory_space<hbm>> -> memref<80xf32, #tpu.memory_space<hbm>>
    tpu.enqueue_dma source(%dma_start3A_24 : memref<80xf32, #tpu.memory_space<hbm>>) target(%arg10 : memref<80xf32, #tpu.memory_space<vmem>>) target_semaphore(%arg18 : memref<!tpu.dma_semaphore, #tpu.memory_space<semaphore_mem>>)
    %mul3A_25 = arith.constant 80 : i32
    %mul3A_26 = arith.muli %mul3A_2, %mul3A_25 : i32
    %dma_start3A_27 = tpu.memref_slice %arg4[%mul3A_26] : memref<81920xf32, #tpu.memory_space<hbm>> -> memref<2560xf32, #tpu.memory_space<hbm>>
    %dma_start3A_28 = tpu.memref_slice %arg4[%mul3A_26] : memref<81920xf32, #tpu.memory_space<hbm>> -> memref<2560xf32, #tpu.memory_space<hbm>>
    tpu.enqueue_dma source(%dma_start3A_28 : memref<2560xf32, #tpu.memory_space<hbm>>) target(%arg11 : memref<2560xf32, #tpu.memory_space<vmem>>) target_semaphore(%arg19 : memref<!tpu.dma_semaphore, #tpu.memory_space<semaphore_mem>>)
    %dma_start3A_29 = arith.constant 0 : i32
    %dma_start3A_30 = tpu.memref_slice %arg5[%add3A, %dma_start3A_29] : memref<32x6400xf32, #tpu.memory_space<hbm>> -> memref<1x6400xf32, #tpu.memory_space<hbm>>
    %dma_start3A_31 = tpu.memref_squeeze %dma_start3A_30 : memref<1x6400xf32, #tpu.memory_space<hbm>> -> memref<6400xf32, #tpu.memory_space<hbm>>
    %dma_start3A_32 = arith.constant 0 : i32
    %dma_start3A_33 = tpu.memref_slice %arg5[%add3A, %dma_start3A_32] : memref<32x6400xf32, #tpu.memory_space<hbm>> -> memref<1x6400xf32, #tpu.memory_space<hbm>>
    %dma_start3A_34 = tpu.memref_squeeze %dma_start3A_33 : memref<1x6400xf32, #tpu.memory_space<hbm>> -> memref<6400xf32, #tpu.memory_space<hbm>>
    tpu.enqueue_dma source(%dma_start3A_34 : memref<6400xf32, #tpu.memory_space<hbm>>) target(%arg12 : memref<6400xf32, #tpu.memory_space<vmem>>) target_semaphore(%arg18 : memref<!tpu.dma_semaphore, #tpu.memory_space<semaphore_mem>>)
    %dma_start3A_35 = arith.constant 0 : i32
    %dma_start3A_36 = tpu.memref_slice %arg6[%add3A, %dma_start3A_35] : memref<32x6400xi32, #tpu.memory_space<hbm>> -> memref<1x6400xi32, #tpu.memory_space<hbm>>
    %dma_start3A_37 = tpu.memref_squeeze %dma_start3A_36 : memref<1x6400xi32, #tpu.memory_space<hbm>> -> memref<6400xi32, #tpu.memory_space<hbm>>
    %dma_start3A_38 = arith.constant 0 : i32
    %dma_start3A_39 = tpu.memref_slice %arg6[%add3A, %dma_start3A_38] : memref<32x6400xi32, #tpu.memory_space<hbm>> -> memref<1x6400xi32, #tpu.memory_space<hbm>>
    %dma_start3A_40 = tpu.memref_squeeze %dma_start3A_39 : memref<1x6400xi32, #tpu.memory_space<hbm>> -> memref<6400xi32, #tpu.memory_space<hbm>>
    tpu.enqueue_dma source(%dma_start3A_40 : memref<6400xi32, #tpu.memory_space<hbm>>) target(%arg13 : memref<6400xi32, #tpu.memory_space<vmem>>) target_semaphore(%arg19 : memref<!tpu.dma_semaphore, #tpu.memory_space<semaphore_mem>>)
    %dma_wait3A = arith.constant 0 : i32
    %dma_wait3A_41 = tpu.memref_slice %arg9[%dma_wait3A] : memref<80080xf32, #tpu.memory_space<vmem>> -> memref<40040xf32, #tpu.memory_space<vmem>>
    %dma_wait3A_42 = arith.constant 0 : i32
    %dma_wait3A_43 = tpu.memref_slice %arg2[%dma_wait3A_42] : memref<80080xf32, #tpu.memory_space<hbm>> -> memref<40040xf32, #tpu.memory_space<hbm>>
    %dma_wait3A_44 = arith.constant 0 : i32
    %dma_wait3A_45 = tpu.memref_slice %arg9[%dma_wait3A_44] : memref<80080xf32, #tpu.memory_space<vmem>> -> memref<40040xf32, #tpu.memory_space<vmem>>
    %dma_wait3A_46 = arith.constant 0 : i32
    %dma_wait3A_47 = tpu.memref_slice %arg2[%dma_wait3A_46] : memref<80080xf32, #tpu.memory_space<hbm>> -> memref<40040xf32, #tpu.memory_space<hbm>>
    tpu.wait_dma2 semaphore(%arg18 : memref<!tpu.dma_semaphore, #tpu.memory_space<semaphore_mem>>) src(%dma_wait3A_47 : memref<40040xf32, #tpu.memory_space<hbm>>) dst(%dma_wait3A_45 : memref<40040xf32, #tpu.memory_space<vmem>>)
    %dma_wait3A_48 = arith.constant 40040 : i32
    %dma_wait3A_49 = tpu.memref_slice %arg9[%dma_wait3A_48] : memref<80080xf32, #tpu.memory_space<vmem>> -> memref<40040xf32, #tpu.memory_space<vmem>>
    %dma_wait3A_50 = arith.constant 40040 : i32
    %dma_wait3A_51 = tpu.memref_slice %arg2[%dma_wait3A_50] : memref<80080xf32, #tpu.memory_space<hbm>> -> memref<40040xf32, #tpu.memory_space<hbm>>
    %dma_wait3A_52 = arith.constant 40040 : i32
    %dma_wait3A_53 = tpu.memref_slice %arg9[%dma_wait3A_52] : memref<80080xf32, #tpu.memory_space<vmem>> -> memref<40040xf32, #tpu.memory_space<vmem>>
    %dma_wait3A_54 = arith.constant 40040 : i32
    %dma_wait3A_55 = tpu.memref_slice %arg2[%dma_wait3A_54] : memref<80080xf32, #tpu.memory_space<hbm>> -> memref<40040xf32, #tpu.memory_space<hbm>>
    tpu.wait_dma2 semaphore(%arg19 : memref<!tpu.dma_semaphore, #tpu.memory_space<semaphore_mem>>) src(%dma_wait3A_55 : memref<40040xf32, #tpu.memory_space<hbm>>) dst(%dma_wait3A_53 : memref<40040xf32, #tpu.memory_space<vmem>>)
    %dma_wait3A_56 = arith.constant 0 : i32
    %dma_wait3A_57 = arith.constant 0 : i32
    %dma_wait3A_58 = tpu.memref_slice %arg3[%dma_wait3A_56, %dma_wait3A_57] : memref<153x80xf32, #tpu.memory_space<hbm>> -> memref<1x80xf32, #tpu.memory_space<hbm>>
    %dma_wait3A_59 = tpu.memref_squeeze %dma_wait3A_58 : memref<1x80xf32, #tpu.memory_space<hbm>> -> memref<80xf32, #tpu.memory_space<hbm>>
    %dma_wait3A_60 = arith.constant 0 : i32
    %dma_wait3A_61 = tpu.memref_slice %arg3[%dma_wait3A_56, %dma_wait3A_60] : memref<153x80xf32, #tpu.memory_space<hbm>> -> memref<1x80xf32, #tpu.memory_space<hbm>>
    %dma_wait3A_62 = tpu.memref_squeeze %dma_wait3A_61 : memref<1x80xf32, #tpu.memory_space<hbm>> -> memref<80xf32, #tpu.memory_space<hbm>>
    tpu.wait_dma2 semaphore(%arg18 : memref<!tpu.dma_semaphore, #tpu.memory_space<semaphore_mem>>) src(%dma_wait3A_62 : memref<80xf32, #tpu.memory_space<hbm>>) dst(%arg10 : memref<80xf32, #tpu.memory_space<vmem>>)
    %dma_wait3A_63 = tpu.memref_slice %arg4[%mul3A_26] : memref<81920xf32, #tpu.memory_space<hbm>> -> memref<2560xf32, #tpu.memory_space<hbm>>
    %dma_wait3A_64 = tpu.memref_slice %arg4[%mul3A_26] : memref<81920xf32, #tpu.memory_space<hbm>> -> memref<2560xf32, #tpu.memory_space<hbm>>
    tpu.wait_dma2 semaphore(%arg19 : memref<!tpu.dma_semaphore, #tpu.memory_space<semaphore_mem>>) src(%dma_wait3A_64 : memref<2560xf32, #tpu.memory_space<hbm>>) dst(%arg11 : memref<2560xf32, #tpu.memory_space<vmem>>)
    %dma_wait3A_65 = arith.constant 0 : i32
    %dma_wait3A_66 = tpu.memref_slice %arg5[%add3A, %dma_wait3A_65] : memref<32x6400xf32, #tpu.memory_space<hbm>> -> memref<1x6400xf32, #tpu.memory_space<hbm>>
    %dma_wait3A_67 = tpu.memref_squeeze %dma_wait3A_66 : memref<1x6400xf32, #tpu.memory_space<hbm>> -> memref<6400xf32, #tpu.memory_space<hbm>>
    %dma_wait3A_68 = arith.constant 0 : i32
    %dma_wait3A_69 = tpu.memref_slice %arg5[%add3A, %dma_wait3A_68] : memref<32x6400xf32, #tpu.memory_space<hbm>> -> memref<1x6400xf32, #tpu.memory_space<hbm>>
    %dma_wait3A_70 = tpu.memref_squeeze %dma_wait3A_69 : memref<1x6400xf32, #tpu.memory_space<hbm>> -> memref<6400xf32, #tpu.memory_space<hbm>>
    tpu.wait_dma2 semaphore(%arg18 : memref<!tpu.dma_semaphore, #tpu.memory_space<semaphore_mem>>) src(%dma_wait3A_70 : memref<6400xf32, #tpu.memory_space<hbm>>) dst(%arg12 : memref<6400xf32, #tpu.memory_space<vmem>>)
    %dma_wait3A_71 = arith.constant 0 : i32
    %dma_wait3A_72 = tpu.memref_slice %arg6[%add3A, %dma_wait3A_71] : memref<32x6400xi32, #tpu.memory_space<hbm>> -> memref<1x6400xi32, #tpu.memory_space<hbm>>
    %dma_wait3A_73 = tpu.memref_squeeze %dma_wait3A_72 : memref<1x6400xi32, #tpu.memory_space<hbm>> -> memref<6400xi32, #tpu.memory_space<hbm>>
    %dma_wait3A_74 = arith.constant 0 : i32
    %dma_wait3A_75 = tpu.memref_slice %arg6[%add3A, %dma_wait3A_74] : memref<32x6400xi32, #tpu.memory_space<hbm>> -> memref<1x6400xi32, #tpu.memory_space<hbm>>
    %dma_wait3A_76 = tpu.memref_squeeze %dma_wait3A_75 : memref<1x6400xi32, #tpu.memory_space<hbm>> -> memref<6400xi32, #tpu.memory_space<hbm>>
    tpu.wait_dma2 semaphore(%arg19 : memref<!tpu.dma_semaphore, #tpu.memory_space<semaphore_mem>>) src(%dma_wait3A_76 : memref<6400xi32, #tpu.memory_space<hbm>>) dst(%arg13 : memref<6400xi32, #tpu.memory_space<vmem>>)
    %iota3A = tpu.iota {dimensions = array<i32: 0>} : vector<16xi32>
    %get3A = arith.constant 0 : index
    %get3A_77 = tpu.vector_load %arg10[%get3A] {strides = array<i32>} : memref<80xf32, #tpu.memory_space<vmem>>, vector<16xf32>,
    %get3A_78 = arith.constant 16 : index
    %get3A_79 = tpu.vector_load %arg10[%get3A_78] {strides = array<i32>} : memref<80xf32, #tpu.memory_space<vmem>>, vector<16xf32>,
    %get3A_80 = arith.constant 32 : index
    %get3A_81 = tpu.vector_load %arg10[%get3A_80] {strides = array<i32>} : memref<80xf32, #tpu.memory_space<vmem>>, vector<16xf32>,
    %get3A_82 = arith.constant 48 : index
    %get3A_83 = tpu.vector_load %arg10[%get3A_82] {strides = array<i32>} : memref<80xf32, #tpu.memory_space<vmem>>, vector<16xf32>,
    %get3A_84 = arith.constant 64 : index
    %get3A_85 = tpu.vector_load %arg10[%get3A_84] {strides = array<i32>} : memref<80xf32, #tpu.memory_space<vmem>>, vector<16xf32>,
    %get3A_86 = arith.constant 0 : index
    %get3A_87 = tpu.vector_load %arg11[%get3A_86] {strides = array<i32>} : memref<2560xf32, #tpu.memory_space<vmem>>, vector<16xf32>,
    %get3A_88 = arith.constant 16 : index
    %get3A_89 = tpu.vector_load %arg11[%get3A_88] {strides = array<i32>} : memref<2560xf32, #tpu.memory_space<vmem>>, vector<16xf32>,
    %get3A_90 = arith.constant 32 : index
    %get3A_91 = tpu.vector_load %arg11[%get3A_90] {strides = array<i32>} : memref<2560xf32, #tpu.memory_space<vmem>>, vector<16xf32>,
    %get3A_92 = arith.constant 48 : index
    %get3A_93 = tpu.vector_load %arg11[%get3A_92] {strides = array<i32>} : memref<2560xf32, #tpu.memory_space<vmem>>, vector<16xf32>,
    %get3A_94 = arith.constant 64 : index
    %get3A_95 = tpu.vector_load %arg11[%get3A_94] {strides = array<i32>} : memref<2560xf32, #tpu.memory_space<vmem>>, vector<16xf32>,
    %parallel_loop3A = arith.constant 0 : i32
    %parallel_loop3A_96 = arith.constant 200 : i32
    %parallel_loop3A_97 = arith.constant 1 : i32
    scf.for %parallel_loop3A_168 = %parallel_loop3A to %parallel_loop3A_96 step %parallel_loop3A_97  : i32 {
      %parallel_loop3A_169 = arith.constant 0 : i32
      %parallel_loop3A_170 = arith.addi %parallel_loop3A_169, %parallel_loop3A_168 : i32
      %parallel_loop3A_171 = vector.broadcast %parallel_loop3A_170 : i32 to vector<16xi32>
      %parallel_loop3A_172 = tpu.vector_load_idx %arg13[%parallel_loop3A_171] : memref<6400xi32, #tpu.memory_space<vmem>>[vector<16xi32>], vector<16xi32>,
      %parallel_loop3A_173 = tpu.vector_load_idx %arg12[%parallel_loop3A_171] : memref<6400xf32, #tpu.memory_space<vmem>>[vector<16xi32>], vector<16xf32>,
      %parallel_loop3A_174 = arith.constant 80 : i32
      %parallel_loop3A_175 = vector.broadcast %parallel_loop3A_174 : i32 to vector<16xi32>
      %parallel_loop3A_176 = arith.muli %parallel_loop3A_172, %parallel_loop3A_175 : vector<16xi32>
      %parallel_loop3A_177 = arith.constant 0 : i32
      %parallel_loop3A_178 = vector.broadcast %parallel_loop3A_177 : i32 to vector<16xi32>
      %parallel_loop3A_179 = arith.addi %iota3A, %parallel_loop3A_178 : vector<16xi32>
      %parallel_loop3A_180 = arith.addi %parallel_loop3A_176, %parallel_loop3A_179 : vector<16xi32>
      %parallel_loop3A_181 = tpu.vector_load_idx %arg9[%parallel_loop3A_180] : memref<80080xf32, #tpu.memory_space<vmem>>[vector<16xi32>], vector<16xf32>,
      %parallel_loop3A_182 = arith.mulf %parallel_loop3A_173, %get3A_77 : vector<16xf32>
      %parallel_loop3A_183 = arith.addf %parallel_loop3A_182, %get3A_87 : vector<16xf32>
      %parallel_loop3A_184 = arith.addf %parallel_loop3A_181, %parallel_loop3A_183 : vector<16xf32>
      %parallel_loop3A_185 = arith.constant 48 : i32
      %parallel_loop3A_186 = arith.muli %parallel_loop3A_168, %parallel_loop3A_185 : i32
      %parallel_loop3A_187 = arith.constant 0 : i32
      %parallel_loop3A_188 = arith.addi %parallel_loop3A_186, %parallel_loop3A_187 : i32
      %parallel_loop3A_189 = arith.index_cast %parallel_loop3A_188 : i32 to index
      %parallel_loop3A_190 = tpu.vector_load %arg14[%parallel_loop3A_189] {strides = array<i32>} : memref<9600xf32, #tpu.memory_space<vmem>>, vector<16xf32>,
      tpu.vector_store %arg14[%parallel_loop3A_189], %parallel_loop3A_184 {strides = array<i32>} : memref<9600xf32, #tpu.memory_space<vmem>>, vector<16xf32>,
      %parallel_loop3A_191 = arith.constant 16 : i32
      %parallel_loop3A_192 = vector.broadcast %parallel_loop3A_191 : i32 to vector<16xi32>
      %parallel_loop3A_193 = arith.addi %iota3A, %parallel_loop3A_192 : vector<16xi32>
      %parallel_loop3A_194 = arith.addi %parallel_loop3A_176, %parallel_loop3A_193 : vector<16xi32>
      %parallel_loop3A_195 = tpu.vector_load_idx %arg9[%parallel_loop3A_194] : memref<80080xf32, #tpu.memory_space<vmem>>[vector<16xi32>], vector<16xf32>,
      %parallel_loop3A_196 = arith.mulf %parallel_loop3A_173, %get3A_79 : vector<16xf32>
      %parallel_loop3A_197 = arith.addf %parallel_loop3A_196, %get3A_89 : vector<16xf32>
      %parallel_loop3A_198 = arith.addf %parallel_loop3A_195, %parallel_loop3A_197 : vector<16xf32>
      %parallel_loop3A_199 = arith.constant 48 : i32
      %parallel_loop3A_200 = arith.muli %parallel_loop3A_168, %parallel_loop3A_199 : i32
      %parallel_loop3A_201 = arith.constant 16 : i32
      %parallel_loop3A_202 = arith.addi %parallel_loop3A_200, %parallel_loop3A_201 : i32
      %parallel_loop3A_203 = arith.index_cast %parallel_loop3A_202 : i32 to index
      %parallel_loop3A_204 = tpu.vector_load %arg14[%parallel_loop3A_203] {strides = array<i32>} : memref<9600xf32, #tpu.memory_space<vmem>>, vector<16xf32>,
      tpu.vector_store %arg14[%parallel_loop3A_203], %parallel_loop3A_198 {strides = array<i32>} : memref<9600xf32, #tpu.memory_space<vmem>>, vector<16xf32>,
      %parallel_loop3A_205 = arith.constant 32 : i32
      %parallel_loop3A_206 = vector.broadcast %parallel_loop3A_205 : i32 to vector<16xi32>
      %parallel_loop3A_207 = arith.addi %iota3A, %parallel_loop3A_206 : vector<16xi32>
      %parallel_loop3A_208 = arith.addi %parallel_loop3A_176, %parallel_loop3A_207 : vector<16xi32>
      %parallel_loop3A_209 = tpu.vector_load_idx %arg9[%parallel_loop3A_208] : memref<80080xf32, #tpu.memory_space<vmem>>[vector<16xi32>], vector<16xf32>,
      %parallel_loop3A_210 = arith.mulf %parallel_loop3A_173, %get3A_81 : vector<16xf32>
      %parallel_loop3A_211 = arith.addf %parallel_loop3A_210, %get3A_91 : vector<16xf32>
      %parallel_loop3A_212 = arith.addf %parallel_loop3A_209, %parallel_loop3A_211 : vector<16xf32>
      %parallel_loop3A_213 = arith.constant 48 : i32
      %parallel_loop3A_214 = arith.muli %parallel_loop3A_168, %parallel_loop3A_213 : i32
      %parallel_loop3A_215 = arith.constant 32 : i32
      %parallel_loop3A_216 = arith.addi %parallel_loop3A_214, %parallel_loop3A_215 : i32
      %parallel_loop3A_217 = arith.index_cast %parallel_loop3A_216 : i32 to index
      %parallel_loop3A_218 = tpu.vector_load %arg14[%parallel_loop3A_217] {strides = array<i32>} : memref<9600xf32, #tpu.memory_space<vmem>>, vector<16xf32>,
      tpu.vector_store %arg14[%parallel_loop3A_217], %parallel_loop3A_212 {strides = array<i32>} : memref<9600xf32, #tpu.memory_space<vmem>>, vector<16xf32>,
      %parallel_loop3A_219 = arith.constant 48 : i32
      %parallel_loop3A_220 = vector.broadcast %parallel_loop3A_219 : i32 to vector<16xi32>
      %parallel_loop3A_221 = arith.addi %iota3A, %parallel_loop3A_220 : vector<16xi32>
      %parallel_loop3A_222 = arith.addi %parallel_loop3A_176, %parallel_loop3A_221 : vector<16xi32>
      %parallel_loop3A_223 = tpu.vector_load_idx %arg9[%parallel_loop3A_222] : memref<80080xf32, #tpu.memory_space<vmem>>[vector<16xi32>], vector<16xf32>,
      %parallel_loop3A_224 = arith.mulf %parallel_loop3A_173, %get3A_83 : vector<16xf32>
      %parallel_loop3A_225 = arith.addf %parallel_loop3A_224, %get3A_93 : vector<16xf32>
      %parallel_loop3A_226 = arith.addf %parallel_loop3A_223, %parallel_loop3A_225 : vector<16xf32>
      %parallel_loop3A_227 = arith.constant 32 : i32
      %parallel_loop3A_228 = arith.muli %parallel_loop3A_168, %parallel_loop3A_227 : i32
      %parallel_loop3A_229 = arith.constant 0 : i32
      %parallel_loop3A_230 = arith.addi %parallel_loop3A_228, %parallel_loop3A_229 : i32
      %parallel_loop3A_231 = arith.index_cast %parallel_loop3A_230 : i32 to index
      %parallel_loop3A_232 = tpu.vector_load %arg16[%parallel_loop3A_231] {strides = array<i32>} : memref<6400xf32, #tpu.memory_space<vmem>>, vector<16xf32>,
      tpu.vector_store %arg16[%parallel_loop3A_231], %parallel_loop3A_226 {strides = array<i32>} : memref<6400xf32, #tpu.memory_space<vmem>>, vector<16xf32>,
      %parallel_loop3A_233 = arith.constant 64 : i32
      %parallel_loop3A_234 = vector.broadcast %parallel_loop3A_233 : i32 to vector<16xi32>
      %parallel_loop3A_235 = arith.addi %iota3A, %parallel_loop3A_234 : vector<16xi32>
      %parallel_loop3A_236 = arith.addi %parallel_loop3A_176, %parallel_loop3A_235 : vector<16xi32>
      %parallel_loop3A_237 = tpu.vector_load_idx %arg9[%parallel_loop3A_236] : memref<80080xf32, #tpu.memory_space<vmem>>[vector<16xi32>], vector<16xf32>,
      %parallel_loop3A_238 = arith.mulf %parallel_loop3A_173, %get3A_85 : vector<16xf32>
      %parallel_loop3A_239 = arith.addf %parallel_loop3A_238, %get3A_95 : vector<16xf32>
      %parallel_loop3A_240 = arith.addf %parallel_loop3A_237, %parallel_loop3A_239 : vector<16xf32>
      %parallel_loop3A_241 = arith.constant 32 : i32
      %parallel_loop3A_242 = arith.muli %parallel_loop3A_168, %parallel_loop3A_241 : i32
      %parallel_loop3A_243 = arith.constant 16 : i32
      %parallel_loop3A_244 = arith.addi %parallel_loop3A_242, %parallel_loop3A_243 : i32
      %parallel_loop3A_245 = arith.index_cast %parallel_loop3A_244 : i32 to index
      %parallel_loop3A_246 = tpu.vector_load %arg16[%parallel_loop3A_245] {strides = array<i32>} : memref<6400xf32, #tpu.memory_space<vmem>>, vector<16xf32>,
      tpu.vector_store %arg16[%parallel_loop3A_245], %parallel_loop3A_240 {strides = array<i32>} : memref<6400xf32, #tpu.memory_space<vmem>>, vector<16xf32>,
    } {sc.loop_unroll_factor = 8 : i64, sc.parallel_access}
    %dma_start3A_98 = arith.constant 0 : i32
    %dma_start3A_99 = tpu.memref_slice %arg7[%mul3A_2, %dma_start3A_98] : memref<1024x9600xf32, #tpu.memory_space<hbm>> -> memref<1x9600xf32, #tpu.memory_space<hbm>>
    %dma_start3A_100 = tpu.memref_squeeze %dma_start3A_99 : memref<1x9600xf32, #tpu.memory_space<hbm>> -> memref<9600xf32, #tpu.memory_space<hbm>>
    %dma_start3A_101 = arith.constant 0 : i32
    %dma_start3A_102 = tpu.memref_slice %arg7[%mul3A_2, %dma_start3A_101] : memref<1024x9600xf32, #tpu.memory_space<hbm>> -> memref<1x9600xf32, #tpu.memory_space<hbm>>
    %dma_start3A_103 = tpu.memref_squeeze %dma_start3A_102 : memref<1x9600xf32, #tpu.memory_space<hbm>> -> memref<9600xf32, #tpu.memory_space<hbm>>
    tpu.enqueue_dma source(%arg14 : memref<9600xf32, #tpu.memory_space<vmem>>) target(%dma_start3A_103 : memref<9600xf32, #tpu.memory_space<hbm>>) target_semaphore(%arg18 : memref<!tpu.dma_semaphore, #tpu.memory_space<semaphore_mem>>)
    %dma_start3A_104 = arith.constant 0 : i32
    %dma_start3A_105 = tpu.memref_slice %arg8[%mul3A_2, %dma_start3A_104] : memref<1024x6400xf32, #tpu.memory_space<hbm>> -> memref<1x6400xf32, #tpu.memory_space<hbm>>
    %dma_start3A_106 = tpu.memref_squeeze %dma_start3A_105 : memref<1x6400xf32, #tpu.memory_space<hbm>> -> memref<6400xf32, #tpu.memory_space<hbm>>
    %dma_start3A_107 = arith.constant 0 : i32
    %dma_start3A_108 = tpu.memref_slice %arg8[%mul3A_2, %dma_start3A_107] : memref<1024x6400xf32, #tpu.memory_space<hbm>> -> memref<1x6400xf32, #tpu.memory_space<hbm>>
    %dma_start3A_109 = tpu.memref_squeeze %dma_start3A_108 : memref<1x6400xf32, #tpu.memory_space<hbm>> -> memref<6400xf32, #tpu.memory_space<hbm>>
    tpu.enqueue_dma source(%arg16 : memref<6400xf32, #tpu.memory_space<vmem>>) target(%dma_start3A_109 : memref<6400xf32, #tpu.memory_space<hbm>>) target_semaphore(%arg19 : memref<!tpu.dma_semaphore, #tpu.memory_space<semaphore_mem>>)
    %get3A_110 = arith.constant 80 : index
    %get3A_111 = tpu.vector_load %arg11[%get3A_110] {strides = array<i32>} : memref<2560xf32, #tpu.memory_space<vmem>>, vector<16xf32>,
    %get3A_112 = arith.constant 96 : index
    %get3A_113 = tpu.vector_load %arg11[%get3A_112] {strides = array<i32>} : memref<2560xf32, #tpu.memory_space<vmem>>, vector<16xf32>,
    %get3A_114 = arith.constant 112 : index
    %get3A_115 = tpu.vector_load %arg11[%get3A_114] {strides = array<i32>} : memref<2560xf32, #tpu.memory_space<vmem>>, vector<16xf32>,
    %get3A_116 = arith.constant 128 : index
    %get3A_117 = tpu.vector_load %arg11[%get3A_116] {strides = array<i32>} : memref<2560xf32, #tpu.memory_space<vmem>>, vector<16xf32>,
    %get3A_118 = arith.constant 144 : index
    %get3A_119 = tpu.vector_load %arg11[%get3A_118] {strides = array<i32>} : memref<2560xf32, #tpu.memory_space<vmem>>, vector<16xf32>,
    %parallel_loop3A_120 = arith.constant 0 : i32
    %parallel_loop3A_121 = arith.constant 200 : i32
    %parallel_loop3A_122 = arith.constant 1 : i32
    scf.for %parallel_loop3A_168 = %parallel_loop3A_120 to %parallel_loop3A_121 step %parallel_loop3A_122  : i32 {
      %parallel_loop3A_169 = arith.constant 200 : i32
      %parallel_loop3A_170 = arith.addi %parallel_loop3A_169, %parallel_loop3A_168 : i32
      %parallel_loop3A_171 = vector.broadcast %parallel_loop3A_170 : i32 to vector<16xi32>
      %parallel_loop3A_172 = tpu.vector_load_idx %arg13[%parallel_loop3A_171] : memref<6400xi32, #tpu.memory_space<vmem>>[vector<16xi32>], vector<16xi32>,
      %parallel_loop3A_173 = tpu.vector_load_idx %arg12[%parallel_loop3A_171] : memref<6400xf32, #tpu.memory_space<vmem>>[vector<16xi32>], vector<16xf32>,
      %parallel_loop3A_174 = arith.constant 80 : i32
      %parallel_loop3A_175 = vector.broadcast %parallel_loop3A_174 : i32 to vector<16xi32>
      %parallel_loop3A_176 = arith.muli %parallel_loop3A_172, %parallel_loop3A_175 : vector<16xi32>
      %parallel_loop3A_177 = arith.constant 0 : i32
      %parallel_loop3A_178 = vector.broadcast %parallel_loop3A_177 : i32 to vector<16xi32>
      %parallel_loop3A_179 = arith.addi %iota3A, %parallel_loop3A_178 : vector<16xi32>
      %parallel_loop3A_180 = arith.addi %parallel_loop3A_176, %parallel_loop3A_179 : vector<16xi32>
      %parallel_loop3A_181 = tpu.vector_load_idx %arg9[%parallel_loop3A_180] : memref<80080xf32, #tpu.memory_space<vmem>>[vector<16xi32>], vector<16xf32>,
      %parallel_loop3A_182 = arith.mulf %parallel_loop3A_173, %get3A_77 : vector<16xf32>
      %parallel_loop3A_183 = arith.addf %parallel_loop3A_182, %get3A_111 : vector<16xf32>
      %parallel_loop3A_184 = arith.addf %parallel_loop3A_181, %parallel_loop3A_183 : vector<16xf32>
      %parallel_loop3A_185 = arith.constant 48 : i32
      %parallel_loop3A_186 = arith.muli %parallel_loop3A_168, %parallel_loop3A_185 : i32
      %parallel_loop3A_187 = arith.constant 0 : i32
      %parallel_loop3A_188 = arith.addi %parallel_loop3A_186, %parallel_loop3A_187 : i32
      %parallel_loop3A_189 = arith.index_cast %parallel_loop3A_188 : i32 to index
      %parallel_loop3A_190 = tpu.vector_load %arg15[%parallel_loop3A_189] {strides = array<i32>} : memref<9600xf32, #tpu.memory_space<vmem>>, vector<16xf32>,
      tpu.vector_store %arg15[%parallel_loop3A_189], %parallel_loop3A_184 {strides = array<i32>} : memref<9600xf32, #tpu.memory_space<vmem>>, vector<16xf32>,
      %parallel_loop3A_191 = arith.constant 16 : i32
      %parallel_loop3A_192 = vector.broadcast %parallel_loop3A_191 : i32 to vector<16xi32>
      %parallel_loop3A_193 = arith.addi %iota3A, %parallel_loop3A_192 : vector<16xi32>
      %parallel_loop3A_194 = arith.addi %parallel_loop3A_176, %parallel_loop3A_193 : vector<16xi32>
      %parallel_loop3A_195 = tpu.vector_load_idx %arg9[%parallel_loop3A_194] : memref<80080xf32, #tpu.memory_space<vmem>>[vector<16xi32>], vector<16xf32>,
      %parallel_loop3A_196 = arith.mulf %parallel_loop3A_173, %get3A_79 : vector<16xf32>
      %parallel_loop3A_197 = arith.addf %parallel_loop3A_196, %get3A_113 : vector<16xf32>
      %parallel_loop3A_198 = arith.addf %parallel_loop3A_195, %parallel_loop3A_197 : vector<16xf32>
      %parallel_loop3A_199 = arith.constant 48 : i32
      %parallel_loop3A_200 = arith.muli %parallel_loop3A_168, %parallel_loop3A_199 : i32
      %parallel_loop3A_201 = arith.constant 16 : i32
      %parallel_loop3A_202 = arith.addi %parallel_loop3A_200, %parallel_loop3A_201 : i32
      %parallel_loop3A_203 = arith.index_cast %parallel_loop3A_202 : i32 to index
      %parallel_loop3A_204 = tpu.vector_load %arg15[%parallel_loop3A_203] {strides = array<i32>} : memref<9600xf32, #tpu.memory_space<vmem>>, vector<16xf32>,
      tpu.vector_store %arg15[%parallel_loop3A_203], %parallel_loop3A_198 {strides = array<i32>} : memref<9600xf32, #tpu.memory_space<vmem>>, vector<16xf32>,
      %parallel_loop3A_205 = arith.constant 32 : i32
      %parallel_loop3A_206 = vector.broadcast %parallel_loop3A_205 : i32 to vector<16xi32>
      %parallel_loop3A_207 = arith.addi %iota3A, %parallel_loop3A_206 : vector<16xi32>
      %parallel_loop3A_208 = arith.addi %parallel_loop3A_176, %parallel_loop3A_207 : vector<16xi32>
      %parallel_loop3A_209 = tpu.vector_load_idx %arg9[%parallel_loop3A_208] : memref<80080xf32, #tpu.memory_space<vmem>>[vector<16xi32>], vector<16xf32>,
      %parallel_loop3A_210 = arith.mulf %parallel_loop3A_173, %get3A_81 : vector<16xf32>
      %parallel_loop3A_211 = arith.addf %parallel_loop3A_210, %get3A_115 : vector<16xf32>
      %parallel_loop3A_212 = arith.addf %parallel_loop3A_209, %parallel_loop3A_211 : vector<16xf32>
      %parallel_loop3A_213 = arith.constant 48 : i32
      %parallel_loop3A_214 = arith.muli %parallel_loop3A_168, %parallel_loop3A_213 : i32
      %parallel_loop3A_215 = arith.constant 32 : i32
      %parallel_loop3A_216 = arith.addi %parallel_loop3A_214, %parallel_loop3A_215 : i32
      %parallel_loop3A_217 = arith.index_cast %parallel_loop3A_216 : i32 to index
      %parallel_loop3A_218 = tpu.vector_load %arg15[%parallel_loop3A_217] {strides = array<i32>} : memref<9600xf32, #tpu.memory_space<vmem>>, vector<16xf32>,
      tpu.vector_store %arg15[%parallel_loop3A_217], %parallel_loop3A_212 {strides = array<i32>} : memref<9600xf32, #tpu.memory_space<vmem>>, vector<16xf32>,
      %parallel_loop3A_219 = arith.constant 48 : i32
      %parallel_loop3A_220 = vector.broadcast %parallel_loop3A_219 : i32 to vector<16xi32>
      %parallel_loop3A_221 = arith.addi %iota3A, %parallel_loop3A_220 : vector<16xi32>
      %parallel_loop3A_222 = arith.addi %parallel_loop3A_176, %parallel_loop3A_221 : vector<16xi32>
      %parallel_loop3A_223 = tpu.vector_load_idx %arg9[%parallel_loop3A_222] : memref<80080xf32, #tpu.memory_space<vmem>>[vector<16xi32>], vector<16xf32>,
      %parallel_loop3A_224 = arith.mulf %parallel_loop3A_173, %get3A_83 : vector<16xf32>
      %parallel_loop3A_225 = arith.addf %parallel_loop3A_224, %get3A_117 : vector<16xf32>
      %parallel_loop3A_226 = arith.addf %parallel_loop3A_223, %parallel_loop3A_225 : vector<16xf32>
      %parallel_loop3A_227 = arith.constant 32 : i32
      %parallel_loop3A_228 = arith.muli %parallel_loop3A_168, %parallel_loop3A_227 : i32
      %parallel_loop3A_229 = arith.constant 0 : i32
      %parallel_loop3A_230 = arith.addi %parallel_loop3A_228, %parallel_loop3A_229 : i32
      %parallel_loop3A_231 = arith.index_cast %parallel_loop3A_230 : i32 to index
      %parallel_loop3A_232 = tpu.vector_load %arg17[%parallel_loop3A_231] {strides = array<i32>} : memref<6400xf32, #tpu.memory_space<vmem>>, vector<16xf32>,
      tpu.vector_store %arg17[%parallel_loop3A_231], %parallel_loop3A_226 {strides = array<i32>} : memref<6400xf32, #tpu.memory_space<vmem>>, vector<16xf32>,
      %parallel_loop3A_233 = arith.constant 64 : i32
      %parallel_loop3A_234 = vector.broadcast %parallel_loop3A_233 : i32 to vector<16xi32>
      %parallel_loop3A_235 = arith.addi %iota3A, %parallel_loop3A_234 : vector<16xi32>
      %parallel_loop3A_236 = arith.addi %parallel_loop3A_176, %parallel_loop3A_235 : vector<16xi32>
      %parallel_loop3A_237 = tpu.vector_load_idx %arg9[%parallel_loop3A_236] : memref<80080xf32, #tpu.memory_space<vmem>>[vector<16xi32>], vector<16xf32>,
      %parallel_loop3A_238 = arith.mulf %parallel_loop3A_173, %get3A_85 : vector<16xf32>
      %parallel_loop3A_239 = arith.addf %parallel_loop3A_238, %get3A_119 : vector<16xf32>
      %parallel_loop3A_240 = arith.addf %parallel_loop3A_237, %parallel_loop3A_239 : vector<16xf32>
      %parallel_loop3A_241 = arith.constant 32 : i32
      %parallel_loop3A_242 = arith.muli %parallel_loop3A_168, %parallel_loop3A_241 : i32
      %parallel_loop3A_243 = arith.constant 16 : i32
      %parallel_loop3A_244 = arith.addi %parallel_loop3A_242, %parallel_loop3A_243 : i32
      %parallel_loop3A_245 = arith.index_cast %parallel_loop3A_244 : i32 to index
      %parallel_loop3A_246 = tpu.vector_load %arg17[%parallel_loop3A_245] {strides = array<i32>} : memref<6400xf32, #tpu.memory_space<vmem>>, vector<16xf32>,
      tpu.vector_store %arg17[%parallel_loop3A_245], %parallel_loop3A_240 {strides = array<i32>} : memref<6400xf32, #tpu.memory_space<vmem>>, vector<16xf32>,
    } {sc.loop_unroll_factor = 8 : i64, sc.parallel_access}
    %add3A_123 = arith.constant 1 : i32
    %add3A_124 = arith.addi %mul3A_2, %add3A_123 : i32
    %dma_start3A_125 = arith.constant 0 : i32
    %dma_start3A_126 = tpu.memref_slice %arg7[%add3A_124, %dma_start3A_125] : memref<1024x9600xf32, #tpu.memory_space<hbm>> -> memref<1x9600xf32, #tpu.memory_space<hbm>>
    %dma_start3A_127 = tpu.memref_squeeze %dma_start3A_126 : memref<1x9600xf32, #tpu.memory_space<hbm>> -> memref<9600xf32, #tpu.memory_space<hbm>>
    %dma_start3A_128 = arith.constant 0 : i32
    %dma_start3A_129 = tpu.memref_slice %arg7[%add3A_124, %dma_start3A_128] : memref<1024x9600xf32, #tpu.memory_space<hbm>> -> memref<1x9600xf32, #tpu.memory_space<hbm>>
    %dma_start3A_130 = tpu.memref_squeeze %dma_start3A_129 : memref<1x9600xf32, #tpu.memory_space<hbm>> -> memref<9600xf32, #tpu.memory_space<hbm>>
    tpu.enqueue_dma source(%arg15 : memref<9600xf32, #tpu.memory_space<vmem>>) target(%dma_start3A_130 : memref<9600xf32, #tpu.memory_space<hbm>>) target_semaphore(%arg18 : memref<!tpu.dma_semaphore, #tpu.memory_space<semaphore_mem>>)
    %dma_start3A_131 = arith.constant 0 : i32
    %dma_start3A_132 = tpu.memref_slice %arg8[%add3A_124, %dma_start3A_131] : memref<1024x6400xf32, #tpu.memory_space<hbm>> -> memref<1x6400xf32, #tpu.memory_space<hbm>>
    %dma_start3A_133 = tpu.memref_squeeze %dma_start3A_132 : memref<1x6400xf32, #tpu.memory_space<hbm>> -> memref<6400xf32, #tpu.memory_space<hbm>>
    %dma_start3A_134 = arith.constant 0 : i32
    %dma_start3A_135 = tpu.memref_slice %arg8[%add3A_124, %dma_start3A_134] : memref<1024x6400xf32, #tpu.memory_space<hbm>> -> memref<1x6400xf32, #tpu.memory_space<hbm>>
    %dma_start3A_136 = tpu.memref_squeeze %dma_start3A_135 : memref<1x6400xf32, #tpu.memory_space<hbm>> -> memref<6400xf32, #tpu.memory_space<hbm>>
    tpu.enqueue_dma source(%arg17 : memref<6400xf32, #tpu.memory_space<vmem>>) target(%dma_start3A_136 : memref<6400xf32, #tpu.memory_space<hbm>>) target_semaphore(%arg19 : memref<!tpu.dma_semaphore, #tpu.memory_space<semaphore_mem>>)
    %scan3A = arith.constant 0 : i32
    %scan3A_137 = arith.constant 1 : i32
    %scan3A_138 = arith.constant 15 : i32
    %scan3A_139 = arith.addi %scan3A_137, %scan3A_138 : i32
    %scan3A_140 = arith.constant 1 : i32
    scf.for %scan3A_168 = %scan3A_137 to %scan3A_139 step %scan3A_140  : i32 {
      %mul3A_169 = arith.constant 2 : i32
      %mul3A_170 = arith.muli %mul3A_169, %scan3A_168 : i32
      %add3A_171 = arith.addi %mul3A_2, %mul3A_170 : i32
      %dma_wait3A_172 = arith.constant 0 : i32
      %dma_wait3A_173 = tpu.memref_slice %arg7[%add3A_171, %dma_wait3A_172] : memref<1024x9600xf32, #tpu.memory_space<hbm>> -> memref<1x9600xf32, #tpu.memory_space<hbm>>
      %dma_wait3A_174 = tpu.memref_squeeze %dma_wait3A_173 : memref<1x9600xf32, #tpu.memory_space<hbm>> -> memref<9600xf32, #tpu.memory_space<hbm>>
      %dma_wait3A_175 = arith.constant 0 : i32
      %dma_wait3A_176 = tpu.memref_slice %arg7[%add3A_171, %dma_wait3A_175] : memref<1024x9600xf32, #tpu.memory_space<hbm>> -> memref<1x9600xf32, #tpu.memory_space<hbm>>
      %dma_wait3A_177 = tpu.memref_squeeze %dma_wait3A_176 : memref<1x9600xf32, #tpu.memory_space<hbm>> -> memref<9600xf32, #tpu.memory_space<hbm>>
      tpu.wait_dma2 semaphore(%arg18 : memref<!tpu.dma_semaphore, #tpu.memory_space<semaphore_mem>>) src(%arg14 : memref<9600xf32, #tpu.memory_space<vmem>>) dst(%dma_wait3A_177 : memref<9600xf32, #tpu.memory_space<hbm>>)
      %dma_wait3A_178 = arith.constant 0 : i32
      %dma_wait3A_179 = tpu.memref_slice %arg8[%add3A_171, %dma_wait3A_178] : memref<1024x6400xf32, #tpu.memory_space<hbm>> -> memref<1x6400xf32, #tpu.memory_space<hbm>>
      %dma_wait3A_180 = tpu.memref_squeeze %dma_wait3A_179 : memref<1x6400xf32, #tpu.memory_space<hbm>> -> memref<6400xf32, #tpu.memory_space<hbm>>
      %dma_wait3A_181 = arith.constant 0 : i32
      %dma_wait3A_182 = tpu.memref_slice %arg8[%add3A_171, %dma_wait3A_181] : memref<1024x6400xf32, #tpu.memory_space<hbm>> -> memref<1x6400xf32, #tpu.memory_space<hbm>>
      %dma_wait3A_183 = tpu.memref_squeeze %dma_wait3A_182 : memref<1x6400xf32, #tpu.memory_space<hbm>> -> memref<6400xf32, #tpu.memory_space<hbm>>
      tpu.wait_dma2 semaphore(%arg19 : memref<!tpu.dma_semaphore, #tpu.memory_space<semaphore_mem>>) src(%arg16 : memref<6400xf32, #tpu.memory_space<vmem>>) dst(%dma_wait3A_183 : memref<6400xf32, #tpu.memory_space<hbm>>)
      %mul3A_184 = arith.constant 2 : i32
      %mul3A_185 = arith.muli %mul3A_184, %scan3A_168 : i32
      %mul3A_186 = arith.constant 80 : i32
      %mul3A_187 = arith.muli %mul3A_185, %mul3A_186 : i32
      %add3A_188 = arith.constant 0 : i32
      %add3A_189 = arith.addi %mul3A_187, %add3A_188 : i32
      %get3A_190 = arith.index_cast %add3A_189 : i32 to index
      %get3A_191 = tpu.vector_load %arg11[%get3A_190] {strides = array<i32>} : memref<2560xf32, #tpu.memory_space<vmem>>, vector<16xf32>,
      %mul3A_192 = arith.constant 80 : i32
      %mul3A_193 = arith.muli %mul3A_185, %mul3A_192 : i32
      %add3A_194 = arith.constant 16 : i32
      %add3A_195 = arith.addi %mul3A_193, %add3A_194 : i32
      %get3A_196 = arith.index_cast %add3A_195 : i32 to index
      %get3A_197 = tpu.vector_load %arg11[%get3A_196] {strides = array<i32>} : memref<2560xf32, #tpu.memory_space<vmem>>, vector<16xf32>,
      %mul3A_198 = arith.constant 80 : i32
      %mul3A_199 = arith.muli %mul3A_185, %mul3A_198 : i32
      %add3A_200 = arith.constant 32 : i32
      %add3A_201 = arith.addi %mul3A_199, %add3A_200 : i32
      %get3A_202 = arith.index_cast %add3A_201 : i32 to index
      %get3A_203 = tpu.vector_load %arg11[%get3A_202] {strides = array<i32>} : memref<2560xf32, #tpu.memory_space<vmem>>, vector<16xf32>,
      %mul3A_204 = arith.constant 80 : i32
      %mul3A_205 = arith.muli %mul3A_185, %mul3A_204 : i32
      %add3A_206 = arith.constant 48 : i32
      %add3A_207 = arith.addi %mul3A_205, %add3A_206 : i32
      %get3A_208 = arith.index_cast %add3A_207 : i32 to index
      %get3A_209 = tpu.vector_load %arg11[%get3A_208] {strides = array<i32>} : memref<2560xf32, #tpu.memory_space<vmem>>, vector<16xf32>,
      %mul3A_210 = arith.constant 80 : i32
      %mul3A_211 = arith.muli %mul3A_185, %mul3A_210 : i32
      %add3A_212 = arith.constant 64 : i32
      %add3A_213 = arith.addi %mul3A_211, %add3A_212 : i32
      %get3A_214 = arith.index_cast %add3A_213 : i32 to index
      %get3A_215 = tpu.vector_load %arg11[%get3A_214] {strides = array<i32>} : memref<2560xf32, #tpu.memory_space<vmem>>, vector<16xf32>,
      %mul3A_216 = arith.constant 200 : i32
      %mul3A_217 = arith.muli %mul3A_185, %mul3A_216 : i32
      %parallel_loop3A_218 = arith.constant 0 : i32
      %parallel_loop3A_219 = arith.constant 200 : i32
      %parallel_loop3A_220 = arith.constant 1 : i32
      scf.for %parallel_loop3A_300 = %parallel_loop3A_218 to %parallel_loop3A_219 step %parallel_loop3A_220  : i32 {
        %parallel_loop3A_301 = arith.addi %mul3A_217, %parallel_loop3A_300 : i32
        %parallel_loop3A_302 = vector.broadcast %parallel_loop3A_301 : i32 to vector<16xi32>
        %parallel_loop3A_303 = tpu.vector_load_idx %arg13[%parallel_loop3A_302] : memref<6400xi32, #tpu.memory_space<vmem>>[vector<16xi32>], vector<16xi32>,
        %parallel_loop3A_304 = tpu.vector_load_idx %arg12[%parallel_loop3A_302] : memref<6400xf32, #tpu.memory_space<vmem>>[vector<16xi32>], vector<16xf32>,
        %parallel_loop3A_305 = arith.constant 80 : i32
        %parallel_loop3A_306 = vector.broadcast %parallel_loop3A_305 : i32 to vector<16xi32>
        %parallel_loop3A_307 = arith.muli %parallel_loop3A_303, %parallel_loop3A_306 : vector<16xi32>
        %parallel_loop3A_308 = arith.constant 0 : i32
        %parallel_loop3A_309 = vector.broadcast %parallel_loop3A_308 : i32 to vector<16xi32>
        %parallel_loop3A_310 = arith.addi %iota3A, %parallel_loop3A_309 : vector<16xi32>
        %parallel_loop3A_311 = arith.addi %parallel_loop3A_307, %parallel_loop3A_310 : vector<16xi32>
        %parallel_loop3A_312 = tpu.vector_load_idx %arg9[%parallel_loop3A_311] : memref<80080xf32, #tpu.memory_space<vmem>>[vector<16xi32>], vector<16xf32>,
        %parallel_loop3A_313 = arith.mulf %parallel_loop3A_304, %get3A_77 : vector<16xf32>
        %parallel_loop3A_314 = arith.addf %parallel_loop3A_313, %get3A_191 : vector<16xf32>
        %parallel_loop3A_315 = arith.addf %parallel_loop3A_312, %parallel_loop3A_314 : vector<16xf32>
        %parallel_loop3A_316 = arith.constant 48 : i32
        %parallel_loop3A_317 = arith.muli %parallel_loop3A_300, %parallel_loop3A_316 : i32
        %parallel_loop3A_318 = arith.constant 0 : i32
        %parallel_loop3A_319 = arith.addi %parallel_loop3A_317, %parallel_loop3A_318 : i32
        %parallel_loop3A_320 = arith.index_cast %parallel_loop3A_319 : i32 to index
        %parallel_loop3A_321 = tpu.vector_load %arg14[%parallel_loop3A_320] {strides = array<i32>} : memref<9600xf32, #tpu.memory_space<vmem>>, vector<16xf32>,
        tpu.vector_store %arg14[%parallel_loop3A_320], %parallel_loop3A_315 {strides = array<i32>} : memref<9600xf32, #tpu.memory_space<vmem>>, vector<16xf32>,
        %parallel_loop3A_322 = arith.constant 16 : i32
        %parallel_loop3A_323 = vector.broadcast %parallel_loop3A_322 : i32 to vector<16xi32>
        %parallel_loop3A_324 = arith.addi %iota3A, %parallel_loop3A_323 : vector<16xi32>
        %parallel_loop3A_325 = arith.addi %parallel_loop3A_307, %parallel_loop3A_324 : vector<16xi32>
        %parallel_loop3A_326 = tpu.vector_load_idx %arg9[%parallel_loop3A_325] : memref<80080xf32, #tpu.memory_space<vmem>>[vector<16xi32>], vector<16xf32>,
        %parallel_loop3A_327 = arith.mulf %parallel_loop3A_304, %get3A_79 : vector<16xf32>
        %parallel_loop3A_328 = arith.addf %parallel_loop3A_327, %get3A_197 : vector<16xf32>
        %parallel_loop3A_329 = arith.addf %parallel_loop3A_326, %parallel_loop3A_328 : vector<16xf32>
        %parallel_loop3A_330 = arith.constant 48 : i32
        %parallel_loop3A_331 = arith.muli %parallel_loop3A_300, %parallel_loop3A_330 : i32
        %parallel_loop3A_332 = arith.constant 16 : i32
        %parallel_loop3A_333 = arith.addi %parallel_loop3A_331, %parallel_loop3A_332 : i32
        %parallel_loop3A_334 = arith.index_cast %parallel_loop3A_333 : i32 to index
        %parallel_loop3A_335 = tpu.vector_load %arg14[%parallel_loop3A_334] {strides = array<i32>} : memref<9600xf32, #tpu.memory_space<vmem>>, vector<16xf32>,
        tpu.vector_store %arg14[%parallel_loop3A_334], %parallel_loop3A_329 {strides = array<i32>} : memref<9600xf32, #tpu.memory_space<vmem>>, vector<16xf32>,
        %parallel_loop3A_336 = arith.constant 32 : i32
        %parallel_loop3A_337 = vector.broadcast %parallel_loop3A_336 : i32 to vector<16xi32>
        %parallel_loop3A_338 = arith.addi %iota3A, %parallel_loop3A_337 : vector<16xi32>
        %parallel_loop3A_339 = arith.addi %parallel_loop3A_307, %parallel_loop3A_338 : vector<16xi32>
        %parallel_loop3A_340 = tpu.vector_load_idx %arg9[%parallel_loop3A_339] : memref<80080xf32, #tpu.memory_space<vmem>>[vector<16xi32>], vector<16xf32>,
        %parallel_loop3A_341 = arith.mulf %parallel_loop3A_304, %get3A_81 : vector<16xf32>
        %parallel_loop3A_342 = arith.addf %parallel_loop3A_341, %get3A_203 : vector<16xf32>
        %parallel_loop3A_343 = arith.addf %parallel_loop3A_340, %parallel_loop3A_342 : vector<16xf32>
        %parallel_loop3A_344 = arith.constant 48 : i32
        %parallel_loop3A_345 = arith.muli %parallel_loop3A_300, %parallel_loop3A_344 : i32
        %parallel_loop3A_346 = arith.constant 32 : i32
        %parallel_loop3A_347 = arith.addi %parallel_loop3A_345, %parallel_loop3A_346 : i32
        %parallel_loop3A_348 = arith.index_cast %parallel_loop3A_347 : i32 to index
        %parallel_loop3A_349 = tpu.vector_load %arg14[%parallel_loop3A_348] {strides = array<i32>} : memref<9600xf32, #tpu.memory_space<vmem>>, vector<16xf32>,
        tpu.vector_store %arg14[%parallel_loop3A_348], %parallel_loop3A_343 {strides = array<i32>} : memref<9600xf32, #tpu.memory_space<vmem>>, vector<16xf32>,
        %parallel_loop3A_350 = arith.constant 48 : i32
        %parallel_loop3A_351 = vector.broadcast %parallel_loop3A_350 : i32 to vector<16xi32>
        %parallel_loop3A_352 = arith.addi %iota3A, %parallel_loop3A_351 : vector<16xi32>
        %parallel_loop3A_353 = arith.addi %parallel_loop3A_307, %parallel_loop3A_352 : vector<16xi32>
        %parallel_loop3A_354 = tpu.vector_load_idx %arg9[%parallel_loop3A_353] : memref<80080xf32, #tpu.memory_space<vmem>>[vector<16xi32>], vector<16xf32>,
        %parallel_loop3A_355 = arith.mulf %parallel_loop3A_304, %get3A_83 : vector<16xf32>
        %parallel_loop3A_356 = arith.addf %parallel_loop3A_355, %get3A_209 : vector<16xf32>
        %parallel_loop3A_357 = arith.addf %parallel_loop3A_354, %parallel_loop3A_356 : vector<16xf32>
        %parallel_loop3A_358 = arith.constant 32 : i32
        %parallel_loop3A_359 = arith.muli %parallel_loop3A_300, %parallel_loop3A_358 : i32
        %parallel_loop3A_360 = arith.constant 0 : i32
        %parallel_loop3A_361 = arith.addi %parallel_loop3A_359, %parallel_loop3A_360 : i32
        %parallel_loop3A_362 = arith.index_cast %parallel_loop3A_361 : i32 to index
        %parallel_loop3A_363 = tpu.vector_load %arg16[%parallel_loop3A_362] {strides = array<i32>} : memref<6400xf32, #tpu.memory_space<vmem>>, vector<16xf32>,
        tpu.vector_store %arg16[%parallel_loop3A_362], %parallel_loop3A_357 {strides = array<i32>} : memref<6400xf32, #tpu.memory_space<vmem>>, vector<16xf32>,
        %parallel_loop3A_364 = arith.constant 64 : i32
        %parallel_loop3A_365 = vector.broadcast %parallel_loop3A_364 : i32 to vector<16xi32>
        %parallel_loop3A_366 = arith.addi %iota3A, %parallel_loop3A_365 : vector<16xi32>
        %parallel_loop3A_367 = arith.addi %parallel_loop3A_307, %parallel_loop3A_366 : vector<16xi32>
        %parallel_loop3A_368 = tpu.vector_load_idx %arg9[%parallel_loop3A_367] : memref<80080xf32, #tpu.memory_space<vmem>>[vector<16xi32>], vector<16xf32>,
        %parallel_loop3A_369 = arith.mulf %parallel_loop3A_304, %get3A_85 : vector<16xf32>
        %parallel_loop3A_370 = arith.addf %parallel_loop3A_369, %get3A_215 : vector<16xf32>
        %parallel_loop3A_371 = arith.addf %parallel_loop3A_368, %parallel_loop3A_370 : vector<16xf32>
        %parallel_loop3A_372 = arith.constant 32 : i32
        %parallel_loop3A_373 = arith.muli %parallel_loop3A_300, %parallel_loop3A_372 : i32
        %parallel_loop3A_374 = arith.constant 16 : i32
        %parallel_loop3A_375 = arith.addi %parallel_loop3A_373, %parallel_loop3A_374 : i32
        %parallel_loop3A_376 = arith.index_cast %parallel_loop3A_375 : i32 to index
        %parallel_loop3A_377 = tpu.vector_load %arg16[%parallel_loop3A_376] {strides = array<i32>} : memref<6400xf32, #tpu.memory_space<vmem>>, vector<16xf32>,
        tpu.vector_store %arg16[%parallel_loop3A_376], %parallel_loop3A_371 {strides = array<i32>} : memref<6400xf32, #tpu.memory_space<vmem>>, vector<16xf32>,
      } {sc.loop_unroll_factor = 8 : i64, sc.parallel_access}
      %dma_start3A_221 = arith.constant 0 : i32
      %dma_start3A_222 = tpu.memref_slice %arg7[%add3A_171, %dma_start3A_221] : memref<1024x9600xf32, #tpu.memory_space<hbm>> -> memref<1x9600xf32, #tpu.memory_space<hbm>>
      %dma_start3A_223 = tpu.memref_squeeze %dma_start3A_222 : memref<1x9600xf32, #tpu.memory_space<hbm>> -> memref<9600xf32, #tpu.memory_space<hbm>>
      %dma_start3A_224 = arith.constant 0 : i32
      %dma_start3A_225 = tpu.memref_slice %arg7[%add3A_171, %dma_start3A_224] : memref<1024x9600xf32, #tpu.memory_space<hbm>> -> memref<1x9600xf32, #tpu.memory_space<hbm>>
      %dma_start3A_226 = tpu.memref_squeeze %dma_start3A_225 : memref<1x9600xf32, #tpu.memory_space<hbm>> -> memref<9600xf32, #tpu.memory_space<hbm>>
      tpu.enqueue_dma source(%arg14 : memref<9600xf32, #tpu.memory_space<vmem>>) target(%dma_start3A_226 : memref<9600xf32, #tpu.memory_space<hbm>>) target_semaphore(%arg18 : memref<!tpu.dma_semaphore, #tpu.memory_space<semaphore_mem>>)
      %dma_start3A_227 = arith.constant 0 : i32
      %dma_start3A_228 = tpu.memref_slice %arg8[%add3A_171, %dma_start3A_227] : memref<1024x6400xf32, #tpu.memory_space<hbm>> -> memref<1x6400xf32, #tpu.memory_space<hbm>>
      %dma_start3A_229 = tpu.memref_squeeze %dma_start3A_228 : memref<1x6400xf32, #tpu.memory_space<hbm>> -> memref<6400xf32, #tpu.memory_space<hbm>>
      %dma_start3A_230 = arith.constant 0 : i32
      %dma_start3A_231 = tpu.memref_slice %arg8[%add3A_171, %dma_start3A_230] : memref<1024x6400xf32, #tpu.memory_space<hbm>> -> memref<1x6400xf32, #tpu.memory_space<hbm>>
      %dma_start3A_232 = tpu.memref_squeeze %dma_start3A_231 : memref<1x6400xf32, #tpu.memory_space<hbm>> -> memref<6400xf32, #tpu.memory_space<hbm>>
      tpu.enqueue_dma source(%arg16 : memref<6400xf32, #tpu.memory_space<vmem>>) target(%dma_start3A_232 : memref<6400xf32, #tpu.memory_space<hbm>>) target_semaphore(%arg19 : memref<!tpu.dma_semaphore, #tpu.memory_space<semaphore_mem>>)
      %add3A_233 = arith.constant 1 : i32
      %add3A_234 = arith.addi %add3A_171, %add3A_233 : i32
      %dma_wait3A_235 = arith.constant 0 : i32
      %dma_wait3A_236 = tpu.memref_slice %arg7[%add3A_234, %dma_wait3A_235] : memref<1024x9600xf32, #tpu.memory_space<hbm>> -> memref<1x9600xf32, #tpu.memory_space<hbm>>
      %dma_wait3A_237 = tpu.memref_squeeze %dma_wait3A_236 : memref<1x9600xf32, #tpu.memory_space<hbm>> -> memref<9600xf32, #tpu.memory_space<hbm>>
      %dma_wait3A_238 = arith.constant 0 : i32
      %dma_wait3A_239 = tpu.memref_slice %arg7[%add3A_234, %dma_wait3A_238] : memref<1024x9600xf32, #tpu.memory_space<hbm>> -> memref<1x9600xf32, #tpu.memory_space<hbm>>
      %dma_wait3A_240 = tpu.memref_squeeze %dma_wait3A_239 : memref<1x9600xf32, #tpu.memory_space<hbm>> -> memref<9600xf32, #tpu.memory_space<hbm>>
      tpu.wait_dma2 semaphore(%arg18 : memref<!tpu.dma_semaphore, #tpu.memory_space<semaphore_mem>>) src(%arg15 : memref<9600xf32, #tpu.memory_space<vmem>>) dst(%dma_wait3A_240 : memref<9600xf32, #tpu.memory_space<hbm>>)
      %dma_wait3A_241 = arith.constant 0 : i32
      %dma_wait3A_242 = tpu.memref_slice %arg8[%add3A_234, %dma_wait3A_241] : memref<1024x6400xf32, #tpu.memory_space<hbm>> -> memref<1x6400xf32, #tpu.memory_space<hbm>>
      %dma_wait3A_243 = tpu.memref_squeeze %dma_wait3A_242 : memref<1x6400xf32, #tpu.memory_space<hbm>> -> memref<6400xf32, #tpu.memory_space<hbm>>
      %dma_wait3A_244 = arith.constant 0 : i32
      %dma_wait3A_245 = tpu.memref_slice %arg8[%add3A_234, %dma_wait3A_244] : memref<1024x6400xf32, #tpu.memory_space<hbm>> -> memref<1x6400xf32, #tpu.memory_space<hbm>>
      %dma_wait3A_246 = tpu.memref_squeeze %dma_wait3A_245 : memref<1x6400xf32, #tpu.memory_space<hbm>> -> memref<6400xf32, #tpu.memory_space<hbm>>
      tpu.wait_dma2 semaphore(%arg19 : memref<!tpu.dma_semaphore, #tpu.memory_space<semaphore_mem>>) src(%arg17 : memref<6400xf32, #tpu.memory_space<vmem>>) dst(%dma_wait3A_246 : memref<6400xf32, #tpu.memory_space<hbm>>)
      %mul3A_247 = arith.constant 2 : i32
      %mul3A_248 = arith.muli %mul3A_247, %scan3A_168 : i32
      %add3A_249 = arith.constant 1 : i32
      %add3A_250 = arith.addi %mul3A_248, %add3A_249 : i32
      %mul3A_251 = arith.constant 80 : i32
      %mul3A_252 = arith.muli %add3A_250, %mul3A_251 : i32
      %add3A_253 = arith.constant 0 : i32
      %add3A_254 = arith.addi %mul3A_252, %add3A_253 : i32
      %get3A_255 = arith.index_cast %add3A_254 : i32 to index
      %get3A_256 = tpu.vector_load %arg11[%get3A_255] {strides = array<i32>} : memref<2560xf32, #tpu.memory_space<vmem>>, vector<16xf32>,
      %mul3A_257 = arith.constant 80 : i32
      %mul3A_258 = arith.muli %add3A_250, %mul3A_257 : i32
      %add3A_259 = arith.constant 16 : i32
      %add3A_260 = arith.addi %mul3A_258, %add3A_259 : i32
      %get3A_261 = arith.index_cast %add3A_260 : i32 to index
      %get3A_262 = tpu.vector_load %arg11[%get3A_261] {strides = array<i32>} : memref<2560xf32, #tpu.memory_space<vmem>>, vector<16xf32>,
      %mul3A_263 = arith.constant 80 : i32
      %mul3A_264 = arith.muli %add3A_250, %mul3A_263 : i32
      %add3A_265 = arith.constant 32 : i32
      %add3A_266 = arith.addi %mul3A_264, %add3A_265 : i32
      %get3A_267 = arith.index_cast %add3A_266 : i32 to index
      %get3A_268 = tpu.vector_load %arg11[%get3A_267] {strides = array<i32>} : memref<2560xf32, #tpu.memory_space<vmem>>, vector<16xf32>,
      %mul3A_269 = arith.constant 80 : i32
      %mul3A_270 = arith.muli %add3A_250, %mul3A_269 : i32
      %add3A_271 = arith.constant 48 : i32
      %add3A_272 = arith.addi %mul3A_270, %add3A_271 : i32
      %get3A_273 = arith.index_cast %add3A_272 : i32 to index
      %get3A_274 = tpu.vector_load %arg11[%get3A_273] {strides = array<i32>} : memref<2560xf32, #tpu.memory_space<vmem>>, vector<16xf32>,
      %mul3A_275 = arith.constant 80 : i32
      %mul3A_276 = arith.muli %add3A_250, %mul3A_275 : i32
      %add3A_277 = arith.constant 64 : i32
      %add3A_278 = arith.addi %mul3A_276, %add3A_277 : i32
      %get3A_279 = arith.index_cast %add3A_278 : i32 to index
      %get3A_280 = tpu.vector_load %arg11[%get3A_279] {strides = array<i32>} : memref<2560xf32, #tpu.memory_space<vmem>>, vector<16xf32>,
      %mul3A_281 = arith.constant 200 : i32
      %mul3A_282 = arith.muli %add3A_250, %mul3A_281 : i32
      %parallel_loop3A_283 = arith.constant 0 : i32
      %parallel_loop3A_284 = arith.constant 200 : i32
      %parallel_loop3A_285 = arith.constant 1 : i32
      scf.for %parallel_loop3A_300 = %parallel_loop3A_283 to %parallel_loop3A_284 step %parallel_loop3A_285  : i32 {
        %parallel_loop3A_301 = arith.addi %mul3A_282, %parallel_loop3A_300 : i32
        %parallel_loop3A_302 = vector.broadcast %parallel_loop3A_301 : i32 to vector<16xi32>
        %parallel_loop3A_303 = tpu.vector_load_idx %arg13[%parallel_loop3A_302] : memref<6400xi32, #tpu.memory_space<vmem>>[vector<16xi32>], vector<16xi32>,
        %parallel_loop3A_304 = tpu.vector_load_idx %arg12[%parallel_loop3A_302] : memref<6400xf32, #tpu.memory_space<vmem>>[vector<16xi32>], vector<16xf32>,
        %parallel_loop3A_305 = arith.constant 80 : i32
        %parallel_loop3A_306 = vector.broadcast %parallel_loop3A_305 : i32 to vector<16xi32>
        %parallel_loop3A_307 = arith.muli %parallel_loop3A_303, %parallel_loop3A_306 : vector<16xi32>
        %parallel_loop3A_308 = arith.constant 0 : i32
        %parallel_loop3A_309 = vector.broadcast %parallel_loop3A_308 : i32 to vector<16xi32>
        %parallel_loop3A_310 = arith.addi %iota3A, %parallel_loop3A_309 : vector<16xi32>
        %parallel_loop3A_311 = arith.addi %parallel_loop3A_307, %parallel_loop3A_310 : vector<16xi32>
        %parallel_loop3A_312 = tpu.vector_load_idx %arg9[%parallel_loop3A_311] : memref<80080xf32, #tpu.memory_space<vmem>>[vector<16xi32>], vector<16xf32>,
        %parallel_loop3A_313 = arith.mulf %parallel_loop3A_304, %get3A_77 : vector<16xf32>
        %parallel_loop3A_314 = arith.addf %parallel_loop3A_313, %get3A_256 : vector<16xf32>
        %parallel_loop3A_315 = arith.addf %parallel_loop3A_312, %parallel_loop3A_314 : vector<16xf32>
        %parallel_loop3A_316 = arith.constant 48 : i32
        %parallel_loop3A_317 = arith.muli %parallel_loop3A_300, %parallel_loop3A_316 : i32
        %parallel_loop3A_318 = arith.constant 0 : i32
        %parallel_loop3A_319 = arith.addi %parallel_loop3A_317, %parallel_loop3A_318 : i32
        %parallel_loop3A_320 = arith.index_cast %parallel_loop3A_319 : i32 to index
        %parallel_loop3A_321 = tpu.vector_load %arg15[%parallel_loop3A_320] {strides = array<i32>} : memref<9600xf32, #tpu.memory_space<vmem>>, vector<16xf32>,
        tpu.vector_store %arg15[%parallel_loop3A_320], %parallel_loop3A_315 {strides = array<i32>} : memref<9600xf32, #tpu.memory_space<vmem>>, vector<16xf32>,
        %parallel_loop3A_322 = arith.constant 16 : i32
        %parallel_loop3A_323 = vector.broadcast %parallel_loop3A_322 : i32 to vector<16xi32>
        %parallel_loop3A_324 = arith.addi %iota3A, %parallel_loop3A_323 : vector<16xi32>
        %parallel_loop3A_325 = arith.addi %parallel_loop3A_307, %parallel_loop3A_324 : vector<16xi32>
        %parallel_loop3A_326 = tpu.vector_load_idx %arg9[%parallel_loop3A_325] : memref<80080xf32, #tpu.memory_space<vmem>>[vector<16xi32>], vector<16xf32>,
        %parallel_loop3A_327 = arith.mulf %parallel_loop3A_304, %get3A_79 : vector<16xf32>
        %parallel_loop3A_328 = arith.addf %parallel_loop3A_327, %get3A_262 : vector<16xf32>
        %parallel_loop3A_329 = arith.addf %parallel_loop3A_326, %parallel_loop3A_328 : vector<16xf32>
        %parallel_loop3A_330 = arith.constant 48 : i32
        %parallel_loop3A_331 = arith.muli %parallel_loop3A_300, %parallel_loop3A_330 : i32
        %parallel_loop3A_332 = arith.constant 16 : i32
        %parallel_loop3A_333 = arith.addi %parallel_loop3A_331, %parallel_loop3A_332 : i32
        %parallel_loop3A_334 = arith.index_cast %parallel_loop3A_333 : i32 to index
        %parallel_loop3A_335 = tpu.vector_load %arg15[%parallel_loop3A_334] {strides = array<i32>} : memref<9600xf32, #tpu.memory_space<vmem>>, vector<16xf32>,
        tpu.vector_store %arg15[%parallel_loop3A_334], %parallel_loop3A_329 {strides = array<i32>} : memref<9600xf32, #tpu.memory_space<vmem>>, vector<16xf32>,
        %parallel_loop3A_336 = arith.constant 32 : i32
        %parallel_loop3A_337 = vector.broadcast %parallel_loop3A_336 : i32 to vector<16xi32>
        %parallel_loop3A_338 = arith.addi %iota3A, %parallel_loop3A_337 : vector<16xi32>
        %parallel_loop3A_339 = arith.addi %parallel_loop3A_307, %parallel_loop3A_338 : vector<16xi32>
        %parallel_loop3A_340 = tpu.vector_load_idx %arg9[%parallel_loop3A_339] : memref<80080xf32, #tpu.memory_space<vmem>>[vector<16xi32>], vector<16xf32>,
        %parallel_loop3A_341 = arith.mulf %parallel_loop3A_304, %get3A_81 : vector<16xf32>
        %parallel_loop3A_342 = arith.addf %parallel_loop3A_341, %get3A_268 : vector<16xf32>
        %parallel_loop3A_343 = arith.addf %parallel_loop3A_340, %parallel_loop3A_342 : vector<16xf32>
        %parallel_loop3A_344 = arith.constant 48 : i32
        %parallel_loop3A_345 = arith.muli %parallel_loop3A_300, %parallel_loop3A_344 : i32
        %parallel_loop3A_346 = arith.constant 32 : i32
        %parallel_loop3A_347 = arith.addi %parallel_loop3A_345, %parallel_loop3A_346 : i32
        %parallel_loop3A_348 = arith.index_cast %parallel_loop3A_347 : i32 to index
        %parallel_loop3A_349 = tpu.vector_load %arg15[%parallel_loop3A_348] {strides = array<i32>} : memref<9600xf32, #tpu.memory_space<vmem>>, vector<16xf32>,
        tpu.vector_store %arg15[%parallel_loop3A_348], %parallel_loop3A_343 {strides = array<i32>} : memref<9600xf32, #tpu.memory_space<vmem>>, vector<16xf32>,
        %parallel_loop3A_350 = arith.constant 48 : i32
        %parallel_loop3A_351 = vector.broadcast %parallel_loop3A_350 : i32 to vector<16xi32>
        %parallel_loop3A_352 = arith.addi %iota3A, %parallel_loop3A_351 : vector<16xi32>
        %parallel_loop3A_353 = arith.addi %parallel_loop3A_307, %parallel_loop3A_352 : vector<16xi32>
        %parallel_loop3A_354 = tpu.vector_load_idx %arg9[%parallel_loop3A_353] : memref<80080xf32, #tpu.memory_space<vmem>>[vector<16xi32>], vector<16xf32>,
        %parallel_loop3A_355 = arith.mulf %parallel_loop3A_304, %get3A_83 : vector<16xf32>
        %parallel_loop3A_356 = arith.addf %parallel_loop3A_355, %get3A_274 : vector<16xf32>
        %parallel_loop3A_357 = arith.addf %parallel_loop3A_354, %parallel_loop3A_356 : vector<16xf32>
        %parallel_loop3A_358 = arith.constant 32 : i32
        %parallel_loop3A_359 = arith.muli %parallel_loop3A_300, %parallel_loop3A_358 : i32
        %parallel_loop3A_360 = arith.constant 0 : i32
        %parallel_loop3A_361 = arith.addi %parallel_loop3A_359, %parallel_loop3A_360 : i32
        %parallel_loop3A_362 = arith.index_cast %parallel_loop3A_361 : i32 to index
        %parallel_loop3A_363 = tpu.vector_load %arg17[%parallel_loop3A_362] {strides = array<i32>} : memref<6400xf32, #tpu.memory_space<vmem>>, vector<16xf32>,
        tpu.vector_store %arg17[%parallel_loop3A_362], %parallel_loop3A_357 {strides = array<i32>} : memref<6400xf32, #tpu.memory_space<vmem>>, vector<16xf32>,
        %parallel_loop3A_364 = arith.constant 64 : i32
        %parallel_loop3A_365 = vector.broadcast %parallel_loop3A_364 : i32 to vector<16xi32>
        %parallel_loop3A_366 = arith.addi %iota3A, %parallel_loop3A_365 : vector<16xi32>
        %parallel_loop3A_367 = arith.addi %parallel_loop3A_307, %parallel_loop3A_366 : vector<16xi32>
        %parallel_loop3A_368 = tpu.vector_load_idx %arg9[%parallel_loop3A_367] : memref<80080xf32, #tpu.memory_space<vmem>>[vector<16xi32>], vector<16xf32>,
        %parallel_loop3A_369 = arith.mulf %parallel_loop3A_304, %get3A_85 : vector<16xf32>
        %parallel_loop3A_370 = arith.addf %parallel_loop3A_369, %get3A_280 : vector<16xf32>
        %parallel_loop3A_371 = arith.addf %parallel_loop3A_368, %parallel_loop3A_370 : vector<16xf32>
        %parallel_loop3A_372 = arith.constant 32 : i32
        %parallel_loop3A_373 = arith.muli %parallel_loop3A_300, %parallel_loop3A_372 : i32
        %parallel_loop3A_374 = arith.constant 16 : i32
        %parallel_loop3A_375 = arith.addi %parallel_loop3A_373, %parallel_loop3A_374 : i32
        %parallel_loop3A_376 = arith.index_cast %parallel_loop3A_375 : i32 to index
        %parallel_loop3A_377 = tpu.vector_load %arg17[%parallel_loop3A_376] {strides = array<i32>} : memref<6400xf32, #tpu.memory_space<vmem>>, vector<16xf32>,
        tpu.vector_store %arg17[%parallel_loop3A_376], %parallel_loop3A_371 {strides = array<i32>} : memref<6400xf32, #tpu.memory_space<vmem>>, vector<16xf32>,
      } {sc.loop_unroll_factor = 8 : i64, sc.parallel_access}
      %add3A_286 = arith.constant 1 : i32
      %add3A_287 = arith.addi %add3A_171, %add3A_286 : i32
      %dma_start3A_288 = arith.constant 0 : i32
      %dma_start3A_289 = tpu.memref_slice %arg7[%add3A_287, %dma_start3A_288] : memref<1024x9600xf32, #tpu.memory_space<hbm>> -> memref<1x9600xf32, #tpu.memory_space<hbm>>
      %dma_start3A_290 = tpu.memref_squeeze %dma_start3A_289 : memref<1x9600xf32, #tpu.memory_space<hbm>> -> memref<9600xf32, #tpu.memory_space<hbm>>
      %dma_start3A_291 = arith.constant 0 : i32
      %dma_start3A_292 = tpu.memref_slice %arg7[%add3A_287, %dma_start3A_291] : memref<1024x9600xf32, #tpu.memory_space<hbm>> -> memref<1x9600xf32, #tpu.memory_space<hbm>>
      %dma_start3A_293 = tpu.memref_squeeze %dma_start3A_292 : memref<1x9600xf32, #tpu.memory_space<hbm>> -> memref<9600xf32, #tpu.memory_space<hbm>>
      tpu.enqueue_dma source(%arg15 : memref<9600xf32, #tpu.memory_space<vmem>>) target(%dma_start3A_293 : memref<9600xf32, #tpu.memory_space<hbm>>) target_semaphore(%arg18 : memref<!tpu.dma_semaphore, #tpu.memory_space<semaphore_mem>>)
      %dma_start3A_294 = arith.constant 0 : i32
      %dma_start3A_295 = tpu.memref_slice %arg8[%add3A_287, %dma_start3A_294] : memref<1024x6400xf32, #tpu.memory_space<hbm>> -> memref<1x6400xf32, #tpu.memory_space<hbm>>
      %dma_start3A_296 = tpu.memref_squeeze %dma_start3A_295 : memref<1x6400xf32, #tpu.memory_space<hbm>> -> memref<6400xf32, #tpu.memory_space<hbm>>
      %dma_start3A_297 = arith.constant 0 : i32
      %dma_start3A_298 = tpu.memref_slice %arg8[%add3A_287, %dma_start3A_297] : memref<1024x6400xf32, #tpu.memory_space<hbm>> -> memref<1x6400xf32, #tpu.memory_space<hbm>>
      %dma_start3A_299 = tpu.memref_squeeze %dma_start3A_298 : memref<1x6400xf32, #tpu.memory_space<hbm>> -> memref<6400xf32, #tpu.memory_space<hbm>>
      tpu.enqueue_dma source(%arg17 : memref<6400xf32, #tpu.memory_space<vmem>>) target(%dma_start3A_299 : memref<6400xf32, #tpu.memory_space<hbm>>) target_semaphore(%arg19 : memref<!tpu.dma_semaphore, #tpu.memory_space<semaphore_mem>>)
    }
    %scan3A_141 = arith.constant 15 : i32
    %dma_wait3A_142 = arith.constant 0 : i32
    %dma_wait3A_143 = tpu.memref_slice %arg7[%mul3A_2, %dma_wait3A_142] : memref<1024x9600xf32, #tpu.memory_space<hbm>> -> memref<1x9600xf32, #tpu.memory_space<hbm>>
    %dma_wait3A_144 = tpu.memref_squeeze %dma_wait3A_143 : memref<1x9600xf32, #tpu.memory_space<hbm>> -> memref<9600xf32, #tpu.memory_space<hbm>>
    %dma_wait3A_145 = arith.constant 0 : i32
    %dma_wait3A_146 = tpu.memref_slice %arg7[%mul3A_2, %dma_wait3A_145] : memref<1024x9600xf32, #tpu.memory_space<hbm>> -> memref<1x9600xf32, #tpu.memory_space<hbm>>
    %dma_wait3A_147 = tpu.memref_squeeze %dma_wait3A_146 : memref<1x9600xf32, #tpu.memory_space<hbm>> -> memref<9600xf32, #tpu.memory_space<hbm>>
    tpu.wait_dma2 semaphore(%arg18 : memref<!tpu.dma_semaphore, #tpu.memory_space<semaphore_mem>>) src(%arg14 : memref<9600xf32, #tpu.memory_space<vmem>>) dst(%dma_wait3A_147 : memref<9600xf32, #tpu.memory_space<hbm>>)
    %dma_wait3A_148 = arith.constant 0 : i32
    %dma_wait3A_149 = tpu.memref_slice %arg8[%mul3A_2, %dma_wait3A_148] : memref<1024x6400xf32, #tpu.memory_space<hbm>> -> memref<1x6400xf32, #tpu.memory_space<hbm>>
    %dma_wait3A_150 = tpu.memref_squeeze %dma_wait3A_149 : memref<1x6400xf32, #tpu.memory_space<hbm>> -> memref<6400xf32, #tpu.memory_space<hbm>>
    %dma_wait3A_151 = arith.constant 0 : i32
    %dma_wait3A_152 = tpu.memref_slice %arg8[%mul3A_2, %dma_wait3A_151] : memref<1024x6400xf32, #tpu.memory_space<hbm>> -> memref<1x6400xf32, #tpu.memory_space<hbm>>
    %dma_wait3A_153 = tpu.memref_squeeze %dma_wait3A_152 : memref<1x6400xf32, #tpu.memory_space<hbm>> -> memref<6400xf32, #tpu.memory_space<hbm>>
    tpu.wait_dma2 semaphore(%arg19 : memref<!tpu.dma_semaphore, #tpu.memory_space<semaphore_mem>>) src(%arg16 : memref<6400xf32, #tpu.memory_space<vmem>>) dst(%dma_wait3A_153 : memref<6400xf32, #tpu.memory_space<hbm>>)
    %add3A_154 = arith.constant 1 : i32
    %add3A_155 = arith.addi %mul3A_2, %add3A_154 : i32
    %dma_wait3A_156 = arith.constant 0 : i32
    %dma_wait3A_157 = tpu.memref_slice %arg7[%add3A_155, %dma_wait3A_156] : memref<1024x9600xf32, #tpu.memory_space<hbm>> -> memref<1x9600xf32, #tpu.memory_space<hbm>>
    %dma_wait3A_158 = tpu.memref_squeeze %dma_wait3A_157 : memref<1x9600xf32, #tpu.memory_space<hbm>> -> memref<9600xf32, #tpu.memory_space<hbm>>
    %dma_wait3A_159 = arith.constant 0 : i32
    %dma_wait3A_160 = tpu.memref_slice %arg7[%add3A_155, %dma_wait3A_159] : memref<1024x9600xf32, #tpu.memory_space<hbm>> -> memref<1x9600xf32, #tpu.memory_space<hbm>>
    %dma_wait3A_161 = tpu.memref_squeeze %dma_wait3A_160 : memref<1x9600xf32, #tpu.memory_space<hbm>> -> memref<9600xf32, #tpu.memory_space<hbm>>
    tpu.wait_dma2 semaphore(%arg18 : memref<!tpu.dma_semaphore, #tpu.memory_space<semaphore_mem>>) src(%arg15 : memref<9600xf32, #tpu.memory_space<vmem>>) dst(%dma_wait3A_161 : memref<9600xf32, #tpu.memory_space<hbm>>)
    %dma_wait3A_162 = arith.constant 0 : i32
    %dma_wait3A_163 = tpu.memref_slice %arg8[%add3A_155, %dma_wait3A_162] : memref<1024x6400xf32, #tpu.memory_space<hbm>> -> memref<1x6400xf32, #tpu.memory_space<hbm>>
    %dma_wait3A_164 = tpu.memref_squeeze %dma_wait3A_163 : memref<1x6400xf32, #tpu.memory_space<hbm>> -> memref<6400xf32, #tpu.memory_space<hbm>>
    %dma_wait3A_165 = arith.constant 0 : i32
    %dma_wait3A_166 = tpu.memref_slice %arg8[%add3A_155, %dma_wait3A_165] : memref<1024x6400xf32, #tpu.memory_space<hbm>> -> memref<1x6400xf32, #tpu.memory_space<hbm>>
    %dma_wait3A_167 = tpu.memref_squeeze %dma_wait3A_166 : memref<1x6400xf32, #tpu.memory_space<hbm>> -> memref<6400xf32, #tpu.memory_space<hbm>>
    tpu.wait_dma2 semaphore(%arg19 : memref<!tpu.dma_semaphore, #tpu.memory_space<semaphore_mem>>) src(%arg17 : memref<6400xf32, #tpu.memory_space<vmem>>) dst(%dma_wait3A_167 : memref<6400xf32, #tpu.memory_space<hbm>>)
    return
  }
}

module attributes {stable_mosaic.version = 14 : i64} {
  func.func @_tc_precompute(%arg0: memref<1001x128xf32, #tpu.memory_space<vmem>>, %arg1: memref<1000x16xf32, #tpu.memory_space<vmem>>, %arg2: memref<1000x8xf32, #tpu.memory_space<vmem>>, %arg3: memref<1024x1xi32, #tpu.memory_space<vmem>>, %arg4: memref<1024x1xi32, #tpu.memory_space<vmem>>, %arg5: memref<153x80xf32, #tpu.memory_space<vmem>>, %arg6: memref<1x80xf32, #tpu.memory_space<vmem>>, %arg7: memref<1001x80xf32, #tpu.memory_space<vmem>>, %arg8: memref<1024x80xf32, #tpu.memory_space<vmem>>) attributes {dimension_semantics = [], scalar_prefetch = 0 : i64, scratch_operands = 0 : i64, tpu.core_type = #tpu.core_type<tc>} {
    %get3A = arith.constant 0 : index
    %get3A_0 = arith.constant 0 : index
    %get3A_1 = vector.load %arg5[%get3A, %get3A_0] : memref<153x80xf32, #tpu.memory_space<vmem>>, vector<153x80xf32>
    %get3A_2 = arith.constant 0 : index
    %get3A_3 = arith.constant 0 : index
    %get3A_4 = vector.load %arg0[%get3A_2, %get3A_3] : memref<1001x128xf32, #tpu.memory_space<vmem>>, vector<1001x128xf32>
    %slice3A = vector.extract_strided_slice %get3A_1 {offsets = [1, 0], sizes = [128, 80], strides = [1, 1]} : vector<153x80xf32> to vector<128x80xf32>
    %dot_general3A = arith.constant dense<0.000000e+00> : vector<1001x80xf32>
    %dot_general3A_5 = tpu.matmul %get3A_4, %slice3A, %dot_general3A {dimension_numbers = #tpu.dot_dimension_numbers<[1], [0], [0], [1], [0, 0, 1, 1], [], []>, precision = #tpu.contract_precision<fp32>, transpose_lhs_hint = false} : vector<1001x128xf32>, vector<128x80xf32>, vector<1001x80xf32> -> vector<1001x80xf32>
    %swap3A = arith.constant 0 : index
    %swap3A_6 = arith.constant 0 : index
    %swap3A_7 = vector.load %arg7[%swap3A, %swap3A_6] : memref<1001x80xf32, #tpu.memory_space<vmem>>, vector<1001x80xf32>
    tpu.vector_store %arg7[%swap3A, %swap3A_6], %dot_general3A_5 {strides = array<i32>} : memref<1001x80xf32, #tpu.memory_space<vmem>>, vector<1001x80xf32>,
    %get3A_8 = arith.constant 0 : index
    %get3A_9 = arith.constant 0 : index
    %get3A_10 = vector.load %arg1[%get3A_8, %get3A_9] : memref<1000x16xf32, #tpu.memory_space<vmem>>, vector<1000x16xf32>
    %slice3A_11 = vector.extract_strided_slice %get3A_1 {offsets = [129, 0], sizes = [16, 80], strides = [1, 1]} : vector<153x80xf32> to vector<16x80xf32>
    %dot_general3A_12 = arith.constant dense<0.000000e+00> : vector<1000x80xf32>
    %dot_general3A_13 = tpu.matmul %get3A_10, %slice3A_11, %dot_general3A_12 {dimension_numbers = #tpu.dot_dimension_numbers<[1], [0], [0], [1], [0, 0, 1, 1], [], []>, precision = #tpu.contract_precision<fp32>, transpose_lhs_hint = false} : vector<1000x16xf32>, vector<16x80xf32>, vector<1000x80xf32> -> vector<1000x80xf32>
    %get3A_14 = arith.constant 0 : index
    %get3A_15 = arith.constant 0 : index
    %get3A_16 = vector.load %arg2[%get3A_14, %get3A_15] : memref<1000x8xf32, #tpu.memory_space<vmem>>, vector<1000x8xf32>
    %slice3A_17 = vector.extract_strided_slice %get3A_1 {offsets = [145, 0], sizes = [8, 80], strides = [1, 1]} : vector<153x80xf32> to vector<8x80xf32>
    %dot_general3A_18 = arith.constant dense<0.000000e+00> : vector<1000x80xf32>
    %dot_general3A_19 = tpu.matmul %get3A_16, %slice3A_17, %dot_general3A_18 {dimension_numbers = #tpu.dot_dimension_numbers<[1], [0], [0], [1], [0, 0, 1, 1], [], []>, precision = #tpu.contract_precision<fp32>, transpose_lhs_hint = false} : vector<1000x8xf32>, vector<8x80xf32>, vector<1000x80xf32> -> vector<1000x80xf32>
    %iota3A = tpu.iota {dimensions = array<i32: 1>} : vector<1024x1000xi32>
    %get3A_20 = arith.constant 0 : index
    %get3A_21 = arith.constant 0 : index
    %get3A_22 = vector.load %arg3[%get3A_20, %get3A_21] : memref<1024x1xi32, #tpu.memory_space<vmem>>, vector<1024x1xi32>
    %eq3A = vector.broadcast %get3A_22 : vector<1024x1xi32> to vector<1024x1000xi32>
    %eq3A_23 = arith.cmpi eq, %eq3A, %iota3A : vector<1024x1000xi32>
    %convert_element_type3A = arith.extui %eq3A_23 : vector<1024x1000xi1> to vector<1024x1000xi32>
    %convert_element_type3A_24 = arith.sitofp %convert_element_type3A : vector<1024x1000xi32> to vector<1024x1000xf32>
    %get3A_25 = arith.constant 0 : index
    %get3A_26 = arith.constant 0 : index
    %get3A_27 = vector.load %arg4[%get3A_25, %get3A_26] : memref<1024x1xi32, #tpu.memory_space<vmem>>, vector<1024x1xi32>
    %eq3A_28 = vector.broadcast %get3A_27 : vector<1024x1xi32> to vector<1024x1000xi32>
    %eq3A_29 = arith.cmpi eq, %eq3A_28, %iota3A : vector<1024x1000xi32>
    %convert_element_type3A_30 = arith.extui %eq3A_29 : vector<1024x1000xi1> to vector<1024x1000xi32>
    %convert_element_type3A_31 = arith.sitofp %convert_element_type3A_30 : vector<1024x1000xi32> to vector<1024x1000xf32>
    %dot_general3A_32 = arith.constant dense<0.000000e+00> : vector<1024x80xf32>
    %dot_general3A_33 = tpu.matmul %convert_element_type3A_24, %dot_general3A_13, %dot_general3A_32 {dimension_numbers = #tpu.dot_dimension_numbers<[1], [0], [0], [1], [0, 0, 1, 1], [], []>, precision = #tpu.contract_precision<fp32>, transpose_lhs_hint = false} : vector<1024x1000xf32>, vector<1000x80xf32>, vector<1024x80xf32> -> vector<1024x80xf32>
    %dot_general3A_34 = arith.constant dense<0.000000e+00> : vector<1024x80xf32>
    %dot_general3A_35 = tpu.matmul %convert_element_type3A_31, %dot_general3A_19, %dot_general3A_34 {dimension_numbers = #tpu.dot_dimension_numbers<[1], [0], [0], [1], [0, 0, 1, 1], [], []>, precision = #tpu.contract_precision<fp32>, transpose_lhs_hint = false} : vector<1024x1000xf32>, vector<1000x80xf32>, vector<1024x80xf32> -> vector<1024x80xf32>
    %add3A = arith.addf %dot_general3A_33, %dot_general3A_35 : vector<1024x80xf32>
    %get3A_36 = arith.constant 0 : index
    %get3A_37 = arith.constant 0 : index
    %get3A_38 = vector.load %arg6[%get3A_36, %get3A_37] : memref<1x80xf32, #tpu.memory_space<vmem>>, vector<1x80xf32>
    %add3A_39 = vector.broadcast %get3A_38 : vector<1x80xf32> to vector<1024x80xf32>
    %add3A_40 = arith.addf %add3A, %add3A_39 : vector<1024x80xf32>
    %swap3A_41 = arith.constant 0 : index
    %swap3A_42 = arith.constant 0 : index
    %swap3A_43 = vector.load %arg8[%swap3A_41, %swap3A_42] : memref<1024x80xf32, #tpu.memory_space<vmem>>, vector<1024x80xf32>
    tpu.vector_store %arg8[%swap3A_41, %swap3A_42], %add3A_40 {strides = array<i32>} : memref<1024x80xf32, #tpu.memory_space<vmem>>, vector<1024x80xf32>,
    return
  }
}

</mosaic_0001>

<sc_bundles>
// kernel: kernel.4.cloned.1.call-start
scs
__scs_entry_jumppad:
0x0: {  	(pc) =	sbr.rel $0x88, $3  }
0x1: {  	(tag) =	ssettag $0x0;
	lr =	simm.s32 $0x1  }
0x2: {  	[smem:$0x3F98] =	sst lr;
	_ =	strace $0xD0000000  }
0x3: {  	_ = 	snop  }
0x4: {  	_ = 	snop  }
0x5: {  	_ = 	snop  }
0x6: {  	_ = 	snop  }
0x7: {  	_ = 	snop  }
__scs_overlays_trampoline_lowered:
0x8: {  	[smem:$0x3FA7] =	sst s0  }
0x9: {  	[smem:$0x3FA8] =	sst s1  }
0xa: {  	[smem:$0x3FA9] =	sst s2  }
0xb: {  	[smem:$0x3FAA] =	sst s3  }
0xc: {  	[smem:$0x3FAB] =	sst s4  }
0xd: {  	[smem:$0x3FAC] =	sst s5  }
0xe: {  	[smem:$0x3FAD] =	sst s6  }
0xf: {  	[smem:$0x3FAE] =	sst s7  }
0x10: {  	[smem:$0x3FAF] =	sst s8  }
0x11: {  	[smem:$0x3FB0] =	sst s9;
	s0 =	simm.s32 @!p0 $0x0  }
0x12: {  	s1 =	sld [smem:$0x3F96];
	s0 =	simm.s32 @p0 $0x1  }
0x13: {  	[smem:$0x3FB1] =	sst s0;
	s0 =	simm.s32 @!p1 $0x0  }
0x14: {  	s2 =	sld [smem:$0x3F95];
	s0 =	simm.s32 @p1 $0x1  }
0x15: {  	[smem:$0x3FB2] =	sst s0;
	s0 =	simm.s32 @!p2 $0x0  }
0x16: {  	s3 =	sld [smem:$0x3FDB];
	s0 =	simm.s32 @p2 $0x1  }
0x17: {  	s4 =	simm.s32 $0x1BF5;
	[smem:$0x3FB4] =	sst s0  }
0x18: {  	s0 =	sld [smem:$0x3F97];
	_ =	swait.ge [sflag:s4], $0x0  }
0x19: {  	s7 =	sld [smem:$0x3F98]  }
0x1a: {  	s8 =	sadd.s32 $0xFFFFE003, lr  }
0x1b: {  	s9 =	sadd.s32 $0xFFFFFEF7, lr;
	s5 =	simm.s32 $0xFFFFFFFF;
	p2 =	slt.u32 s8, $0xFFFFF086  }
0x1c: {  	p1 =	slt.u32 s9, $0xF7A;
	s5 =	simm.s32 @!p2 $0x0  }
0x1d: {  	s5 =	simm.s32 @p1 $0x1;
	p0 =	seq.s32 s7, s2  }
0x1e: {  	s7 =	smul.u32 @!p0 $0xF7A, s2;
	p2 =	seq.s32 @!p0 s5, $0x0  }
0x1f: {  	s9 =	smul.u32 $0xF7A, s1;
	s8 =	simm.s32 @!p0 $0x1BF5;
	p2 =	por !p2, p0  }
0x20: {  	[sflag:s8] =	ssyncset.s32 @!p0 $0xFFFFF086;
	s6 =	sadd.s32 @!p0 s3, s7;
	s7 =	simm.s32 @!p0 $0x108  }
0x21: {  	s3 =	sadd.s32 s3, s9;
	s6 =	sadd.s32 @!p0 $0x88, s6;
	s7 =	simm.s32 @p2 $0x1082  }
0x22: {  	[simem:s7], [sflag:s8] =	dma.local @!p0 [hbm:s6], $0xF7A  }
0x23: {  	s9 =	sor.u32 $0xD0000000, s2;
	s6 =	simm.s32 $0x108;
	_ =	swait.ge @!p0 [sflag:s8], $0x0  }
0x24: {  	s3 =	sadd.s32 $0x88, s3;
	s6 =	simm.s32 @!p1 $0x1082;
	[sflag:s4] =	ssyncset.s32 $0xFFFFF086  }
0x25: {  	[simem:s6], [sflag:s4] =	dma.local [hbm:s3], $0xF7A  }
0x26: {  	[smem:$0x3F98] =	sst s1;
	(tag) =	ssettag s2;
	_ =	strace s9  }
0x27: {  	s1 =	sld [smem:$0x3FA8]  }
0x28: {  	s2 =	sld [smem:$0x3FA9]  }
0x29: {  	s4 =	sld [smem:$0x3FAB]  }
0x2a: {  	p0 =	seq.s32 s5, $0x0;
	s5 =	sld [smem:$0x3FAC]  }
0x2b: {  	s6 =	sld [smem:$0x3FAD]  }
0x2c: {  	s7 =	sld [smem:$0x3FAE]  }
0x2d: {  	s3 =	simm.s32 $0x108;
	s8 =	sld [smem:$0x3FAF]  }
0x2e: {  	s3 =	simm.s32 @!p0 $0x1082;
	s9 =	sld [smem:$0x3FB0]  }
0x2f: {  	lr =	sadd.s32 s0, s3;
	s0 =	sld [smem:$0x3FA7]  }
0x30: {  	s3 =	sld [smem:$0x3FAA]  }
0x31: {  	[smem:$0x3FB3] =	sst s10  }
0x32: {  	s10 =	sld [smem:$0x3FB1];
	_ =	sdelay $0x3  }
0x33: {  	p0 =	seq.s32 s10, $0x1;
	s10 =	sld [smem:$0x3FB3];
	_ =	sdelay $0x3  }
0x34: {  	[smem:$0x3FB3] =	sst s10  }
0x35: {  	s10 =	sld [smem:$0x3FB2];
	_ =	sdelay $0x3  }
0x36: {  	p1 =	seq.s32 s10, $0x1;
	s10 =	sld [smem:$0x3FB3];
	_ =	sdelay $0x3  }
0x37: {  	[smem:$0x3FB3] =	sst s10  }
0x38: {  	s10 =	sld [smem:$0x3FB4]  }
0x39: {  	_ = 	snop;
	(pc) =	sbr.ind lr, $3  }
0x3a: {  	_ = 	snop  }
0x3b: {  	_ = 	snop  }
0x3c: {  	p2 =	seq.s32 s10, $0x1;
	s10 =	sld [smem:$0x3FB3]  }
0x3d: {  	_ =	shalt  }
0x3e: {  	_ =	shalt  }
0x3f: {  	_ =	shalt  }
0x40: {  	_ =	shalt  }
0x41: {  	_ =	shalt  }
0x42: {  	_ =	shalt  }
0x43: {  	_ =	shalt  }
0x44: {  	_ =	shalt  }
0x45: {  	_ =	shalt  }
0x46: {  	_ =	shalt  }
0x47: {  	_ =	shalt  }
0x48: {  	_ =	shalt  }
0x49: {  	_ =	shalt  }
0x4a: {  	_ =	shalt  }
0x4b: {  	_ =	shalt  }
0x4c: {  	_ =	shalt  }
0x4d: {  	_ =	shalt  }
0x4e: {  	_ =	shalt  }
0x4f: {  	_ =	shalt  }
0x50: {  	_ =	shalt  }
0x51: {  	_ =	shalt  }
0x52: {  	_ =	shalt  }
0x53: {  	_ =	shalt  }
0x54: {  	_ =	shalt  }
0x55: {  	_ =	shalt  }
0x56: {  	_ =	shalt  }
0x57: {  	_ =	shalt  }
0x58: {  	_ =	shalt  }
0x59: {  	_ =	shalt  }
0x5a: {  	_ =	shalt  }
0x5b: {  	_ =	shalt  }
0x5c: {  	_ =	shalt  }
0x5d: {  	_ =	shalt  }
0x5e: {  	_ =	shalt  }
0x5f: {  	_ =	shalt  }
0x60: {  	_ =	shalt  }
0x61: {  	_ =	shalt  }
0x62: {  	_ =	shalt  }
0x63: {  	_ =	shalt  }
0x64: {  	_ =	shalt  }
0x65: {  	_ =	shalt  }
0x66: {  	_ =	shalt  }
0x67: {  	_ =	shalt  }
0x68: {  	_ =	shalt  }
0x69: {  	_ =	shalt  }
0x6a: {  	_ =	shalt  }
0x6b: {  	_ =	shalt  }
0x6c: {  	_ =	shalt  }
0x6d: {  	_ =	shalt  }
0x6e: {  	_ =	shalt  }
0x6f: {  	_ =	shalt  }
0x70: {  	_ =	shalt  }
0x71: {  	_ =	shalt  }
0x72: {  	_ =	shalt  }
0x73: {  	_ =	shalt  }
0x74: {  	_ =	shalt  }
0x75: {  	_ =	shalt  }
0x76: {  	_ =	shalt  }
0x77: {  	_ =	shalt  }
0x78: {  	_ =	shalt  }
0x79: {  	_ =	shalt  }
0x7a: {  	_ =	shalt  }
0x7b: {  	_ =	shalt  }
0x7c: {  	_ =	shalt  }
0x7d: {  	_ =	shalt  }
0x7e: {  	_ =	shalt  }
0x7f: {  	_ =	shalt  }
0x80: {  	_ =	shalt  }
0x81: {  	_ =	shalt  }
0x82: {  	_ =	shalt  }
0x83: {  	_ =	shalt  }
0x84: {  	_ =	shalt  }
0x85: {  	_ =	shalt  }
0x86: {  	_ =	shalt  }
0x87: {  	_ =	shalt  }
.Lfunc_end0:
.L_simem_size_0:
called_computation_lowered:
.L_overlay_start_0:
0x88: {  	s2 =	sld [smem:$0x3FD9]  }
0x89: {  	s3 =	sld [smem:$0x3FFE];
	_ =	sdelay $0x1  }
0x8a: {  	s1 =	srdreg.scid  }
0x8b: {  	s0 =	sand.u32 $0x1, s1  }
0x8c: {  	s17 =	sshll.u32 s0, $0xA;
	s2 =	sadd.s32 s3, s2  }
0x8d: {  	s2 =	sadd.s32 s2, s17  }
0x8e: {  	[smem:$0x3FBF] =	sst s2  }
0x8f: {  	_ = 	snop  }
0x90: {  	s2 =	sld [smem:$0x3FC2]  }
0x91: {  	s18 =	sld [smem:$0x3FD0];
	(tm) =	ssettm $0x1  }
0x92: {  	s4 =	sld [smem:$0x3FFB];
	_ =	sdelay $0x3  }
0x93: {  	_ =	strace s4  }
0x94: {  	s4 =	sld [smem:$0x3FFC];
	_ =	sdelay $0x3  }
0x95: {  	_ =	strace s4  }
0x96: {  	s4 =	sld [smem:$0x3FFD];
	_ =	sdelay $0x3  }
0x97: {  	_ =	strace s4  }
0x98: {  	_ =	strace $0x8FFFFFFF  }
0x99: {  	s19 =	sld [smem:$0x3FDB];
	_ =	sdelay $0x1  }
0x9a: {  	s5 =	simm.s32 $_scs_section_size  }
0x9b: {  	s6 =	simm.s32 $_size__tile_overlayer_lowered;
	s7 =	simm.s32 $_tile_overlayer_lowered  }
0x9c: {  	s22 =	simm.s32 $0x1BFF;
	s21 =	sshll.u32 s7, $0x1;
	s4 =	sadd.s32 s5, s19  }
0x9d: {  	s8 =	simm.s32 $0x0;
	s20 =	sshll.u32 s6, $0x1;
	s6 =	sadd.s32 s21, s4  }
0x9e: {  	[timem:s8], [sflag:s22] =	dma.local [hbm:s6], s20  }
0x9f: {  	_ =	swait.ge [sflag:s22], s20  }
0xa0: {  	s5 =	ssub.s32 $0x0, s20;
	[sflag:s22] =	ssyncset.done $0x0  }
0xa1: {  	[sflag:s22] =	ssyncadd.s32 s5;
	_ =	sdelay $0x1  }
0xa2: {  	s23 =	simm.s32 $0x1B8B  }
0xa3: {  	_ =	swait.ge [sflag:s23], $0x1  }
0xa4: {  	[sflag:s23] =	ssyncset.done $0x0  }
0xa5: {  	s25 =	simm.s32 $0x1B8E;
	s24 =	sld [smem:$0x3FFE];
	[sflag:s23] =	ssyncadd.s32 $0xFFFFFFFF  }
0xa6: {  	s26 =	simm.s32 $execute0_lowered;
	[smem:$0x3FD2] =	sst s25  }
0xa7: {  	s6 =	sshll.u32 s26, $0x1;
	_ =	strace $0x80000046;
	[dreg:$0x1] =	wrdreg $0xFFFFFFFF  }
0xa8: {  	s28 =	simm.s32 $_size_execute0_lowered;
	s4 =	sadd.s32 s4, s6;
	[dreg:$0x0] =	wrdreg $0x0  }
0xa9: {  	s6 =	sshll.u32 s28, $0x1;
	[dreg:$0x2] =	wrdreg s4  }
0xaa: {  	[dreg:$0x3] =	wrdreg s6  }
0xab: {  	[dreg:$0x4] =	wrdreg $0xC0  }
0xac: {  	_ =	task [dreg:s8], $0x5FFFF  }
0xad: {  	[dreg:$0x1] =	wrdreg $0xFFFFFFFF  }
0xae: {  	[dreg:$0x0] =	wrdreg $0x60  }
0xaf: {  	[dreg:$0x2] =	wrdreg s24  }
0xb0: {  	[dreg:$0x3] =	wrdreg s2  }
0xb1: {  	[dreg:$0x4] =	wrdreg s18  }
0xb2: {  	[dreg:$0x5] =	wrdreg $0x9  }
0xb3: {  	_ =	task.clear_ibuf [dreg:s8], $0x6FFFF;
	_ =	strace $0x90000046  }
0xb4: {  	s29 =	simm.s32 $0x9;
	_ =	strace $0x80000048  }
0xb5: {  	_ =	swait.ge [sflag:s29], $0x1  }
0xb6: {  	[sflag:s29] =	ssyncadd.s32 $0xFFFFFFFF  }
0xb7: {  	_ =	strace $0x90000048  }
0xb8: {  	_ =	sfence  }
0xb9: {  	s30 =	sld [smem:$0x0];
	_ =	sdelay $0x2  }
0xba: {  	s31 =	sshll.u32 s1, $0xD;
	s1 =	sshrl.u32 s1, $0x2  }
0xbb: {  	s3 =	sand.u32 $0x4000, s31;
	s1 =	sadd.s32 s1, s30  }
0xbc: {  	s0 =	sor.u32 s3, s0;
	s1 =	sshll.u32 s1, $0x11  }
0xbd: {  	s0 =	sor.u32 s1, s0  }
0xbe: {  	s0 =	sadd.s32 $0x8F2B, s0  }
0xbf: {  	[sflag:s0] =	ssyncadd.remote.s32 $0x1  }
0xc0: {  	_ =	sfence.sel $0xFFFF  }
0xc1: {  	[dreg:$0x0] =	wrdreg $0xFFFFFFFF;
	(pc) =	sbr.abs _section_cstart, $3  }
0xc2: {  	[dreg:$0x1] =	wrdreg $0xFFFFFFFF  }
0xc3: {  	_ =	task.clear_ibuf [dreg:s8], $0x2FFFF;
	_ =	strace $0x9FFFFFFF  }
0xc4: {  	(tm) =	ssettm $0x7FFFFFFF  }
0xc5: {  	_ =	shalt  }
tec
execute0_lowered:
.L_overlay_start_1:
0x0: {  	(tag) =	ssettag $0x1  }
0x1: {  	s0 =	rddreg [dreg:$0x0]  }
0x2: {  	s1 =	srdreg.scid;
	s3 =	stileid.u32  }
0x3: {  	s28 =	rddreg [dreg:$0x2];
	s4 =	simm.s32 $0x0;
	s30 =	simm.s32 $0x80  }
0x4: {  	s31 =	simm.s32 $0x400;
	s1 =	sand.u32 $0x1, s1;
	s2 =	sshll.u32 s3, $0x1  }
0x5: {  	s5 =	sshrl.u32 s3, $0x2;
	[smem:$0x7FF] =	sst s4;
	s18 =	sadd.s32 $0x1000, s0  }
0x6: {  	s29 =	sadd.s32 $0x12800, s0;
	s2 =	sor.u32 s1, s2;
	s5 =	smul.u32 $0xC800, s5  }
0x7: {  	_ =	strace $0x80000047;
	[dreg:$0x4] =	wrdreg s18;
	s7 =	smul.u32 $0x140, s2  }
0x8: {  	s1 =	ssub.s32 $0x2, s1;
	s6 =	sshll.u32 s2, $0x7;
	s9 =	smul.u32 $0x9600, s2  }
0x9: {  	s19 =	sshrl.u32 s1, $0x1;
	s10 =	smul.u32 $0x6400, s2;
	s2 =	sshll.u32 s2, $0x5  }
0xa: {  	s6 =	sand.u32 $0x380, s6;
	[dreg:$0x5] =	wrdreg s2;
	s22 =	sadd.s32 s28, s9  }
0xb: {  	s1 =	ssub.s32 s1, s19;
	s23 =	sadd.s32 s29, s10;
	[dreg:$0x9] =	wrdreg s22  }
0xc: {  	s8 =	sadd.s32 s7, s0;
	s26 =	smax.u32 s1, $0x1;
	[dreg:$0xa] =	wrdreg s23  }
0xd: {  	s5 =	sor.u32 s5, s6;
	s20 =	sadd.s32 $0x3800, s8;
	[dreg:$0xe] =	wrdreg s26  }
0xe: {  	v0 =	vlaneseq.u32;
	s5 =	sshrl.u32 s5, $0x3;
	s25 =	sadd.s32 $0x10, s23;
	[dreg:$0x7] =	wrdreg s20  }
0xf: {  	v58 =	vor.u32 $0x20, v0;
	s5 =	sadd.s32 s5, s0;
	s0 =	sadd.s32 $0x238D, s0;
	[dreg:$0xd] =	wrdreg s25  }
0x10: {  	s3 =	simm.s32 $0x1;
	v56 =	vor.u32 $0x40, v0;
	[tilespmem:$0x1FFC0] =	vst v58;
	[dreg:$0x6] =	wrdreg s0;
	s21 =	sadd.s32 $0x6000, s5  }
0x11: {  	v3 =	vor.u32 $0x30, v0;
	[tilespmem:$0x1FFD0] =	vst v56;
	s6 =	simm.s32 $0x2;
	s24 =	sadd.s32 $0xC400, s5;
	[dreg:$0x8] =	wrdreg s21  }
0x12: {  	v62 =	vor.u32 $0x10, v0;
	[tilespmem:$0x1FFE0] =	vst v3;
	s1 =	simm.s32 $0x0;
	s0 =	sadd.s32 $0x10, s22;
	[dreg:$0xb] =	wrdreg s24  }
0x13: {  	[tilespmem:$0x1FFF0] =	vst v62;
	s23 =	simm.s32 $0x15C80;
	s22 =	simm.s32 $0x14380;
	[dreg:$0xc] =	wrdreg s0  }
.LBB2_1:
0x14: {  	[dreg:$0xf] =	wrdreg s1  }
0x15: {  	s0 =	rddreg [dreg:$0x4]  }
0x16: {  	[tilespmem:s4], [sflag:$0x1] =	stream.linear.gather [hbm4b:s0+s4], $0x9C68, $0x38;
	[tilespmem:$0x1F280] =	vst v63  }
0x17: {  	s17 =	rddreg [dreg:$0x6];
	s18 =	simm.s32 $0x9C68  }
0x18: {  	[tilespmem:s18], [sflag:$0x2] =	stream.linear.gather [hbm4b:s17+s4], $0x9C68, $0x38;
	[tilespmem:$0x1F280] =	vst v63  }
0x19: {  	s19 =	rddreg [dreg:$0x1];
	s20 =	simm.s32 $0x13900  }
0x1a: {  	[tilespmem:s20], [sflag:$0x1] =	stream.linear.gather [hbm4b:s19+s4], $0x80, $0x38;
	[tilespmem:$0x1F280] =	vst v63  }
0x1b: {  	s21 =	rddreg [dreg:$0x7];
	s24 =	simm.s32 $0x13980  }
0x1c: {  	[tilespmem:s24], [sflag:$0x2] =	stream.linear.gather [hbm4b:s21+s4], $0xA00, $0x38;
	[tilespmem:$0x1F280] =	vst v63  }
0x1d: {  	s25 =	rddreg [dreg:$0x8]  }
0x1e: {  	[tilespmem:s22], [sflag:$0x1] =	stream.strided.gather [hbm4b:s25+s30], $0x1900, s31, s30, $0x38;
	[tilespmem:$0x1F280] =	vst v63  }
0x1f: {  	s26 =	rddreg [dreg:$0xb]  }
0x20: {  	[tilespmem:s23], [sflag:$0x2] =	stream.strided.gather [hbm4b:s26+s30], $0x1900, s31, s30, $0x38;
	[tilespmem:$0x1F280] =	vst v63  }
0x21: {  	_ =	swait.ge [sflag:s3], $0x9C68  }
0x22: {  	[sflag:s3] =	ssyncset.done $0x0  }
0x23: {  	[sflag:s3] =	ssyncadd.s32 $0xFFFF6398  }
0x24: {  	_ =	swait.ge [sflag:s6], $0x9C68  }
0x25: {  	[sflag:s6] =	ssyncset.done $0x0  }
0x26: {  	[sflag:s6] =	ssyncadd.s32 $0xFFFF6398  }
0x27: {  	_ =	swait.ge [sflag:s3], $0x80  }
0x28: {  	[sflag:s3] =	ssyncset.done $0x0  }
0x29: {  	[sflag:s3] =	ssyncadd.s32 $0xFFFFFF80  }
0x2a: {  	_ =	swait.ge [sflag:s6], $0xA00  }
0x2b: {  	[sflag:s6] =	ssyncset.done $0x0  }
0x2c: {  	[sflag:s6] =	ssyncadd.s32 $0xFFFFF600  }
0x2d: {  	_ =	swait.ge [sflag:s3], $0x1900  }
0x2e: {  	[sflag:s3] =	ssyncset.done $0x0  }
0x2f: {  	[sflag:s3] =	ssyncadd.s32 $0xFFFFE700  }
0x30: {  	_ =	swait.ge [sflag:s6], $0x1900  }
0x31: {  	s1 =	simm.s32 $0x7;
	v9 =	vmov s4;
	s2 =	simm.s32 $0x1;
	[sflag:s6] =	ssyncset.done $0x0  }
0x32: {  	s5 =	simm.s32 $0x6;
	v10 =	vmov s1;
	v11 =	vand.u32 $0xFFFFFFF8, v9;
	v12 =	vmov s2;
	[sflag:s6] =	ssyncadd.s32 $0xFFFFE700  }
0x33: {  	v13 =	vmov s5;
	v11 =	vbroadcast v11, $0x0;
	v12 =	vand.u32 $0xFFFFFFF9, v12;
	v2 =	vld [tilespmem:$0x13900]  }
0x34: {  	s7 =	simm.s32 $0x2;
	v52 =	vand.u32 $0xFFFFFFFE, v13;
	v16 =	vbroadcast v12, $0x0;
	v6 =	vld [tilespmem:$0x13910]  }
0x35: {  	v15 =	vmov s7;
	v18 =	vbroadcast v52, $0x0;
	v7 =	vld [tilespmem:$0x13920]  }
0x36: {  	s8 =	simm.s32 $0x3;
	v17 =	vand.u32 $0xFFFFFFFA, v15;
	v14 =	vld [tilespmem:$0x13980]  }
0x37: {  	v19 =	vmov s8;
	v20 =	vbroadcast v17, $0x0;
	v50 =	vld.idx.msk [tilespmem:v10+s22+$0x0], $0xffff  }
0x38: {  	s9 =	simm.s32 $0x4;
	v53 =	vand.u32 $0xFFFFFFFB, v19;
	v10 =	vld.idx.msk [tilespmem:v10+s23+$0x0], $0xffff  }
0x39: {  	s10 =	simm.s32 $0x5;
	v54 =	vmov s9;
	v22 =	vbroadcast v53, $0x0;
	v17 =	vld.idx.msk [tilespmem:v11+s22+$0x0], $0xffff  }
0x3a: {  	v23 =	vmov s10;
	v19 =	vand.u32 $0xFFFFFFFC, v54;
	v21 =	vld.idx.msk [tilespmem:v16+s22+$0x0], $0xffff  }
0x3b: {  	v23 =	vand.u32 $0xFFFFFFFD, v23;
	v19 =	vbroadcast v19, $0x0;
	v24 =	vld.idx.msk [tilespmem:v18+s23+$0x0], $0xffff  }
0x3c: {  	v23 =	vbroadcast v23, $0x0;
	v25 =	vld.idx.msk [tilespmem:v16+s23+$0x0], $0xffff  }
0x3d: {  	v16 =	vld.idx.msk [tilespmem:v20+s22+$0x0], $0xffff  }
0x3e: {  	v20 =	vld.idx.msk [tilespmem:v20+s23+$0x0], $0xffff  }
0x3f: {  	v27 =	vld.idx.msk [tilespmem:v22+s23+$0x0], $0xffff  }
0x40: {  	v11 =	vld.idx.msk [tilespmem:v11+s23+$0x0], $0xffff  }
0x41: {  	v32 =	vld.idx.msk [tilespmem:v19+s23+$0x0], $0xffff  }
0x42: {  	v33 =	vld.idx.msk [tilespmem:v23+s23+$0x0], $0xffff  }
0x43: {  	v0 =	vlaneseq.u32;
	v13 =	vld [tilespmem:$0x13990];
	v30 =	vmul.u32 $0x50, v24  }
0x44: {  	v19 =	vld.idx.msk [tilespmem:v19+s22+$0x0], $0xffff;
	v29 =	vmul.u32 $0x50, v25;
	v28 =	vmul.u32 $0x50, v20;
	v26 =	vmul.u32 $0x50, v10  }
0x45: {  	v25 =	vld.idx.msk [tilespmem:v18+s22+$0x0], $0xffff;
	v24 =	vmul.u32 $0x50, v27;
	v31 =	vmul.f32 v50, v7;
	v55 =	vmul.f32 v50, v6  }
0x46: {  	v18 =	vld.idx.msk [tilespmem:v23+s22+$0x0], $0xffff;
	v37 =	vmul.f32 v50, v2;
	v23 =	vmul.u32 $0x50, v32;
	v38 =	vmul.f32 v17, v2  }
0x47: {  	v20 =	vld.idx.msk [tilespmem:v22+s22+$0x0], $0xffff;
	v22 =	vmul.u32 $0x50, v33;
	v27 =	vmul.u32 $0x50, v11;
	v34 =	vor.u32 v0, v30  }
0x48: {  	v8 =	vld [tilespmem:$0x13930];
	v40 =	vmul.f32 v21, v2;
	v63 =	vmul.f32 v16, v2;
	v35 =	vor.u32 v0, v29  }
0x49: {  	v9 =	vld [tilespmem:$0x13940];
	v47 =	vmul.f32 v19, v2;
	v54 =	vmul.f32 v21, v6;
	v36 =	vor.u32 v0, v28  }
0x4a: {  	v4 =	vld [tilespmem:$0x139A0];
	v57 =	vor.u32 v0, v24;
	v39 =	vadd.f32 v55, v13;
	v60 =	vor.u32 v0, v23  }
0x4b: {  	v5 =	vld [tilespmem:$0x139B0];
	v37 =	vadd.f32 v37, v14;
	v41 =	vor.u32 v0, v22;
	v42 =	vor.u32 v0, v26  }
0x4c: {  	v43 =	vor.u32 v0, v27;
	v40 =	vadd.f32 v40, v14;
	v51 =	vadd.s32 v62, v30;
	v59 =	vld.idx.msk [tilespmem:v34+s4+$0x0], $0xffff  }
0x4d: {  	v11 =	vadd.f32 v63, v14;
	v52 =	vadd.s32 v62, v29;
	v61 =	vmul.f32 v25, v2;
	v35 =	vld.idx.msk [tilespmem:v35+s4+$0x0], $0xffff  }
0x4e: {  	v53 =	vadd.s32 v62, v28;
	v47 =	vadd.f32 v47, v14;
	v55 =	vadd.s32 v62, v24;
	v36 =	vld.idx.msk [tilespmem:v36+s4+$0x0], $0xffff  }
0x4f: {  	v38 =	vadd.f32 v38, v14;
	v10 =	vadd.f32 v61, v14;
	v32 =	vld.idx.msk [tilespmem:v57+s4+$0x0], $0xffff;
	[tilespmem:$0x1FF20] =	vst v2  }
0x50: {  	v63 =	vadd.s32 v62, v22;
	v15 =	vadd.s32 v62, v27;
	v45 =	vadd.s32 v62, v26;
	v34 =	vld.idx.msk [tilespmem:v60+s4+$0x0], $0xffff  }
0x51: {  	v46 =	vadd.f32 v54, v13;
	v48 =	vmul.f32 v20, v2;
	v41 =	vld.idx.msk [tilespmem:v41+s4+$0x0], $0xffff;
	v33 =	vadd.f32 v10, v59  }
0x52: {  	s1 =	simm.s32 $0x17640;
	v54 =	vmul.f32 v19, v6;
	v31 =	vadd.f32 v31, v4;
	v43 =	vld.idx.msk [tilespmem:v43+s4+$0x0], $0xffff;
	v35 =	vadd.f32 v40, v35  }
0x53: {  	v1 =	vld [tilespmem:$0x139C0];
	v49 =	vmul.f32 v18, v2;
	v12 =	vadd.f32 v48, v14;
	v36 =	vadd.f32 v11, v36;
	[tilespmem:s1+$0x60] =	vst v33  }
0x54: {  	v57 =	vadd.s32 v62, v23;
	v61 =	vmul.f32 v16, v6;
	v42 =	vld.idx.msk [tilespmem:v42+s4+$0x0], $0xffff;
	[tilespmem:s1+$0xFFFFFF70] =	vst v35  }
0x55: {  	v60 =	vmul.f32 v25, v6;
	v32 =	vadd.f32 v12, v32;
	v10 =	vadd.f32 v49, v14;
	[tilespmem:s1+$0xFFFFFFA0] =	vst v36  }
0x56: {  	v49 =	vmul.f32 v20, v6;
	v12 =	vadd.s32 v58, v26;
	v34 =	vadd.f32 v47, v34;
	[tilespmem:$0x1FF30] =	vst v14  }
0x57: {  	v38 =	vadd.f32 v38, v43;
	v59 =	vadd.f32 v10, v41;
	v40 =	vld.idx.msk [tilespmem:v51+s4+$0x0], $0xffff;
	[tilespmem:s1+$0xFFFFFFD0] =	vst v32  }
0x58: {  	v35 =	vmul.f32 v17, v6;
	v41 =	vadd.f32 v60, v13;
	v33 =	vld.idx.msk [tilespmem:v52+s4+$0x0], $0xffff;
	[tilespmem:s1+$0x0] =	vst v34  }
0x59: {  	v60 =	vadd.s32 v58, v28;
	v10 =	vmul.f32 v25, v8;
	v11 =	vld.idx.msk [tilespmem:v53+s4+$0x0], $0xffff;
	[tilespmem:s1+$0x30] =	vst v59  }
0x5a: {  	v14 =	vadd.f32 v37, v42;
	[tilespmem:s1+$0xFFFFFF40] =	vst v38;
	v51 =	vadd.f32 v61, v13;
	v36 =	vld.idx.msk [tilespmem:v55+s4+$0x0], $0xffff  }
0x5b: {  	v53 =	vadd.s32 v58, v30;
	v61 =	vadd.f32 v54, v13;
	v35 =	vadd.f32 v35, v13;
	v52 =	vld.idx.msk [tilespmem:v57+s4+$0x0], $0xffff  }
0x5c: {  	v54 =	vadd.s32 v3, v30;
	v30 =	vadd.s32 v56, v30;
	[tilespmem:s1+$0x90] =	vst v14;
	v43 =	vld.idx.msk [tilespmem:v63+s4+$0x0], $0xffff  }
0x5d: {  	s11 =	simm.s32 $0x120;
	v55 =	vmul.f32 v18, v6;
	v57 =	vadd.s32 v58, v29;
	[tilespmem:$0x1FF40] =	vst v6;
	v48 =	vadd.f32 v40, v41  }
0x5e: {  	s0 =	sor.u32 $0x30, s11;
	v63 =	vadd.s32 v58, v24;
	v14 =	vmul.f32 v21, v7;
	v37 =	vld.idx.msk [tilespmem:v15+s4+$0x0], $0xffff;
	v33 =	vadd.f32 v33, v46  }
0x5f: {  	s12 =	simm.s32 $0x60;
	v32 =	vld.idx.msk [tilespmem:v45+s4+$0x0], $0xffff;
	v6 =	vadd.f32 v55, v13;
	v41 =	vadd.f32 v11, v51;
	[tilespmem:s0+$0x17580] =	vst v48  }
0x60: {  	v15 =	vmul.f32 v25, v7;
	v45 =	vadd.s32 v58, v23;
	v55 =	vadd.s32 v3, v29;
	[tilespmem:s1+$0xFFFFFF80] =	vst v33;
	s0 =	sor.u32 $0x70, s12  }
0x61: {  	v29 =	vadd.s32 v56, v29;
	v25 =	vmul.f32 v25, v9;
	v40 =	vadd.f32 v49, v13;
	[tilespmem:s0+$0x17580] =	vst v41  }
0x62: {  	v46 =	vadd.s32 v58, v22;
	v47 =	vadd.f32 v15, v4;
	v49 =	vadd.s32 v58, v27;
	[tilespmem:$0x1FF50] =	vst v13  }
0x63: {  	v51 =	vmul.f32 v20, v7;
	v11 =	vmul.f32 v16, v8;
	v59 =	vadd.f32 v36, v40;
	v34 =	vld.idx.msk [tilespmem:v53+s4+$0x0], $0xffff  }
0x64: {  	s13 =	simm.s32 $0xC0;
	v15 =	vmul.f32 v19, v8;
	v25 =	vadd.f32 v25, v1;
	v40 =	vadd.f32 v52, v61  }
0x65: {  	s2 =	sor.u32 $0x50, s13;
	v42 =	vadd.f32 v43, v6;
	v6 =	vmul.f32 v21, v8;
	[tilespmem:s1+$0xFFFFFFE0] =	vst v59;
	v38 =	vld.idx.msk [tilespmem:v57+s4+$0x0], $0xffff  }
0x66: {  	v21 =	vmul.f32 v21, v9;
	v35 =	vadd.f32 v37, v35;
	[tilespmem:s2+$0x17580] =	vst v40;
	v36 =	vld.idx.msk [tilespmem:v60+s4+$0x0], $0xffff  }
0x67: {  	v48 =	vmul.f32 v16, v7;
	v33 =	vadd.f32 v14, v4;
	v32 =	vadd.f32 v32, v39;
	[tilespmem:s1+$0x40] =	vst v42  }
0x68: {  	v52 =	vmul.f32 v17, v7;
	v61 =	vadd.s32 v3, v24;
	[tilespmem:s1+$0xFFFFFF50] =	vst v35;
	v34 =	vadd.f32 v34, v47  }
0x69: {  	v14 =	vmul.f32 v20, v8;
	v43 =	vadd.f32 v48, v4;
	[tilespmem:s1+$0xA0] =	vst v32;
	v41 =	vld.idx.msk [tilespmem:v63+s4+$0x0], $0xffff  }
0x6a: {  	v24 =	vadd.s32 v56, v24;
	v37 =	vld.idx.msk [tilespmem:v45+s4+$0x0], $0xffff;
	v33 =	vadd.f32 v38, v33;
	[tilespmem:s1+$0x80] =	vst v34  }
0x6b: {  	v16 =	vmul.f32 v16, v9;
	v40 =	vld.idx.msk [tilespmem:v46+s4+$0x0], $0xffff;
	v36 =	vadd.f32 v36, v43;
	[tilespmem:$0x1FF60] =	vst v7  }
0x6c: {  	v21 =	vadd.f32 v21, v1;
	v53 =	vmul.f32 v19, v7;
	v35 =	vadd.f32 v51, v4;
	[tilespmem:s1+$0xFFFFFF90] =	vst v33  }
0x6d: {  	v57 =	vmul.f32 v18, v7;
	v59 =	vadd.s32 v3, v28;
	v39 =	vld.idx.msk [tilespmem:v49+s4+$0x0], $0xffff;
	[tilespmem:s1+$0xFFFFFFC0] =	vst v36  }
0x6e: {  	v42 =	vadd.f32 v52, v4;
	v32 =	vadd.f32 v53, v4;
	v60 =	vld.idx.msk [tilespmem:v12+s4+$0x0], $0xffff;
	[tilespmem:$0x1FF70] =	vst v4  }
0x6f: {  	s14 =	simm.s32 $0x90;
	v13 =	vadd.s32 v3, v26;
	v35 =	vadd.f32 v41, v35;
	v34 =	vadd.f32 v57, v4;
	v38 =	vld.idx.msk [tilespmem:v54+s4+$0x0], $0xffff  }
0x70: {  	s2 =	sor.u32 $0x30, s14;
	v63 =	vadd.s32 v3, v23;
	v32 =	vadd.f32 v37, v32;
	v7 =	vadd.s32 v3, v22  }
0x71: {  	s0 =	sor.u32 $0x60, s13;
	v34 =	vadd.f32 v40, v34;
	v12 =	vadd.s32 v3, v27;
	[tilespmem:s2+$0x17580] =	vst v35;
	v43 =	vld.idx.msk [tilespmem:v55+s4+$0x0], $0xffff  }
0x72: {  	v41 =	vld.idx.msk [tilespmem:v59+s4+$0x0], $0xffff;
	[tilespmem:s0+$0x17580] =	vst v32;
	v39 =	vadd.f32 v39, v42;
	v42 =	vadd.f32 v10, v5  }
0x73: {  	s5 =	simm.s32 $0x150;
	v48 =	vmul.f32 v50, v8;
	v16 =	vadd.f32 v16, v1;
	[tilespmem:s1+$0x50] =	vst v34;
	v31 =	vadd.f32 v60, v31  }
0x74: {  	s15 =	sor.u32 $0x70, s5;
	v37 =	vadd.f32 v6, v5;
	v36 =	vld.idx.msk [tilespmem:v61+s4+$0x0], $0xffff;
	[tilespmem:s1+$0xFFFFFF60] =	vst v39;
	v38 =	vadd.f32 v38, v42  }
0x75: {  	v28 =	vadd.s32 v56, v28;
	v32 =	vadd.f32 v11, v5;
	s0 =	simm.s32 $0x1C100;
	v35 =	vld.idx.msk [tilespmem:v63+s4+$0x0], $0xffff;
	[tilespmem:s15+$0x17580] =	vst v31  }
0x76: {  	s17 =	simm.s32 $0x8;
	v51 =	vadd.s32 v56, v26;
	v40 =	vld.idx.msk [tilespmem:v7+s4+$0x0], $0xffff;
	v37 =	vadd.f32 v43, v37;
	[tilespmem:s0+$0x40] =	vst v38  }
0x77: {  	v26 =	vadd.s32 v56, v27;
	v52 =	vmov s17;
	v31 =	vadd.f32 v41, v32;
	v34 =	vld.idx.msk [tilespmem:v12+s4+$0x0], $0xffff;
	[tilespmem:$0x1FF80] =	vst v8  }
0x78: {  	s16 =	simm.s32 $0xF;
	v19 =	vmul.f32 v19, v9;
	v45 =	vmul.f32 v18, v8;
	v46 =	vadd.f32 v15, v5;
	[tilespmem:s0+$0xFFFFFFA0] =	vst v37  }
0x79: {  	s18 =	simm.s32 $0x9;
	v23 =	vadd.s32 v56, v23;
	v49 =	vmov s16;
	v39 =	vadd.f32 v14, v5;
	v33 =	vld.idx.msk [tilespmem:v13+s4+$0x0], $0xffff;
	[tilespmem:s0+$0xFFFFFFC0] =	vst v31  }
0x7a: {  	s19 =	simm.s32 $0xA;
	v53 =	vmov s18;
	v47 =	vmul.f32 v17, v8;
	v22 =	vadd.s32 v56, v22;
	v30 =	vld.idx.msk [tilespmem:v30+s4+$0x0], $0xffff;
	[tilespmem:$0x1FF90] =	vst v5  }
0x7b: {  	v54 =	vmov s19;
	v32 =	vadd.f32 v45, v5;
	v36 =	vadd.f32 v36, v39;
	v27 =	vld.idx.msk [tilespmem:v29+s4+$0x0], $0xffff  }
0x7c: {  	v59 =	vand.u32 $0xFFFFFFF9, v53;
	v35 =	vadd.f32 v35, v46;
	v38 =	vadd.f32 v47, v5;
	v28 =	vld.idx.msk [tilespmem:v28+s4+$0x0], $0xffff  }
0x7d: {  	v60 =	vmul.f32 v20, v9;
	v32 =	vadd.f32 v40, v32;
	v31 =	vadd.f32 v48, v5;
	[tilespmem:s0+$0xFFFFFFE0] =	vst v36  }
0x7e: {  	v37 =	vadd.f32 v19, v1;
	v29 =	vadd.f32 v34, v38;
	v34 =	vand.u32 $0xFFFFFFF8, v52;
	[tilespmem:s0+$0x0] =	vst v35;
	v40 =	vld.idx.msk [tilespmem:v49+s22+$0x0], $0xffff  }
0x7f: {  	[tilespmem:s0+$0x20] =	vst v32;
	v45 =	vld.idx.msk [tilespmem:v49+s23+$0x0], $0xffff;
	v38 =	vmul.f32 v17, v9;
	v2 =	vbroadcast v34, $0x0;
	v31 =	vadd.f32 v33, v31  }
0x80: {  	s8 =	simm.s32 $0xD;
	s20 =	simm.s32 $0xB;
	s24 =	simm.s32 $0xC0;
	v57 =	vld.idx.msk [tilespmem:v24+s4+$0x0], $0xffff;
	[tilespmem:s0+$0xFFFFFF80] =	vst v29;
	v29 =	vand.u32 $0xFFFFFFFA, v54;
	v25 =	vadd.f32 v30, v25;
	v55 =	vadd.f32 v27, v21  }
0x81: {  	s9 =	simm.s32 $0x20;
	s21 =	simm.s32 $0xC;
	v26 =	vld.idx.msk [tilespmem:v26+s4+$0x0], $0xffff;
	v21 =	vmov s20;
	v30 =	vadd.f32 v28, v16;
	v28 =	vmov s8;
	[tilespmem:s0+$0x60] =	vst v31;
	s8 =	sor.u32 $0x50, s24  }
0x82: {  	s10 =	simm.s32 $0x60;
	s9 =	sor.u32 $0x30, s9;
	v29 =	vbroadcast v29, $0x0;
	v27 =	vmov s21;
	v61 =	vand.u32 $0xFFFFFFFB, v21;
	v21 =	vld.idx.msk [tilespmem:v23+s4+$0x0], $0xffff;
	[tilespmem:s8+$0x1C080] =	vst v25  }
0x83: {  	s10 =	sor.u32 $0x70, s10;
	s25 =	simm.s32 $0x40;
	v63 =	vand.u32 $0xFFFFFFFC, v27;
	v27 =	vbroadcast v59, $0x0;
	v23 =	vadd.f32 v60, v1;
	v25 =	vld.idx.msk [tilespmem:v22+s4+$0x0], $0xffff;
	[tilespmem:s9+$0x1C080] =	vst v55  }
0x84: {  	s11 =	sor.u32 $0x50, s25;
	s26 =	simm.s32 $0xA0;
	s12 =	simm.s32 $0xE;
	v28 =	vand.u32 $0xFFFFFFFD, v28;
	v22 =	vmul.f32 v18, v9;
	v31 =	vld.idx.msk [tilespmem:v51+s4+$0x0], $0xffff;
	v34 =	vbroadcast v61, $0x0;
	[tilespmem:$0x1FFA0] =	vst v9  }
0x85: {  	s2 =	simm.s32 $0xE0;
	s8 =	simm.s32 $0x10;
	v32 =	vbroadcast v63, $0x0;
	v33 =	vbroadcast v28, $0x0;
	s9 =	sor.u32 $0x30, s26;
	v36 =	vadd.f32 v57, v23;
	[tilespmem:$0x1FFB0] =	vst v1  }
.LBB2_2:
0x86: {  	v35 =	vld [tilespmem:$0x1FFB0]  }
0x87: {  	v9 =	vld [tilespmem:$0x1FFA0]  }
0x88: {  	v6 =	vld [tilespmem:$0x1FF80]  }
0x89: {  	v7 =	vld [tilespmem:$0x1FF60]  }
0x8a: {  	v1 =	vld [tilespmem:$0x1FF40]  }
0x8b: {  	v8 =	vld [tilespmem:$0x1FF90]  }
0x8c: {  	v5 =	vld [tilespmem:$0x1FF70]  }
0x8d: {  	v51 =	vld.idx.msk [tilespmem:v2+s22+$0x0], $0xffff  }
0x8e: {  	v16 =	vld.idx.msk [tilespmem:v27+s22+$0x0], $0xffff;
	v23 =	vadd.f32 v38, v35  }
0x8f: {  	[tilespmem:s11+$0x1C080] =	vst v30;
	v41 =	vld.idx.msk [tilespmem:v27+s23+$0x0], $0xffff;
	v24 =	vadd.f32 v21, v37;
	v19 =	vadd.f32 v22, v35  }
0x90: {  	[tilespmem:s10+$0x1C080] =	vst v36;
	v48 =	vld.idx.msk [tilespmem:v29+s23+$0x0], $0xffff;
	v22 =	vmul.f32 v50, v9;
	v50 =	vmov v40;
	v26 =	vadd.f32 v26, v23  }
0x91: {  	v18 =	vmov s12;
	v44 =	vld.idx.msk [tilespmem:v34+s23+$0x0], $0xffff;
	[tilespmem:s0+$0x10] =	vst v24;
	v12 =	vadd.f32 v25, v19;
	v25 =	vmul.f32 v50, v6  }
0x92: {  	v20 =	vmul.u32 $0x50, v45;
	v18 =	vand.u32 $0xFFFFFFFE, v18;
	v23 =	vld.idx.msk [tilespmem:v32+s22+$0x0], $0xffff;
	[tilespmem:s0+$0xFFFFFF90] =	vst v26  }
0x93: {  	v30 =	vbroadcast v18, $0x0;
	v13 =	vadd.f32 v22, v35;
	v0 =	vadd.f32 v25, v8;
	v17 =	vld.idx.msk [tilespmem:v2+s23+$0x0], $0xffff  }
0x94: {  	v28 =	vmul.f32 v50, v7;
	[tilespmem:s9+$0x1C080] =	vst v12;
	v2 =	vld [tilespmem:$0x1FF50]  }
0x95: {  	v31 =	vadd.f32 v31, v13;
	v42 =	vld.idx.msk [tilespmem:v33+s22+$0x0], $0xffff;
	[tilespmem:$0x1FEF0] =	vst v0;
	v0 =	vadd.s32 v56, v20  }
0x96: {  	s18 =	sor.u32 $0x70, s2;
	v15 =	vmul.f32 v50, v1;
	v43 =	vmul.f32 v51, v6;
	[tilespmem:$0x1FF10] =	vst v0;
	v0 =	vadd.f32 v28, v5  }
0x97: {  	v40 =	vld.idx.msk [tilespmem:v29+s22+$0x0], $0xffff;
	v47 =	vmul.f32 v51, v7;
	v55 =	vmul.f32 v16, v6;
	[tilespmem:s18+$0x1C080] =	vst v31  }
0x98: {  	v22 =	vld.idx.msk [tilespmem:v34+s22+$0x0], $0xffff;
	v4 =	vmul.f32 v23, v6;
	[tilespmem:$0x1FE90] =	vst v0;
	v0 =	vadd.s32 v3, v20  }
0x99: {  	s19 =	sadd.s32 $0x7, s8;
	v27 =	vmul.f32 v16, v7;
	v39 =	vld.idx.msk [tilespmem:v30+s23+$0x0], $0xffff;
	[tilespmem:$0x1FEC0] =	vst v0;
	v0 =	vadd.f32 v15, v2  }
0x9a: {  	v52 =	vmov s19;
	v21 =	vmul.f32 v16, v1;
	v45 =	vld.idx.msk [tilespmem:v32+s23+$0x0], $0xffff;
	[tilespmem:$0x1FEB0] =	vst v4;
	v4 =	vmul.f32 v42, v6  }
0x9b: {  	v41 =	vmul.u32 $0x50, v41;
	v12 =	vld [tilespmem:$0x1FF20];
	v26 =	vadd.s32 v62, v20;
	[tilespmem:$0x1FE50] =	vst v0;
	v0 =	vmul.f32 v16, v9  }
0x9c: {  	v37 =	vmul.u32 $0x50, v44;
	v46 =	vld.idx.msk [tilespmem:v33+s23+$0x0], $0xffff;
	v33 =	vadd.f32 v43, v8;
	v28 =	vmul.f32 v40, v7;
	[tilespmem:$0x1FED0] =	vst v4  }
0x9d: {  	v10 =	vmul.f32 v42, v7;
	v4 =	vlaneseq.u32;
	[tilespmem:$0x1FEE0] =	vst v0;
	v0 =	vadd.s32 v58, v20  }
0x9e: {  	v38 =	vmul.u32 $0x50, v39;
	v20 =	vor.u32 v4, v20;
	[tilespmem:$0x1FE60] =	vst v0;
	v0 =	vmul.f32 v40, v6  }
0x9f: {  	v29 =	vmul.f32 v22, v7;
	v36 =	vmul.u32 $0x50, v45;
	[tilespmem:$0x1FE70] =	vst v10;
	v10 =	vor.u32 v4, v41  }
0xa0: {  	v32 =	vld.idx.msk [tilespmem:v30+s22+$0x0], $0xffff;
	v39 =	vmul.u32 $0x50, v48;
	v48 =	vor.u32 v4, v38;
	[tilespmem:$0x1FE80] =	vst v0;
	v0 =	vmul.f32 v22, v6  }
0xa1: {  	v31 =	vmul.f32 v23, v7;
	v30 =	vld.idx.msk [tilespmem:v52+s22+$0x0], $0xffff;
	v14 =	vmul.f32 v50, v12;
	v11 =	vor.u32 v4, v37  }
0xa2: {  	v57 =	vmul.u32 $0x50, v17;
	v34 =	vmul.u32 $0x50, v46;
	v13 =	vor.u32 v4, v36;
	[tilespmem:$0x1FEA0] =	vst v0;
	v0 =	vld [tilespmem:$0x1FF30]  }
0xa3: {  	v53 =	vmul.f32 v51, v12;
	v18 =	vmul.f32 v22, v12;
	v24 =	vor.u32 v4, v39;
	v44 =	vld.idx.msk [tilespmem:v20+s4+$0x0], $0xffff  }
0xa4: {  	v15 =	vor.u32 v4, v57;
	v20 =	vor.u32 v4, v34;
	v4 =	vmov v7;
	v7 =	vld.idx.msk [tilespmem:v10+s4+$0x0], $0xffff  }
0xa5: {  	v19 =	vmul.f32 v23, v12;
	v16 =	vmul.f32 v16, v12;
	v17 =	vadd.s32 v56, v57;
	v45 =	vld.idx.msk [tilespmem:v48+s4+$0x0], $0xffff  }
0xa6: {  	v43 =	vmul.f32 v42, v12;
	v46 =	vmul.f32 v32, v12;
	[tilespmem:$0x1FF00] =	vst v17;
	v17 =	vld.idx.msk [tilespmem:v11+s4+$0x0], $0xffff  }
0xa7: {  	v13 =	vld.idx.msk [tilespmem:v13+s4+$0x0], $0xffff;
	v10 =	vadd.s32 v62, v41;
	v25 =	vadd.f32 v14, v0;
	v16 =	vadd.f32 v16, v0  }
0xa8: {  	v24 =	vld.idx.msk [tilespmem:v24+s4+$0x0], $0xffff;
	v14 =	vmul.f32 v40, v12;
	v46 =	vadd.f32 v46, v0;
	v12 =	vadd.s32 v62, v38  }
0xa9: {  	v15 =	vld.idx.msk [tilespmem:v15+s4+$0x0], $0xffff;
	v18 =	vadd.f32 v18, v0;
	v16 =	vadd.f32 v16, v7  }
0xaa: {  	s1 =	sadd.s32 $0x180, s1;
	v19 =	vadd.f32 v19, v0;
	v46 =	vadd.f32 v46, v45;
	v45 =	vld.idx.msk [tilespmem:v52+s23+$0x0], $0xffff;
	v52 =	vadd.s32 v62, v37  }
0xab: {  	v20 =	vld.idx.msk [tilespmem:v20+s4+$0x0], $0xffff;
	v7 =	vadd.f32 v18, v17;
	[tilespmem:s1+$0xFFFFFF70] =	vst v16  }
0xac: {  	v13 =	vadd.f32 v19, v13;
	[tilespmem:s1+$0x60] =	vst v46;
	v10 =	vld.idx.msk [tilespmem:v10+s4+$0x0], $0xffff  }
0xad: {  	v53 =	vadd.f32 v53, v0;
	[tilespmem:s1+$0xFFFFFFD0] =	vst v7;
	v12 =	vld.idx.msk [tilespmem:v12+s4+$0x0], $0xffff  }
0xae: {  	v43 =	vadd.f32 v43, v0;
	v46 =	vmul.f32 v32, v1;
	[tilespmem:s1+$0x0] =	vst v13;
	v13 =	vadd.f32 v25, v44  }
0xaf: {  	v14 =	vadd.f32 v14, v0;
	v18 =	vadd.f32 v21, v2;
	v19 =	vld.idx.msk [tilespmem:v52+s4+$0x0], $0xffff  }
0xb0: {  	v60 =	vmul.f32 v22, v1;
	v15 =	vadd.f32 v53, v15;
	v0 =	vld [tilespmem:$0x1FE50];
	v53 =	vadd.f32 v46, v2;
	[tilespmem:s1+$0x90] =	vst v13  }
0xb1: {  	v10 =	vadd.f32 v10, v18;
	v18 =	vld.idx.msk [tilespmem:v26+s4+$0x0], $0xffff  }
0xb2: {  	v11 =	vadd.s32 v62, v39;
	v12 =	vadd.f32 v12, v53;
	v53 =	vadd.f32 v60, v2  }
0xb3: {  	v49 =	vadd.s32 v62, v57;
	v14 =	vadd.f32 v14, v24  }
0xb4: {  	v24 =	vadd.s32 v62, v36;
	v60 =	vadd.f32 v19, v53  }
0xb5: {  	v17 =	vadd.s32 v62, v34;
	[tilespmem:s1+$0xFFFFFFA0] =	vst v14  }
0xb6: {  	v43 =	vadd.f32 v43, v20;
	[tilespmem:s1+$0xFFFFFFE0] =	vst v60;
	v60 =	vadd.f32 v18, v0;
	v0 =	vld [tilespmem:$0x1FE60]  }
0xb7: {  	[tilespmem:s1+$0xFFFFFF40] =	vst v15;
	v11 =	vld.idx.msk [tilespmem:v11+s4+$0x0], $0xffff  }
0xb8: {  	v59 =	vmul.f32 v40, v1;
	v7 =	vadd.s32 v58, v41;
	[tilespmem:s1+$0x30] =	vst v43;
	v43 =	vld.idx.msk [tilespmem:v49+s4+$0x0], $0xffff  }
0xb9: {  	v54 =	vmul.f32 v51, v1;
	v20 =	vld.idx.msk [tilespmem:v24+s4+$0x0], $0xffff  }
0xba: {  	v61 =	vmul.f32 v23, v1;
	v63 =	vmul.f32 v42, v1;
	v17 =	vld.idx.msk [tilespmem:v17+s4+$0x0], $0xffff;
	v24 =	vadd.f32 v59, v2  }
0xbb: {  	v48 =	vadd.f32 v47, v5;
	v47 =	vadd.f32 v54, v2;
	v54 =	vadd.s32 v3, v57  }
0xbc: {  	v16 =	vadd.s32 v58, v38;
	v11 =	vadd.f32 v11, v24;
	v24 =	vadd.f32 v61, v2;
	[tilespmem:s1+$0xFFFFFF80] =	vst v10  }
0xbd: {  	s5 =	sadd.s32 $0x180, s5;
	v61 =	vadd.f32 v63, v2;
	v15 =	vld.idx.msk [tilespmem:v7+s4+$0x0], $0xffff;
	v7 =	vadd.s32 v58, v34;
	[tilespmem:s1+$0xA0] =	vst v60  }
0xbe: {  	s24 =	sadd.s32 $0xFFFFFFD0, s5;
	v57 =	vadd.s32 v58, v57;
	v63 =	vadd.f32 v20, v24;
	v20 =	vadd.f32 v43, v47;
	v47 =	vld.idx.msk [tilespmem:v0+s4+$0x0], $0xffff  }
0xbf: {  	s26 =	sor.u32 $0x30, s24;
	v44 =	vadd.f32 v17, v61;
	v0 =	vld [tilespmem:$0x1FE70]  }
0xc0: {  	[tilespmem:s26+$0x17580] =	vst v12  }
0xc1: {  	v13 =	vld.idx.msk [tilespmem:v16+s4+$0x0], $0xffff;
	[tilespmem:s1+$0x40] =	vst v44  }
0xc2: {  	[tilespmem:s1+$0xFFFFFF50] =	vst v20;
	v16 =	vld.idx.msk [tilespmem:v7+s4+$0x0], $0xffff  }
0xc3: {  	v7 =	vld.idx.msk [tilespmem:v57+s4+$0x0], $0xffff  }
0xc4: {  	v57 =	vadd.f32 v0, v5;
	v0 =	vld [tilespmem:$0x1FE80];
	_ =	sdelay $0x3  }
0xc5: {  	v52 =	vadd.s32 v58, v39;
	v49 =	vmul.f32 v32, v4  }
0xc6: {  	v60 =	vadd.f32 v0, v8;
	v0 =	vld [tilespmem:$0x1FE90]  }
0xc7: {  	s20 =	sadd.s32 $0xFFFFFF10, s5;
	v59 =	vadd.s32 v58, v37;
	v53 =	vadd.f32 v49, v5  }
0xc8: {  	s25 =	sor.u32 $0x70, s20;
	v46 =	vadd.s32 v58, v36  }
0xc9: {  	[tilespmem:s25+$0x17580] =	vst v11;
	v10 =	vadd.f32 v13, v53  }
0xca: {  	s21 =	sadd.s32 $0xFFFFFF70, s5;
	v19 =	vld.idx.msk [tilespmem:v52+s4+$0x0], $0xffff  }
0xcb: {  	s13 =	sor.u32 $0x50, s21;
	[tilespmem:s1+$0x80] =	vst v10;
	v10 =	vadd.f32 v47, v0;
	v0 =	vld [tilespmem:$0x1FEA0]  }
0xcc: {  	v24 =	vadd.f32 v27, v5;
	v14 =	vld.idx.msk [tilespmem:v59+s4+$0x0], $0xffff;
	[tilespmem:s13+$0x17580] =	vst v63  }
0xcd: {  	v59 =	vadd.s32 v3, v38;
	v20 =	vadd.f32 v28, v5;
	v25 =	vld.idx.msk [tilespmem:v46+s4+$0x0], $0xffff  }
0xce: {  	v61 =	vadd.s32 v3, v41;
	v44 =	vadd.f32 v15, v24  }
0xcf: {  	v46 =	vadd.f32 v29, v5;
	v29 =	vadd.s32 v3, v34;
	v19 =	vadd.f32 v19, v20  }
0xd0: {  	v20 =	vadd.f32 v31, v5;
	[tilespmem:s1+$0xFFFFFF90] =	vst v44;
	v44 =	vadd.f32 v0, v8;
	v0 =	vld [tilespmem:$0x1FEB0]  }
0xd1: {  	v16 =	vadd.f32 v16, v57  }
0xd2: {  	v11 =	vld.idx.msk [tilespmem:v59+s4+$0x0], $0xffff;
	v59 =	vadd.f32 v25, v20;
	v20 =	vmul.f32 v32, v6  }
0xd3: {  	v18 =	vld.idx.msk [tilespmem:v61+s4+$0x0], $0xffff;
	[tilespmem:s1+$0x50] =	vst v16  }
0xd4: {  	v61 =	vadd.f32 v20, v8;
	v20 =	vld.idx.msk [tilespmem:v29+s4+$0x0], $0xffff  }
0xd5: {  	v29 =	vadd.f32 v0, v8;
	v0 =	vld [tilespmem:$0x1FEC0];
	_ =	sdelay $0x1  }
0xd6: {  	v24 =	vadd.s32 v3, v37;
	_ =	sdelay $0x1  }
0xd7: {  	s7 =	sadd.s32 $0xFFFFFF40, s5;
	v49 =	vadd.f32 v14, v46  }
0xd8: {  	s11 =	sor.u32 $0x30, s7  }
0xd9: {  	s14 =	sor.u32 $0x70, s5;
	[tilespmem:s11+$0x17580] =	vst v49  }
0xda: {  	v63 =	vadd.s32 v3, v39;
	v24 =	vld.idx.msk [tilespmem:v24+s4+$0x0], $0xffff;
	[tilespmem:s14+$0x17580] =	vst v10  }
0xdb: {  	v55 =	vadd.f32 v55, v8;
	v25 =	vadd.s32 v56, v41;
	v12 =	vadd.f32 v7, v48;
	v48 =	vld.idx.msk [tilespmem:v0+s4+$0x0], $0xffff  }
0xdc: {  	v0 =	vld [tilespmem:$0x1FED0]  }
0xdd: {  	v18 =	vadd.f32 v18, v55  }
0xde: {  	s19 =	sadd.s32 $0x5, s8;
	s0 =	sadd.s32 $0x100, s0;
	[tilespmem:s1+$0xFFFFFFC0] =	vst v19  }
0xdf: {  	v31 =	vmov s19;
	v43 =	vld.idx.msk [tilespmem:v63+s4+$0x0], $0xffff;
	[tilespmem:s0+$0xFFFFFFA0] =	vst v18  }
0xe0: {  	[tilespmem:s1+$0xFFFFFF60] =	vst v12;
	v12 =	vadd.f32 v24, v44;
	v24 =	vand.u32 $0xFFFFFFFD, v31;
	v31 =	vld.idx.msk [tilespmem:v25+s4+$0x0], $0xffff  }
0xe1: {  	v25 =	vadd.f32 v0, v8;
	v0 =	vld [tilespmem:$0x1FEE0];
	_ =	sdelay $0x2  }
0xe2: {  	s17 =	sadd.s32 $0x3, s8  }
0xe3: {  	v27 =	vmov s17  }
0xe4: {  	v47 =	vand.u32 $0xFFFFFFFB, v27;
	v27 =	vadd.f32 v43, v60;
	v60 =	vadd.f32 v0, v35;
	v0 =	vld [tilespmem:$0x1FEF0];
	_ =	sdelay $0x1  }
0xe5: {  	s16 =	sadd.s32 $0x2, s8  }
0xe6: {  	v26 =	vmov s16;
	v11 =	vadd.f32 v11, v61  }
0xe7: {  	v52 =	vmov s8;
	v46 =	vand.u32 $0xFFFFFFFA, v26;
	v26 =	vld.idx.msk [tilespmem:v54+s4+$0x0], $0xffff  }
0xe8: {  	v17 =	vand.u32 $0xFFFFFFF8, v52;
	v52 =	vadd.s32 v3, v36;
	[tilespmem:s0+$0x40] =	vst v11;
	v11 =	vadd.f32 v48, v0;
	v0 =	vld [tilespmem:$0x1FF00];
	_ =	sdelay $0x1  }
0xe9: {  	v63 =	vadd.s32 v56, v38  }
0xea: {  	s10 =	sor.u32 $0x60, s21  }
0xeb: {  	[tilespmem:s10+$0x17580] =	vst v59  }
0xec: {  	s15 =	sadd.s32 $0x1, s8;
	v14 =	vld.idx.msk [tilespmem:v52+s4+$0x0], $0xffff;
	v20 =	vadd.f32 v20, v25;
	v25 =	vadd.f32 v26, v33  }
0xed: {  	v28 =	vmov s15;
	v6 =	vadd.s32 v56, v39  }
0xee: {  	v7 =	vand.u32 $0xFFFFFFF9, v28;
	v28 =	vadd.s32 v56, v37;
	v19 =	vld.idx.msk [tilespmem:v63+s4+$0x0], $0xffff;
	[tilespmem:s0+$0xFFFFFF80] =	vst v25  }
0xef: {  	s18 =	sadd.s32 $0x4, s8;
	v55 =	vmul.f32 v32, v9;
	v26 =	vld.idx.msk [tilespmem:v0+s4+$0x0], $0xffff  }
0xf0: {  	v53 =	vmov s18;
	v0 =	vld [tilespmem:$0x1FF10]  }
0xf1: {  	v49 =	vadd.s32 v56, v36;
	[tilespmem:s0+$0xFFFFFFC0] =	vst v27;
	v54 =	vadd.f32 v14, v29;
	v14 =	vadd.f32 v55, v35  }
0xf2: {  	s2 =	sadd.s32 $0x100, s2;
	v15 =	vand.u32 $0xFFFFFFFC, v53;
	v59 =	vmul.f32 v23, v9;
	v52 =	vadd.s32 v56, v34;
	v53 =	vld.idx.msk [tilespmem:v6+s4+$0x0], $0xffff;
	[tilespmem:s0+$0xFFFFFFE0] =	vst v12  }
0xf3: {  	p0 =	slt.u32 s8, $0xC0;
	s24 =	sadd.s32 $0xFFFFFFE0, s2;
	v22 =	vmul.f32 v22, v9;
	v57 =	vmul.f32 v40, v9;
	v28 =	vld.idx.msk [tilespmem:v28+s4+$0x0], $0xffff;
	v14 =	vadd.f32 v19, v14  }
.Ltmp0:
0xf4: {  	v2 =	vbroadcast v17, $0x0;
	v37 =	vadd.f32 v59, v35;
	s14 =	sor.u32 $0x50, s24;
	[tilespmem:s0+$0x0] =	vst v54;
	(pc) =	sbr.rel @p0 .LBB2_2-.Ltmp0, $4  }
0xf5: {  	s20 =	sadd.s32 $0xFFFFFF40, s2;
	v38 =	vmul.f32 v51, v9;
	v63 =	vadd.f32 v22, v35;
	v61 =	vadd.f32 v57, v35;
	[tilespmem:s14+$0x1C080] =	vst v14  }
0xf6: {  	s12 =	sadd.s32 $0x6, s8;
	s21 =	sadd.s32 $0xFFFFFF60, s2;
	s9 =	sor.u32 $0x30, s20;
	v32 =	vbroadcast v15, $0x0;
	v22 =	vmul.f32 v42, v9;
	v21 =	vld.idx.msk [tilespmem:v49+s4+$0x0], $0xffff;
	[tilespmem:s0+$0x20] =	vst v20;
	v13 =	vadd.f32 v31, v60  }
0xf7: {  	s26 =	sadd.s32 $0xFFFFFFC0, s2;
	s25 =	sadd.s32 $0xFFFFFF80, s2;
	s8 =	sadd.s32 $0x8, s8;
	v40 =	vmovc v30;
	v34 =	vbroadcast v47, $0x0;
	v27 =	vbroadcast v7, $0x0;
	v30 =	vadd.f32 v53, v61;
	v25 =	vld.idx.msk [tilespmem:v52+s4+$0x0], $0xffff;
	[tilespmem:s0+$0x60] =	vst v11  }
0xf8: {  	s11 =	sor.u32 $0x50, s21;
	s10 =	sor.u32 $0x70, s25;
	v29 =	vbroadcast v46, $0x0;
	v36 =	vadd.f32 v28, v63;
	v33 =	vbroadcast v24, $0x0;
	[tilespmem:s9+$0x1C080] =	vst v13;
	s9 =	sor.u32 $0x30, s26;
	v31 =	vld.idx.msk [tilespmem:v0+s4+$0x0], $0xffff  }
0xf9: {  	_ =	sdelay $0x3  }
0xfa: {  	v10 =	vmov s12;
	v17 =	vld.idx.msk [tilespmem:v2+s22+$0x0], $0xffff  }
0xfb: {  	v28 =	vld.idx.msk [tilespmem:v27+s22+$0x0], $0xffff;
	v10 =	vand.u32 $0xFFFFFFFE, v10  }
0xfc: {  	v12 =	vld.idx.msk [tilespmem:v27+s23+$0x0], $0xffff;
	v10 =	vbroadcast v10, $0x0  }
0xfd: {  	v18 =	vld.idx.msk [tilespmem:v34+s22+$0x0], $0xffff  }
0xfe: {  	v1 =	vld [tilespmem:$0x1FFB0]  }
0xff: {  	v9 =	vld [tilespmem:$0x1FFA0]  }
0x100: {  	v14 =	vld.idx.msk [tilespmem:v34+s23+$0x0], $0xffff  }
0x101: {  	v54 =	vld.idx.msk [tilespmem:v32+s23+$0x0], $0xffff  }
0x102: {  	v11 =	vld.idx.msk [tilespmem:v10+s23+$0x0], $0xffff  }
0x103: {  	v13 =	vld.idx.msk [tilespmem:v29+s23+$0x0], $0xffff  }
0x104: {  	v55 =	vld.idx.msk [tilespmem:v2+s23+$0x0], $0xffff;
	v23 =	vmul.u32 $0x50, v12;
	v12 =	vadd.f32 v22, v1;
	v15 =	vmul.f32 v50, v9  }
0x105: {  	[tilespmem:s11+$0x1C080] =	vst v30;
	v20 =	vld.idx.msk [tilespmem:v32+s22+$0x0], $0xffff;
	v37 =	vadd.f32 v21, v37;
	v27 =	vadd.f32 v38, v1  }
0x106: {  	v0 =	vlaneseq.u32;
	v19 =	vld.idx.msk [tilespmem:v29+s22+$0x0], $0xffff;
	[tilespmem:s10+$0x1C080] =	vst v36;
	v12 =	vadd.f32 v25, v12;
	v25 =	vadd.f32 v15, v1  }
0x107: {  	v24 =	vld.idx.msk [tilespmem:v33+s23+$0x0], $0xffff;
	[tilespmem:s0+$0x10] =	vst v37;
	v29 =	vmul.u32 $0x50, v14;
	v14 =	vadd.f32 v26, v27;
	v16 =	vmul.u32 $0x50, v11  }
0x108: {  	v22 =	vmul.u32 $0x50, v13;
	v35 =	vor.u32 v0, v23;
	v21 =	vld.idx.msk [tilespmem:v10+s22+$0x0], $0xffff;
	[tilespmem:s9+$0x1C080] =	vst v12;
	v60 =	vadd.f32 v31, v25  }
0x109: {  	v30 =	vmul.u32 $0x50, v45;
	s8 =	sor.u32 $0x70, s2;
	v2 =	vld [tilespmem:$0x1FF20];
	[tilespmem:s0+$0xFFFFFF90] =	vst v14;
	v13 =	vor.u32 v0, v16  }
0x10a: {  	v57 =	vor.u32 v0, v22;
	v6 =	vld [tilespmem:$0x1FF40];
	[tilespmem:s8+$0x1C080] =	vst v60  }
0x10b: {  	v59 =	vor.u32 v0, v30;
	v27 =	vmul.u32 $0x50, v55;
	v4 =	vld [tilespmem:$0x1FF30]  }
0x10c: {  	v15 =	vld.idx.msk [tilespmem:v33+s22+$0x0], $0xffff;
	v26 =	vmul.u32 $0x50, v54;
	v12 =	vor.u32 v0, v29  }
0x10d: {  	v50 =	vadd.s32 v62, v29;
	v45 =	vor.u32 v0, v27;
	v31 =	vld.idx.msk [tilespmem:v35+s4+$0x0], $0xffff  }
0x10e: {  	v25 =	vmul.u32 $0x50, v24;
	v14 =	vor.u32 v0, v26;
	v61 =	vmul.f32 v28, v2;
	v13 =	vld.idx.msk [tilespmem:v13+s4+$0x0], $0xffff  }
0x10f: {  	v41 =	vadd.s32 v58, v22;
	v54 =	vadd.s32 v62, v26;
	v10 =	vld.idx.msk [tilespmem:v57+s4+$0x0], $0xffff;
	v42 =	vmul.f32 v21, v2  }
0x110: {  	v32 =	vld.idx.msk [tilespmem:v59+s4+$0x0], $0xffff;
	v63 =	vor.u32 v0, v25;
	v44 =	vmul.f32 v19, v2;
	v33 =	vadd.f32 v61, v4  }
0x111: {  	v59 =	vadd.s32 v62, v27;
	v12 =	vld.idx.msk [tilespmem:v12+s4+$0x0], $0xffff;
	v24 =	vmul.f32 v40, v2;
	v35 =	vadd.f32 v42, v4  }
0x112: {  	v37 =	vld.idx.msk [tilespmem:v45+s4+$0x0], $0xffff;
	v46 =	vmul.f32 v17, v2;
	v11 =	vadd.f32 v44, v4;
	v31 =	vadd.f32 v33, v31  }
0x113: {  	s1 =	sadd.s32 $0x180, s1;
	v39 =	vmul.f32 v18, v2;
	v14 =	vld.idx.msk [tilespmem:v14+s4+$0x0], $0xffff;
	v47 =	vadd.s32 v62, v16;
	v13 =	vadd.f32 v35, v13  }
0x114: {  	v48 =	vmul.f32 v20, v2;
	v49 =	vmul.f32 v15, v2;
	v10 =	vadd.f32 v11, v10;
	[tilespmem:s1+$0xFFFFFF70] =	vst v31  }
0x115: {  	v43 =	vmul.f32 v40, v6;
	v34 =	vld.idx.msk [tilespmem:v63+s4+$0x0], $0xffff;
	[tilespmem:s1+$0x60] =	vst v13;
	v13 =	vadd.s32 v62, v23  }
0x116: {  	v51 =	vmul.f32 v17, v6;
	v33 =	vadd.f32 v48, v4;
	v31 =	vadd.s32 v62, v22;
	[tilespmem:s1+$0xFFFFFFA0] =	vst v10  }
0x117: {  	v53 =	vmul.f32 v21, v6;
	v57 =	vmul.f32 v19, v6;
	v39 =	vadd.f32 v39, v4;
	v52 =	vld [tilespmem:$0x1FF50]  }
0x118: {  	v60 =	vmul.f32 v18, v6;
	v24 =	vadd.f32 v24, v4;
	v14 =	vadd.f32 v33, v14  }
0x119: {  	v5 =	vmul.f32 v15, v6;
	v11 =	vadd.f32 v49, v4;
	v12 =	vadd.f32 v39, v12;
	v35 =	vld.idx.msk [tilespmem:v47+s4+$0x0], $0xffff  }
0x11a: {  	v38 =	vadd.f32 v46, v4;
	[tilespmem:s1+$0x0] =	vst v14;
	v14 =	vadd.s32 v62, v25;
	v13 =	vld.idx.msk [tilespmem:v13+s4+$0x0], $0xffff  }
0x11b: {  	v11 =	vadd.f32 v11, v34;
	v31 =	vld.idx.msk [tilespmem:v31+s4+$0x0], $0xffff;
	[tilespmem:s1+$0xFFFFFFD0] =	vst v12;
	v12 =	vmul.f32 v28, v6  }
0x11c: {  	v61 =	vadd.s32 v62, v30;
	v37 =	vadd.f32 v38, v37;
	v55 =	vadd.f32 v53, v52  }
0x11d: {  	s5 =	sadd.s32 $0x180, s5;
	v24 =	vadd.f32 v24, v32;
	[tilespmem:s1+$0x30] =	vst v11;
	v10 =	vld.idx.msk [tilespmem:v50+s4+$0x0], $0xffff;
	v12 =	vadd.f32 v12, v52  }
0x11e: {  	s20 =	sadd.s32 $0xFFFFFFD0, s5;
	[tilespmem:s1+$0xFFFFFF40] =	vst v37;
	v38 =	vld.idx.msk [tilespmem:v54+s4+$0x0], $0xffff;
	v34 =	vadd.f32 v57, v52;
	v32 =	vadd.f32 v35, v55  }
0x11f: {  	s8 =	sor.u32 $0x30, s20;
	[tilespmem:s1+$0x90] =	vst v24;
	v24 =	vmul.f32 v20, v6;
	v14 =	vld.idx.msk [tilespmem:v14+s4+$0x0], $0xffff;
	v12 =	vadd.f32 v13, v12  }
0x120: {  	s21 =	sadd.s32 $0xFFFFFF10, s5;
	v11 =	vld.idx.msk [tilespmem:v59+s4+$0x0], $0xffff;
	v37 =	vadd.f32 v60, v52;
	v31 =	vadd.f32 v31, v34;
	[tilespmem:s8+$0x17580] =	vst v32  }
0x121: {  	v63 =	vadd.s32 v58, v23;
	v24 =	vadd.f32 v24, v52;
	v35 =	vld.idx.msk [tilespmem:v61+s4+$0x0], $0xffff;
	s8 =	sor.u32 $0x70, s21;
	[tilespmem:s1+$0xFFFFFF80] =	vst v12  }
0x122: {  	v42 =	vadd.s32 v58, v29;
	v10 =	vadd.f32 v10, v37;
	v32 =	vadd.f32 v5, v52;
	v8 =	vld [tilespmem:$0x1FF80];
	[tilespmem:s8+$0x17580] =	vst v31  }
0x123: {  	s24 =	sadd.s32 $0xFFFFFF70, s5;
	v47 =	vadd.s32 v58, v27;
	v33 =	vadd.f32 v51, v52;
	v24 =	vadd.f32 v38, v24;
	v7 =	vld [tilespmem:$0x1FF60]  }
0x124: {  	s25 =	sor.u32 $0x50, s24;
	v50 =	vadd.s32 v58, v30;
	v59 =	vadd.s32 v3, v29;
	v14 =	vadd.f32 v14, v32;
	v5 =	vld [tilespmem:$0x1FF90];
	[tilespmem:s1+$0xFFFFFFE0] =	vst v10  }
0x125: {  	v29 =	vadd.s32 v56, v29;
	v11 =	vadd.f32 v11, v33;
	v13 =	vadd.s32 v58, v16;
	[tilespmem:s25+$0x17580] =	vst v24  }
0x126: {  	v36 =	vadd.f32 v43, v52;
	v43 =	vadd.s32 v58, v26;
	v53 =	vadd.s32 v3, v16;
	[tilespmem:s1+$0x40] =	vst v14  }
0x127: {  	v57 =	vadd.s32 v3, v22;
	v22 =	vadd.s32 v56, v22;
	v52 =	vadd.s32 v56, v30;
	v48 =	vld [tilespmem:$0x1FF70];
	[tilespmem:s1+$0xFFFFFF50] =	vst v11  }
0x128: {  	v30 =	vadd.s32 v3, v30;
	v35 =	vadd.f32 v35, v36;
	v36 =	vld.idx.msk [tilespmem:v47+s4+$0x0], $0xffff;
	v47 =	vmul.f32 v15, v9  }
0x129: {  	v16 =	vadd.s32 v56, v16;
	v34 =	vld.idx.msk [tilespmem:v63+s4+$0x0], $0xffff;
	v12 =	vmul.f32 v40, v8;
	v49 =	vmul.f32 v17, v8  }
0x12a: {  	v63 =	vadd.s32 v3, v25;
	v13 =	vld.idx.msk [tilespmem:v13+s4+$0x0], $0xffff;
	v60 =	vmul.f32 v21, v8;
	v61 =	vmul.f32 v28, v8  }
0x12b: {  	v14 =	vadd.s32 v58, v25;
	v4 =	vmul.f32 v19, v8;
	v45 =	vmul.f32 v21, v7  }
0x12c: {  	v44 =	vld.idx.msk [tilespmem:v41+s4+$0x0], $0xffff;
	v25 =	vadd.s32 v56, v25;
	v41 =	vmul.f32 v18, v8;
	v24 =	vmul.f32 v28, v7  }
0x12d: {  	v38 =	vld.idx.msk [tilespmem:v42+s4+$0x0], $0xffff;
	v42 =	vmul.f32 v20, v8;
	v46 =	vmul.f32 v19, v7;
	v37 =	vadd.f32 v45, v48  }
0x12e: {  	v10 =	vld.idx.msk [tilespmem:v43+s4+$0x0], $0xffff;
	v43 =	vmul.f32 v15, v8;
	v31 =	vmul.f32 v40, v7;
	v24 =	vadd.f32 v24, v48  }
0x12f: {  	[tilespmem:s1+$0xA0] =	vst v35;
	v51 =	vmul.f32 v18, v7;
	v33 =	vadd.f32 v46, v48;
	v13 =	vadd.f32 v13, v37  }
0x130: {  	v14 =	vld.idx.msk [tilespmem:v14+s4+$0x0], $0xffff;
	v54 =	vmul.f32 v17, v7;
	v55 =	vmul.f32 v15, v7;
	v24 =	vadd.f32 v34, v24  }
0x131: {  	v32 =	vadd.f32 v44, v33;
	v37 =	vld.idx.msk [tilespmem:v50+s4+$0x0], $0xffff;
	[tilespmem:s1+$0x80] =	vst v13;
	v13 =	vmul.f32 v20, v7  }
0x132: {  	v12 =	vadd.f32 v12, v5;
	v35 =	vadd.f32 v51, v48;
	[tilespmem:s1+$0xFFFFFF90] =	vst v24;
	v24 =	vadd.s32 v3, v23  }
0x133: {  	v28 =	vmul.f32 v28, v9;
	[tilespmem:s1+$0xFFFFFFC0] =	vst v32;
	v32 =	vadd.f32 v55, v48;
	v13 =	vadd.f32 v13, v48  }
0x134: {  	s26 =	sadd.s32 $0xFFFFFF40, s5;
	v21 =	vmul.f32 v21, v9;
	v31 =	vadd.f32 v31, v48;
	v35 =	vadd.f32 v38, v35;
	v39 =	vld.idx.msk [tilespmem:v57+s4+$0x0], $0xffff  }
0x135: {  	s9 =	sor.u32 $0x30, s26;
	v33 =	vld.idx.msk [tilespmem:v53+s4+$0x0], $0xffff;
	v14 =	vadd.f32 v14, v32;
	v10 =	vadd.f32 v10, v13;
	v13 =	vadd.s32 v3, v26  }
0x136: {  	v19 =	vmul.f32 v19, v9;
	v38 =	vadd.f32 v54, v48;
	[tilespmem:s9+$0x17580] =	vst v35;
	v31 =	vadd.f32 v37, v31  }
0x137: {  	s8 =	sor.u32 $0x60, s24;
	v37 =	vadd.f32 v4, v5;
	[tilespmem:s1+$0x50] =	vst v14;
	v14 =	vadd.s32 v3, v27;
	v24 =	vld.idx.msk [tilespmem:v24+s4+$0x0], $0xffff  }
0x138: {  	s5 =	sor.u32 $0x70, s5;
	v36 =	vadd.f32 v36, v38;
	v32 =	vadd.f32 v60, v5;
	[tilespmem:s8+$0x17580] =	vst v10;
	v10 =	vld.idx.msk [tilespmem:v63+s4+$0x0], $0xffff  }
0x139: {  	v38 =	vadd.f32 v61, v5;
	v35 =	vld.idx.msk [tilespmem:v59+s4+$0x0], $0xffff;
	[tilespmem:s5+$0x17580] =	vst v31;
	v31 =	vadd.f32 v39, v37  }
0x13a: {  	s7 =	sadd.s32 $0x100, s0;
	v23 =	vadd.s32 v56, v23;
	[tilespmem:s1+$0xFFFFFF60] =	vst v36;
	v32 =	vadd.f32 v33, v32;
	v13 =	vld.idx.msk [tilespmem:v13+s4+$0x0], $0xffff  }
0x13b: {  	v11 =	vadd.f32 v49, v5;
	v30 =	vld.idx.msk [tilespmem:v30+s4+$0x0], $0xffff;
	[tilespmem:s7+$0xFFFFFFC0] =	vst v31;
	v31 =	vadd.f32 v43, v5  }
0x13c: {  	v36 =	vadd.f32 v41, v5;
	[tilespmem:s7+$0x40] =	vst v32;
	v14 =	vld.idx.msk [tilespmem:v14+s4+$0x0], $0xffff;
	v24 =	vadd.f32 v24, v38  }
0x13d: {  	v18 =	vmul.f32 v18, v9;
	v33 =	vadd.f32 v42, v5;
	v16 =	vld.idx.msk [tilespmem:v16+s4+$0x0], $0xffff;
	v10 =	vadd.f32 v10, v31  }
0x13e: {  	v26 =	vadd.s32 v56, v26;
	v22 =	vld.idx.msk [tilespmem:v22+s4+$0x0], $0xffff;
	[tilespmem:s7+$0xFFFFFFA0] =	vst v24;
	v24 =	vadd.f32 v35, v36  }
0x13f: {  	v27 =	vadd.s32 v56, v27;
	v23 =	vld.idx.msk [tilespmem:v23+s4+$0x0], $0xffff;
	[tilespmem:s7+$0x20] =	vst v10;
	v13 =	vadd.f32 v13, v33  }
0x140: {  	v15 =	vmul.f32 v17, v9;
	v44 =	vadd.f32 v30, v12;
	[tilespmem:s7+$0xFFFFFFE0] =	vst v24;
	v12 =	vld.idx.msk [tilespmem:v25+s4+$0x0], $0xffff  }
0x141: {  	v11 =	vadd.f32 v14, v11;
	v24 =	vld.idx.msk [tilespmem:v29+s4+$0x0], $0xffff;
	[tilespmem:s7+$0x0] =	vst v13;
	v13 =	vadd.f32 v21, v1  }
0x142: {  	v45 =	vadd.f32 v19, v1;
	v19 =	vmul.f32 v20, v9;
	s9 =	sadd.s32 $0x100, s2;
	v14 =	vadd.f32 v28, v1  }
0x143: {  	v18 =	vadd.f32 v18, v1;
	s2 =	sadd.s32 $0xFFFFFFE0, s9;
	[tilespmem:s7+$0xFFFFFF80] =	vst v11;
	v21 =	vld.idx.msk [tilespmem:v26+s4+$0x0], $0xffff;
	v13 =	vadd.f32 v16, v13  }
0x144: {  	s10 =	sadd.s32 $0xFFFFFF40, s9;
	s2 =	sor.u32 $0x50, s2;
	[tilespmem:s7+$0x60] =	vst v44;
	v11 =	vadd.f32 v47, v1;
	v16 =	vld.idx.msk [tilespmem:v27+s4+$0x0], $0xffff;
	v14 =	vadd.f32 v23, v14  }
0x145: {  	v17 =	vadd.f32 v19, v1;
	s11 =	sadd.s32 $0xFFFFFF60, s9;
	s5 =	sor.u32 $0x30, s10;
	v46 =	vadd.f32 v22, v45;
	[tilespmem:s2+$0x1C080] =	vst v13;
	v13 =	vld.idx.msk [tilespmem:v52+s4+$0x0], $0xffff  }
0x146: {  	s13 =	sadd.s32 $0xFFFFFFC0, s9;
	s8 =	sor.u32 $0x50, s11;
	v11 =	vadd.f32 v12, v11;
	[tilespmem:s5+$0x1C080] =	vst v14;
	v14 =	vadd.f32 v24, v18;
	v18 =	vmul.f32 v40, v9  }
0x147: {  	s12 =	sadd.s32 $0xFFFFFF80, s9;
	v48 =	vadd.f32 v15, v1;
	s14 =	sor.u32 $0x30, s13;
	[tilespmem:s8+$0x1C080] =	vst v46  }
0x148: {  	s2 =	sor.u32 $0x70, s12;
	[tilespmem:s14+$0x1C080] =	vst v11;
	v15 =	vadd.f32 v21, v17;
	v12 =	vadd.f32 v18, v1  }
0x149: {  	[tilespmem:s2+$0x1C080] =	vst v14;
	v10 =	vadd.f32 v16, v48  }
0x14a: {  	s21 =	simm.s32 $0xC9;
	[tilespmem:s7+$0x10] =	vst v15;
	v49 =	vadd.f32 v13, v12  }
0x14b: {  	s19 =	simm.s32 $0xCF;
	s1 =	sor.u32 $0x70, s9;
	v16 =	vmov s21;
	[tilespmem:s7+$0xFFFFFF90] =	vst v10  }
0x14c: {  	s15 =	simm.s32 $0x17580;
	s24 =	simm.s32 $0xCA;
	v15 =	vmov s19;
	v16 =	vand.u32 $0xFFFFFFF9, v16;
	[tilespmem:s1+$0x1C080] =	vst v49  }
0x14d: {  	s26 =	simm.s32 $0xCC;
	s20 =	simm.s32 $0xCE;
	v18 =	vmov s24;
	v20 =	vbroadcast v16, $0x0;
	s0 =	rddreg [dreg:$0x9]  }
0x14e: {  	v21 =	vmov s26;
	v18 =	vand.u32 $0xFFFFFFFA, v18;
	[hbm4b:s0+s30] =	stream.strided.scatter [tilespmem:s15], [sflag:$0x1], $0x2580, s31, s30, $0x38;
	[tilespmem:$0x1F280] =	vst v63  }
0x14f: {  	s17 =	simm.s32 $0x1C080;
	s18 =	simm.s32 $0xC8;
	v51 =	vmov s20;
	v21 =	vand.u32 $0xFFFFFFFC, v21;
	v18 =	vbroadcast v18, $0x0;
	s16 =	rddreg [dreg:$0xa]  }
0x150: {  	v52 =	vand.u32 $0xFFFFFFFE, v51;
	v31 =	vbroadcast v21, $0x0;
	[hbm4b:s16+s30] =	stream.strided.scatter [tilespmem:s17], [sflag:$0x2], $0x1900, s31, s30, $0x38;
	[tilespmem:$0x1F280] =	vst v63  }
0x151: {  	v50 =	vmov s18;
	v19 =	vbroadcast v52, $0x0;
	v16 =	vld.idx.msk [tilespmem:v15+s22+$0x0], $0xffff  }
0x152: {  	v10 =	vand.u32 $0xFFFFFFF8, v50;
	v22 =	vld.idx.msk [tilespmem:v15+s23+$0x0], $0xffff  }
0x153: {  	v17 =	vbroadcast v10, $0x0;
	v55 =	vld.idx.msk [tilespmem:v20+s23+$0x0], $0xffff  }
0x154: {  	v21 =	vld.idx.msk [tilespmem:v20+s22+$0x0], $0xffff  }
0x155: {  	s25 =	simm.s32 $0xCB;
	s1 =	simm.s32 $0xCD;
	v20 =	vld.idx.msk [tilespmem:v18+s23+$0x0], $0xffff  }
0x156: {  	v53 =	vmov s1;
	v15 =	vmov s25;
	v59 =	vld.idx.msk [tilespmem:v31+s23+$0x0], $0xffff  }
0x157: {  	v10 =	vand.u32 $0xFFFFFFFD, v53;
	v26 =	vld.idx.msk [tilespmem:v19+s22+$0x0], $0xffff;
	v23 =	vand.u32 $0xFFFFFFFB, v15  }
0x158: {  	v54 =	vbroadcast v10, $0x0;
	v24 =	vbroadcast v23, $0x0;
	v23 =	vld.idx.msk [tilespmem:v19+s23+$0x0], $0xffff  }
0x159: {  	v15 =	vld.idx.msk [tilespmem:v17+s22+$0x0], $0xffff  }
0x15a: {  	v17 =	vld.idx.msk [tilespmem:v17+s23+$0x0], $0xffff  }
0x15b: {  	v18 =	vld.idx.msk [tilespmem:v18+s22+$0x0], $0xffff;
	v25 =	vmul.u32 $0x50, v55  }
0x15c: {  	v30 =	vld [tilespmem:$0x139D0];
	v27 =	vmul.u32 $0x50, v22  }
0x15d: {  	v28 =	vmul.u32 $0x50, v23;
	v23 =	vmul.u32 $0x50, v20;
	v20 =	vor.u32 v0, v25  }
0x15e: {  	v61 =	vld.idx.msk [tilespmem:v54+s23+$0x0], $0xffff;
	v10 =	vmul.u32 $0x50, v59;
	v49 =	vmul.f32 v26, v2  }
0x15f: {  	v50 =	vmul.f32 v21, v2;
	v29 =	vmul.u32 $0x50, v17;
	v17 =	vld.idx.msk [tilespmem:v31+s22+$0x0], $0xffff;
	v4 =	vor.u32 v0, v27  }
0x160: {  	v42 =	vmul.f32 v18, v2;
	v44 =	vmul.f32 v18, v6;
	v47 =	vor.u32 v0, v10;
	v57 =	vld.idx.msk [tilespmem:v24+s23+$0x0], $0xffff  }
0x161: {  	v46 =	vmul.f32 v15, v2;
	v40 =	vadd.f32 v49, v30;
	v63 =	vor.u32 v0, v29;
	v19 =	vld.idx.msk [tilespmem:v24+s22+$0x0], $0xffff  }
0x162: {  	v32 =	vadd.f32 v50, v30;
	v42 =	vadd.f32 v42, v30;
	v60 =	vor.u32 v0, v28;
	v48 =	vld.idx.msk [tilespmem:v20+s4+$0x0], $0xffff  }
0x163: {  	v59 =	vadd.s32 v62, v25;
	v31 =	vor.u32 v0, v23;
	v22 =	vmul.u32 $0x50, v61;
	v20 =	vld.idx.msk [tilespmem:v54+s22+$0x0], $0xffff  }
0x164: {  	v50 =	vadd.s32 v58, v25;
	v37 =	vadd.f32 v46, v30;
	v52 =	vadd.s32 v62, v28;
	v33 =	vld.idx.msk [tilespmem:v4+s4+$0x0], $0xffff  }
0x165: {  	v46 =	vadd.s32 v58, v28;
	v41 =	vor.u32 v0, v22;
	v53 =	vmul.f32 v17, v2;
	v38 =	vld.idx.msk [tilespmem:v47+s4+$0x0], $0xffff  }
0x166: {  	v54 =	vadd.s32 v62, v29;
	v4 =	vmul.f32 v21, v6;
	v47 =	vmul.f32 v17, v6;
	v45 =	vld.idx.msk [tilespmem:v63+s4+$0x0], $0xffff  }
0x167: {  	v24 =	vmul.u32 $0x50, v57;
	v51 =	vmul.f32 v19, v2;
	v57 =	vmul.f32 v16, v2;
	v5 =	vld.idx.msk [tilespmem:v60+s4+$0x0], $0xffff  }
0x168: {  	v39 =	vadd.f32 v53, v30;
	v63 =	vmul.f32 v26, v6;
	v31 =	vld.idx.msk [tilespmem:v31+s4+$0x0], $0xffff;
	v60 =	vadd.s32 v62, v23  }
0x169: {  	v11 =	vor.u32 v0, v24;
	v61 =	vadd.s32 v62, v24;
	v0 =	vmul.f32 v15, v6  }
0x16a: {  	v13 =	vld [tilespmem:$0x139E0];
	v53 =	vadd.s32 v58, v24;
	v32 =	vadd.f32 v32, v48;
	v55 =	vmul.f32 v20, v2  }
0x16b: {  	v12 =	vld [tilespmem:$0x139F0];
	v38 =	vadd.f32 v39, v38;
	v2 =	vadd.s32 v62, v10;
	v48 =	vadd.s32 v58, v29  }
0x16c: {  	v1 =	vld [tilespmem:$0x13A00];
	v49 =	vmul.f32 v20, v6;
	v36 =	vadd.f32 v37, v45;
	v34 =	vadd.f32 v40, v5  }
0x16d: {  	s0 =	simm.s32 $0x19BC0;
	v41 =	vld.idx.msk [tilespmem:v41+s4+$0x0], $0xffff;
	v45 =	vmul.f32 v19, v6;
	v40 =	vadd.f32 v51, v30;
	v31 =	vadd.f32 v42, v31  }
0x16e: {  	v14 =	vld [tilespmem:$0x13A10];
	[tilespmem:s0+$0xFFFFFF70] =	vst v32;
	v42 =	vadd.f32 v57, v30;
	v5 =	vadd.s32 v62, v22;
	v51 =	vadd.s32 v58, v23  }
0x16f: {  	v57 =	vadd.s32 v58, v10;
	v35 =	vld.idx.msk [tilespmem:v11+s4+$0x0], $0xffff;
	[tilespmem:s0+$0xFFFFFF40] =	vst v36;
	v36 =	vadd.f32 v55, v30  }
0x170: {  	v11 =	vadd.s32 v62, v27;
	v55 =	vmul.f32 v15, v7;
	v62 =	vmul.f32 v19, v7;
	[tilespmem:s0+$0x60] =	vst v34  }
0x171: {  	[tilespmem:s0+$0xFFFFFFA0] =	vst v31;
	v31 =	vmul.f32 v16, v6;
	v33 =	vadd.f32 v42, v33;
	v6 =	vadd.s32 v3, v24  }
0x172: {  	v24 =	vadd.s32 v56, v24;
	[tilespmem:$0x1FE00] =	vst v30;
	v36 =	vadd.f32 v36, v41;
	v41 =	vadd.f32 v63, v13  }
0x173: {  	v63 =	vadd.s32 v3, v28;
	v28 =	vadd.s32 v56, v28;
	v37 =	vld.idx.msk [tilespmem:v52+s4+$0x0], $0xffff;
	[tilespmem:s0+$0x0] =	vst v38  }
0x174: {  	v32 =	vld.idx.msk [tilespmem:v59+s4+$0x0], $0xffff;
	[tilespmem:s0+$0x90] =	vst v33;
	v38 =	vadd.f32 v4, v13;
	v33 =	vadd.f32 v44, v13  }
0x175: {  	v34 =	vld.idx.msk [tilespmem:v54+s4+$0x0], $0xffff;
	v31 =	vadd.f32 v31, v13;
	v52 =	vmul.f32 v16, v7;
	v54 =	vmul.f32 v26, v7  }
0x176: {  	v59 =	vmul.f32 v21, v7;
	v4 =	vmul.f32 v20, v7;
	v35 =	vadd.f32 v40, v35;
	v40 =	vld.idx.msk [tilespmem:v60+s4+$0x0], $0xffff  }
0x177: {  	v44 =	vmul.f32 v15, v8;
	v15 =	vmul.f32 v15, v9;
	[tilespmem:s0+$0x30] =	vst v36;
	v42 =	vld.idx.msk [tilespmem:v2+s4+$0x0], $0xffff  }
0x178: {  	s2 =	simm.s32 $0x120;
	v2 =	vadd.s32 v3, v29;
	[tilespmem:s0+$0xFFFFFFD0] =	vst v35;
	v35 =	vadd.f32 v0, v13;
	v37 =	vadd.f32 v37, v41  }
0x179: {  	s1 =	sor.u32 $0x30, s2;
	v29 =	vadd.s32 v56, v29;
	v36 =	vld.idx.msk [tilespmem:v5+s4+$0x0], $0xffff;
	v60 =	vadd.s32 v58, v22;
	v32 =	vadd.f32 v32, v38  }
0x17a: {  	v5 =	vadd.s32 v3, v25;
	v25 =	vadd.s32 v56, v25;
	v34 =	vadd.f32 v34, v35;
	[tilespmem:s1+$0x19B00] =	vst v37  }
0x17b: {  	s5 =	simm.s32 $0x60;
	v15 =	vadd.f32 v15, v14;
	v39 =	vld.idx.msk [tilespmem:v61+s4+$0x0], $0xffff;
	v33 =	vadd.f32 v40, v33;
	[tilespmem:s0+$0xFFFFFF80] =	vst v32  }
0x17c: {  	v0 =	vmul.f32 v17, v7;
	v41 =	vld.idx.msk [tilespmem:v11+s4+$0x0], $0xffff;
	v38 =	vadd.f32 v47, v13;
	s1 =	sor.u32 $0x70, s5;
	[tilespmem:s0+$0xFFFFFF50] =	vst v34  }
0x17d: {  	v61 =	vadd.s32 v58, v27;
	v11 =	vmul.f32 v26, v8;
	v47 =	vmul.f32 v18, v8;
	[tilespmem:s1+$0x19B00] =	vst v33  }
0x17e: {  	v26 =	vmul.f32 v26, v9;
	v35 =	vadd.f32 v45, v13;
	v45 =	vadd.s32 v3, v22;
	[tilespmem:$0x1FE10] =	vst v13  }
0x17f: {  	s7 =	simm.s32 $0xC0;
	v40 =	vadd.f32 v49, v13;
	v38 =	vadd.f32 v42, v38;
	v49 =	vmul.f32 v19, v8;
	v37 =	vld.idx.msk [tilespmem:v46+s4+$0x0], $0xffff  }
0x180: {  	s8 =	sor.u32 $0x50, s7;
	v26 =	vadd.f32 v26, v14;
	v19 =	vmul.f32 v19, v9;
	v35 =	vadd.f32 v39, v35;
	v34 =	vld.idx.msk [tilespmem:v48+s4+$0x0], $0xffff  }
0x181: {  	v36 =	vadd.f32 v36, v40;
	v31 =	vadd.f32 v41, v31;
	[tilespmem:s8+$0x19B00] =	vst v38;
	v32 =	vld.idx.msk [tilespmem:v50+s4+$0x0], $0xffff  }
0x182: {  	v40 =	vadd.f32 v55, v12;
	v39 =	vld.idx.msk [tilespmem:v51+s4+$0x0], $0xffff;
	[tilespmem:s0+$0xFFFFFFE0] =	vst v35;
	v35 =	vadd.f32 v54, v12  }
0x183: {  	v33 =	vadd.f32 v52, v12;
	v19 =	vadd.f32 v19, v14;
	[tilespmem:s0+$0xA0] =	vst v31;
	v31 =	vmul.f32 v18, v7  }
0x184: {  	v22 =	vadd.s32 v56, v22;
	v41 =	vadd.f32 v59, v12;
	[tilespmem:s0+$0x40] =	vst v36;
	v35 =	vadd.f32 v37, v35  }
0x185: {  	v46 =	vmul.f32 v21, v8;
	v42 =	vld.idx.msk [tilespmem:v53+s4+$0x0], $0xffff;
	v31 =	vadd.f32 v31, v12;
	v34 =	vadd.f32 v34, v40  }
0x186: {  	v48 =	vadd.s32 v3, v27;
	v38 =	vld.idx.msk [tilespmem:v57+s4+$0x0], $0xffff;
	v32 =	vadd.f32 v32, v41;
	[tilespmem:s0+$0x80] =	vst v35  }
0x187: {  	v50 =	vmul.f32 v17, v8;
	v36 =	vld.idx.msk [tilespmem:v60+s4+$0x0], $0xffff;
	v31 =	vadd.f32 v39, v31;
	[tilespmem:s0+$0xFFFFFF60] =	vst v34  }
0x188: {  	v51 =	vmul.f32 v20, v8;
	v27 =	vadd.s32 v56, v27;
	v40 =	vadd.f32 v62, v12;
	[tilespmem:s0+$0xFFFFFF90] =	vst v32  }
0x189: {  	v7 =	vadd.s32 v3, v10;
	v41 =	vadd.f32 v0, v12;
	v37 =	vld.idx.msk [tilespmem:v61+s4+$0x0], $0xffff;
	[tilespmem:s0+$0xFFFFFFC0] =	vst v31  }
0x18a: {  	s9 =	simm.s32 $0x90;
	v39 =	vadd.f32 v4, v12;
	v40 =	vadd.f32 v42, v40;
	v35 =	vld.idx.msk [tilespmem:v63+s4+$0x0], $0xffff;
	[tilespmem:$0x1FE20] =	vst v12  }
0x18b: {  	s2 =	sor.u32 $0x30, s9;
	v21 =	vmul.f32 v21, v9;
	v31 =	vadd.s32 v3, v23;
	v38 =	vadd.f32 v38, v41;
	v34 =	vld.idx.msk [tilespmem:v2+s4+$0x0], $0xffff  }
0x18c: {  	s1 =	sor.u32 $0x60, s7;
	v17 =	vmul.f32 v17, v9;
	v36 =	vadd.f32 v36, v39;
	[tilespmem:s2+$0x19B00] =	vst v40;
	v32 =	vld.idx.msk [tilespmem:v5+s4+$0x0], $0xffff  }
0x18d: {  	v54 =	vmul.f32 v16, v8;
	[tilespmem:s1+$0x19B00] =	vst v38;
	v40 =	vadd.f32 v11, v1;
	v42 =	vld.idx.msk [tilespmem:v6+s4+$0x0], $0xffff  }
0x18e: {  	s5 =	simm.s32 $0x150;
	v39 =	vadd.f32 v44, v1;
	[tilespmem:s0+$0x50] =	vst v36;
	v33 =	vadd.f32 v37, v33;
	v41 =	vld.idx.msk [tilespmem:v7+s4+$0x0], $0xffff  }
0x18f: {  	s10 =	sor.u32 $0x70, s5;
	v10 =	vadd.s32 v56, v10;
	v37 =	vadd.f32 v46, v1;
	v38 =	vld.idx.msk [tilespmem:v45+s4+$0x0], $0xffff;
	v35 =	vadd.f32 v35, v40  }
0x190: {  	s13 =	simm.s32 $0xD1;
	v21 =	vadd.f32 v21, v14;
	s1 =	simm.s32 $0x1DA00;
	v31 =	vld.idx.msk [tilespmem:v31+s4+$0x0], $0xffff;
	[tilespmem:s10+$0x19B00] =	vst v33;
	v34 =	vadd.f32 v34, v39  }
0x191: {  	s11 =	simm.s32 $0xD7;
	v58 =	vmov s13;
	v53 =	vld.idx.msk [tilespmem:v48+s4+$0x0], $0xffff;
	v39 =	vadd.f32 v49, v1;
	v32 =	vadd.f32 v32, v37;
	[tilespmem:s1+$0x40] =	vst v35  }
0x192: {  	s12 =	simm.s32 $0xD0;
	v55 =	vmov s11;
	v23 =	vadd.s32 v56, v23;
	v33 =	vadd.f32 v50, v1;
	[tilespmem:s1+$0xFFFFFF80] =	vst v34;
	v28 =	vld.idx.msk [tilespmem:v28+s4+$0x0], $0xffff  }
0x193: {  	v57 =	vmov s12;
	v36 =	vadd.f32 v47, v1;
	v52 =	vadd.f32 v42, v39;
	[tilespmem:s1+$0xFFFFFFA0] =	vst v32;
	v29 =	vld.idx.msk [tilespmem:v29+s4+$0x0], $0xffff  }
0x194: {  	s17 =	simm.s32 $0xD5;
	v18 =	vmul.f32 v18, v9;
	v33 =	vadd.f32 v41, v33;
	v35 =	vadd.f32 v51, v1;
	[tilespmem:$0x1FE30] =	vst v1  }
0x195: {  	v60 =	vmov s17;
	v37 =	vadd.f32 v54, v1;
	v31 =	vadd.f32 v31, v36;
	[tilespmem:s1+$0xFFFFFFE0] =	vst v52  }
0x196: {  	v18 =	vadd.f32 v18, v14;
	v61 =	vand.u32 $0xFFFFFFF9, v58;
	v35 =	vadd.f32 v38, v35;
	v25 =	vld.idx.msk [tilespmem:v25+s4+$0x0], $0xffff;
	[tilespmem:s1+$0x0] =	vst v33  }
0x197: {  	s14 =	simm.s32 $0xD2;
	v36 =	vadd.f32 v53, v37;
	v33 =	vbroadcast v61, $0x0;
	[tilespmem:s1+$0xFFFFFFC0] =	vst v31;
	v24 =	vld.idx.msk [tilespmem:v24+s4+$0x0], $0xffff;
	v26 =	vadd.f32 v28, v26  }
0x198: {  	s15 =	simm.s32 $0xD3;
	v23 =	vld.idx.msk [tilespmem:v23+s4+$0x0], $0xffff;
	v28 =	vmov s14;
	v59 =	vadd.f32 v29, v15;
	v29 =	vand.u32 $0xFFFFFFF8, v57  }
0x199: {  	s18 =	simm.s32 $0xC0;
	s16 =	simm.s32 $0xD4;
	v12 =	vmov s15;
	v48 =	vld.idx.msk [tilespmem:v55+s22+$0x0], $0xffff;
	[tilespmem:s1+$0x20] =	vst v35;
	v28 =	vand.u32 $0xFFFFFFFA, v28;
	v29 =	vbroadcast v29, $0x0  }
0x19a: {  	v62 =	vand.u32 $0xFFFFFFFB, v12;
	s2 =	sor.u32 $0x50, s18;
	v13 =	vld.idx.msk [tilespmem:v55+s23+$0x0], $0xffff;
	v31 =	vmov s16;
	[tilespmem:s1+$0x60] =	vst v36;
	v34 =	vbroadcast v28, $0x0  }
0x19b: {  	s19 =	simm.s32 $0x20;
	v35 =	vbroadcast v62, $0x0;
	v10 =	vld.idx.msk [tilespmem:v10+s4+$0x0], $0xffff;
	v31 =	vand.u32 $0xFFFFFFFC, v31;
	v25 =	vadd.f32 v25, v21;
	[tilespmem:s2+$0x1D980] =	vst v26  }
0x19c: {  	s21 =	simm.s32 $0x60;
	v36 =	vbroadcast v31, $0x0;
	v28 =	vand.u32 $0xFFFFFFFD, v60;
	v26 =	vld.idx.msk [tilespmem:v22+s4+$0x0], $0xffff;
	s2 =	sor.u32 $0x30, s19;
	[tilespmem:s1+$0xFFFFFF90] =	vst v59;
	v24 =	vadd.f32 v24, v19  }
0x19d: {  	s20 =	simm.s32 $0x40;
	v20 =	vmul.f32 v20, v9;
	v27 =	vld.idx.msk [tilespmem:v27+s4+$0x0], $0xffff;
	v37 =	vbroadcast v28, $0x0;
	v23 =	vadd.f32 v23, v18;
	[tilespmem:s2+$0x1D980] =	vst v25;
	s2 =	sor.u32 $0x70, s21  }
0x19e: {  	s8 =	sor.u32 $0x50, s20;
	v17 =	vadd.f32 v17, v14;
	v18 =	vld.idx.msk [tilespmem:v33+s22+$0x0], $0xffff;
	[tilespmem:s2+$0x1D980] =	vst v24  }
0x19f: {  	v16 =	vmul.f32 v16, v9;
	v20 =	vadd.f32 v20, v14;
	[tilespmem:s8+$0x1D980] =	vst v23;
	v22 =	vld.idx.msk [tilespmem:v29+s22+$0x0], $0xffff  }
0x1a0: {  	s24 =	simm.s32 $0xD6;
	v17 =	vadd.f32 v10, v17;
	v19 =	vld.idx.msk [tilespmem:v34+s22+$0x0], $0xffff;
	[tilespmem:$0x1FE40] =	vst v14  }
0x1a1: {  	s25 =	simm.s32 $0xA0;
	v16 =	vadd.f32 v16, v14;
	v23 =	vmov s24;
	v63 =	vadd.f32 v26, v20;
	v20 =	vld.idx.msk [tilespmem:v35+s22+$0x0], $0xffff  }
0x1a2: {  	s26 =	sor.u32 $0x30, s25;
	s2 =	simm.s32 $0xE0;
	v23 =	vand.u32 $0xFFFFFFFE, v23;
	[tilespmem:s1+$0x10] =	vst v17;
	v17 =	vld.idx.msk [tilespmem:v36+s22+$0x0], $0xffff  }
0x1a3: {  	v31 =	vadd.f32 v27, v16;
	s9 =	sor.u32 $0x70, s2;
	s8 =	simm.s32 $0x8;
	v26 =	vbroadcast v23, $0x0;
	[tilespmem:s26+$0x1D980] =	vst v63;
	v16 =	vld.idx.msk [tilespmem:v37+s22+$0x0], $0xffff  }
.LBB2_4:
0x1a4: {  	v46 =	vld [tilespmem:$0x1FF60]  }
0x1a5: {  	v8 =	vld [tilespmem:$0x1FF80]  }
0x1a6: {  	v15 =	vld [tilespmem:$0x1FF20]  }
0x1a7: {  	v6 =	vld [tilespmem:$0x1FF40]  }
0x1a8: {  	v9 =	vld [tilespmem:$0x1FFA0]  }
0x1a9: {  	v4 =	vld [tilespmem:$0x1FFD0]  }
0x1aa: {  	v3 =	vld [tilespmem:$0x1FFE0]  }
0x1ab: {  	v49 =	vld.idx.msk [tilespmem:v29+s23+$0x0], $0xffff  }
0x1ac: {  	v33 =	vld.idx.msk [tilespmem:v33+s23+$0x0], $0xffff  }
0x1ad: {  	v2 =	vld [tilespmem:$0x1FFC0]  }
0x1ae: {  	v34 =	vld.idx.msk [tilespmem:v34+s23+$0x0], $0xffff  }
0x1af: {  	s10 =	sadd.s32 $0xD7, s8;
	v21 =	vmul.u32 $0x50, v13;
	v55 =	vld.idx.msk [tilespmem:v35+s23+$0x0], $0xffff;
	v27 =	vmul.f32 v48, v46  }
0x1b0: {  	v53 =	vmov s10;
	v43 =	vld.idx.msk [tilespmem:v26+s23+$0x0], $0xffff;
	v23 =	vmul.f32 v48, v8;
	v38 =	vmul.f32 v48, v15  }
0x1b1: {  	v1 =	vld [tilespmem:$0x1FE30];
	[tilespmem:s9+$0x1D980] =	vst v31;
	v39 =	vmul.f32 v48, v6;
	v0 =	vmul.f32 v22, v9;
	v61 =	vadd.s32 v4, v21  }
0x1b2: {  	v41 =	vmul.f32 v22, v8;
	v63 =	vmul.f32 v19, v8;
	v10 =	vadd.s32 v3, v21;
	[tilespmem:$0x1FDE0] =	vst v61  }
0x1b3: {  	v36 =	vld.idx.msk [tilespmem:v36+s23+$0x0], $0xffff;
	v14 =	vlaneseq.u32;
	v7 =	vmul.f32 v20, v8;
	v11 =	vmul.f32 v17, v8;
	[tilespmem:$0x1FDA0] =	vst v10  }
0x1b4: {  	v32 =	vmul.f32 v16, v8;
	v50 =	vmul.f32 v22, v46;
	v40 =	vadd.s32 v2, v21;
	[tilespmem:$0x1FDC0] =	vst v0;
	v0 =	vld [tilespmem:$0x1FFF0]  }
0x1b5: {  	v31 =	vmul.f32 v20, v46;
	v44 =	vmul.f32 v16, v46;
	v35 =	vmul.u32 $0x50, v43;
	[tilespmem:$0x1FD80] =	vst v7;
	v7 =	vld [tilespmem:$0x1FE10]  }
0x1b6: {  	v56 =	vmul.f32 v22, v6;
	v61 =	vmul.u32 $0x50, v49;
	v60 =	vadd.f32 v23, v1;
	[tilespmem:$0x1FD90] =	vst v11;
	v11 =	vld.idx.msk [tilespmem:v53+s22+$0x0], $0xffff  }
0x1b7: {  	v57 =	vmul.f32 v18, v6;
	v58 =	vmul.f32 v19, v6;
	[tilespmem:$0x1FD60] =	vst v63;
	v45 =	vor.u32 v14, v35  }
0x1b8: {  	v43 =	vmul.u32 $0x50, v33;
	v63 =	vmul.f32 v22, v15;
	v10 =	vor.u32 v14, v61;
	[tilespmem:$0x1FDD0] =	vst v60;
	v60 =	vld.idx.msk [tilespmem:v37+s23+$0x0], $0xffff  }
0x1b9: {  	v22 =	vld.idx.msk [tilespmem:v26+s22+$0x0], $0xffff;
	v37 =	vmul.u32 $0x50, v55;
	v51 =	vadd.s32 v0, v21;
	v21 =	vor.u32 v14, v21  }
0x1ba: {  	v47 =	vld [tilespmem:$0x1FE00];
	v26 =	vor.u32 v14, v43;
	v29 =	vadd.f32 v39, v7;
	v39 =	vmul.u32 $0x50, v34  }
0x1bb: {  	v5 =	vld [tilespmem:$0x1FE20];
	v59 =	vmul.f32 v20, v6;
	v24 =	vmul.f32 v18, v15;
	[tilespmem:$0x1FDF0] =	vst v11;
	v11 =	vor.u32 v14, v37  }
0x1bc: {  	v25 =	vmul.f32 v19, v15;
	v34 =	vmul.u32 $0x50, v36;
	v13 =	vld.idx.msk [tilespmem:v45+s4+$0x0], $0xffff;
	v28 =	vor.u32 v14, v39  }
0x1bd: {  	v30 =	vmul.f32 v20, v15;
	v12 =	vmul.f32 v16, v15;
	[tilespmem:$0x1FD40] =	vst v40;
	v10 =	vld.idx.msk [tilespmem:v10+s4+$0x0], $0xffff;
	v33 =	vmul.u32 $0x50, v60  }
0x1be: {  	[tilespmem:$0x1FD50] =	vst v44;
	v44 =	vmul.f32 v22, v15;
	v60 =	vld.idx.msk [tilespmem:v21+s4+$0x0], $0xffff;
	v21 =	vor.u32 v14, v34  }
0x1bf: {  	[tilespmem:$0x1FDB0] =	vst v32;
	v54 =	vadd.f32 v38, v47;
	v26 =	vld.idx.msk [tilespmem:v26+s4+$0x0], $0xffff;
	v14 =	vor.u32 v14, v33  }
0x1c0: {  	v49 =	vadd.s32 v3, v61;
	v55 =	vadd.s32 v4, v61;
	v44 =	vadd.f32 v44, v47;
	v11 =	vld.idx.msk [tilespmem:v11+s4+$0x0], $0xffff  }
0x1c1: {  	v63 =	vadd.f32 v63, v47;
	v36 =	vmul.f32 v17, v15;
	v15 =	vadd.s32 v0, v35;
	v28 =	vld.idx.msk [tilespmem:v28+s4+$0x0], $0xffff  }
0x1c2: {  	v45 =	vadd.s32 v2, v61;
	v61 =	vadd.s32 v0, v61;
	v44 =	vadd.f32 v44, v13;
	v13 =	vld.idx.msk [tilespmem:v53+s23+$0x0], $0xffff  }
0x1c3: {  	v24 =	vadd.f32 v24, v47;
	v25 =	vadd.f32 v25, v47;
	v32 =	vadd.s32 v0, v43;
	v21 =	vld.idx.msk [tilespmem:v21+s4+$0x0], $0xffff  }
0x1c4: {  	s0 =	sadd.s32 $0x180, s0;
	v30 =	vadd.f32 v30, v47;
	v40 =	vadd.s32 v0, v39;
	v10 =	vadd.f32 v63, v10;
	v14 =	vld.idx.msk [tilespmem:v14+s4+$0x0], $0xffff  }
0x1c5: {  	v12 =	vadd.f32 v12, v47;
	v63 =	vadd.s32 v0, v37;
	v24 =	vadd.f32 v24, v26;
	v53 =	vld [tilespmem:$0x1FD50];
	[tilespmem:s0+$0x60] =	vst v44  }
0x1c6: {  	v26 =	vadd.f32 v36, v47;
	[tilespmem:s0+$0xFFFFFF40] =	vst v10;
	v15 =	vld.idx.msk [tilespmem:v15+s4+$0x0], $0xffff;
	v44 =	vadd.f32 v25, v28  }
0x1c7: {  	v36 =	vadd.s32 v0, v34;
	[tilespmem:s0+$0xFFFFFF70] =	vst v24;
	v11 =	vadd.f32 v30, v11;
	v25 =	vld.idx.msk [tilespmem:v61+s4+$0x0], $0xffff  }
0x1c8: {  	v24 =	vadd.s32 v0, v33;
	v28 =	vld.idx.msk [tilespmem:v32+s4+$0x0], $0xffff;
	[tilespmem:s0+$0xFFFFFFA0] =	vst v44;
	v47 =	vadd.f32 v26, v21  }
0x1c9: {  	v52 =	vmul.f32 v16, v6;
	[tilespmem:s0+$0xFFFFFFD0] =	vst v11;
	v26 =	vld.idx.msk [tilespmem:v40+s4+$0x0], $0xffff;
	v61 =	vadd.f32 v12, v14  }
0x1ca: {  	v56 =	vadd.f32 v56, v7;
	v12 =	vadd.f32 v54, v60;
	v14 =	vld.idx.msk [tilespmem:v63+s4+$0x0], $0xffff;
	[tilespmem:s0+$0x0] =	vst v47  }
0x1cb: {  	v62 =	vadd.f32 v27, v5;
	v57 =	vadd.f32 v57, v7;
	v30 =	vadd.s32 v2, v43;
	[tilespmem:s0+$0x30] =	vst v61;
	v47 =	vld [tilespmem:$0x1FD40]  }
0x1cc: {  	v21 =	vmul.f32 v22, v6;
	[tilespmem:s0+$0x90] =	vst v12;
	v12 =	vadd.f32 v25, v56;
	v36 =	vld.idx.msk [tilespmem:v36+s4+$0x0], $0xffff  }
0x1cd: {  	[tilespmem:$0x1FD70] =	vst v62;
	v0 =	vadd.f32 v58, v7;
	v28 =	vadd.f32 v28, v57;
	v24 =	vld.idx.msk [tilespmem:v24+s4+$0x0], $0xffff  }
0x1ce: {  	v63 =	vadd.f32 v21, v7;
	v21 =	vadd.s32 v2, v35;
	v54 =	vld.idx.msk [tilespmem:v51+s4+$0x0], $0xffff;
	[tilespmem:s0+$0xFFFFFF50] =	vst v12  }
0x1cf: {  	s5 =	sadd.s32 $0x180, s5;
	v23 =	vmul.f32 v18, v46;
	[tilespmem:s0+$0xFFFFFF80] =	vst v28;
	v58 =	vadd.f32 v26, v0;
	v26 =	vld.idx.msk [tilespmem:v45+s4+$0x0], $0xffff  }
0x1d0: {  	s11 =	sadd.s32 $0xFFFFFFD0, s5;
	v62 =	vmul.f32 v17, v6;
	v6 =	vadd.s32 v2, v39;
	v10 =	vadd.f32 v15, v63;
	v28 =	vld.idx.msk [tilespmem:v30+s4+$0x0], $0xffff  }
0x1d1: {  	s24 =	sor.u32 $0x30, s11;
	v27 =	vmul.f32 v19, v46;
	v25 =	vadd.s32 v2, v37;
	v15 =	vadd.f32 v59, v7;
	v45 =	vld [tilespmem:$0x1FD90]  }
0x1d2: {  	s20 =	sadd.s32 $0xFFFFFF10, s5;
	v38 =	vmul.f32 v17, v46;
	v30 =	vmul.f32 v22, v46;
	v46 =	vld [tilespmem:$0x1FDA0];
	[tilespmem:s24+$0x19B00] =	vst v10  }
0x1d3: {  	s12 =	sor.u32 $0x70, s20;
	v56 =	vadd.f32 v62, v7;
	v57 =	vadd.s32 v2, v34;
	v14 =	vadd.f32 v14, v15;
	v21 =	vld.idx.msk [tilespmem:v21+s4+$0x0], $0xffff  }
0x1d4: {  	v12 =	vadd.f32 v52, v7;
	v15 =	vadd.s32 v2, v33;
	[tilespmem:s12+$0x19B00] =	vst v58;
	v58 =	vld [tilespmem:$0x1FD60]  }
0x1d5: {  	s21 =	sadd.s32 $0xFFFFFF70, s5;
	v61 =	vadd.f32 v23, v5;
	v59 =	vadd.f32 v36, v56;
	v11 =	vld.idx.msk [tilespmem:v6+s4+$0x0], $0xffff;
	[tilespmem:s0+$0xFFFFFFE0] =	vst v14  }
0x1d6: {  	s13 =	sor.u32 $0x50, s21;
	v50 =	vadd.f32 v50, v5;
	v12 =	vadd.f32 v24, v12;
	v25 =	vld.idx.msk [tilespmem:v25+s4+$0x0], $0xffff  }
0x1d7: {  	v23 =	vadd.f32 v54, v29;
	[tilespmem:s13+$0x19B00] =	vst v59;
	v28 =	vadd.f32 v28, v61;
	v61 =	vld [tilespmem:$0x1FD70]  }
0x1d8: {  	v62 =	vadd.f32 v30, v5;
	v30 =	vadd.s32 v3, v43;
	[tilespmem:s0+$0x40] =	vst v12;
	v7 =	vld.idx.msk [tilespmem:v57+s4+$0x0], $0xffff  }
0x1d9: {  	v14 =	vadd.s32 v3, v35;
	[tilespmem:s0+$0xA0] =	vst v23;
	v15 =	vld.idx.msk [tilespmem:v15+s4+$0x0], $0xffff  }
0x1da: {  	v42 =	vmul.f32 v18, v8;
	v10 =	vadd.f32 v21, v62;
	v21 =	vadd.f32 v26, v50;
	v50 =	vld.idx.msk [tilespmem:v47+s4+$0x0], $0xffff  }
0x1db: {  	v63 =	vadd.f32 v27, v5;
	v6 =	vadd.s32 v3, v39;
	v29 =	vadd.f32 v38, v5;
	[tilespmem:s0+$0xFFFFFF90] =	vst v28;
	v62 =	vld [tilespmem:$0x1FD80]  }
0x1dc: {  	v23 =	vadd.f32 v31, v5;
	v26 =	vadd.s32 v3, v37;
	v59 =	vadd.f32 v58, v1;
	v58 =	vld [tilespmem:$0x1FDE0];
	[tilespmem:s0+$0x80] =	vst v10  }
0x1dd: {  	v11 =	vadd.f32 v11, v63;
	v30 =	vld.idx.msk [tilespmem:v30+s4+$0x0], $0xffff;
	[tilespmem:s0+$0xFFFFFF60] =	vst v21;
	v21 =	vadd.s32 v3, v34  }
0x1de: {  	s14 =	sadd.s32 $0xD0, s8;
	s25 =	sadd.s32 $0xFFFFFF40, s5;
	v54 =	vadd.s32 v3, v33;
	v28 =	vadd.f32 v53, v5;
	v56 =	vadd.f32 v25, v23;
	v14 =	vld.idx.msk [tilespmem:v14+s4+$0x0], $0xffff  }
0x1df: {  	s11 =	sor.u32 $0x30, s25;
	v41 =	vadd.f32 v41, v1;
	v60 =	vmov s14;
	v52 =	vld.idx.msk [tilespmem:v49+s4+$0x0], $0xffff;
	[tilespmem:s0+$0xFFFFFFC0] =	vst v11;
	v29 =	vadd.f32 v7, v29  }
0x1e0: {  	s10 =	sor.u32 $0x60, s21;
	v32 =	vand.u32 $0xFFFFFFF8, v60;
	v23 =	vmul.f32 v22, v8;
	v57 =	vld.idx.msk [tilespmem:v6+s4+$0x0], $0xffff;
	[tilespmem:s11+$0x19B00] =	vst v56;
	v60 =	vadd.f32 v15, v28  }
0x1e1: {  	v42 =	vadd.f32 v42, v1;
	v25 =	vadd.s32 v4, v43;
	v26 =	vld.idx.msk [tilespmem:v26+s4+$0x0], $0xffff;
	[tilespmem:s10+$0x19B00] =	vst v29  }
0x1e2: {  	v15 =	vadd.f32 v23, v1;
	v10 =	vadd.f32 v50, v61;
	[tilespmem:s0+$0x50] =	vst v60;
	v21 =	vld.idx.msk [tilespmem:v21+s4+$0x0], $0xffff  }
0x1e3: {  	s26 =	sor.u32 $0x70, s5;
	v30 =	vadd.f32 v30, v42;
	v6 =	vld.idx.msk [tilespmem:v54+s4+$0x0], $0xffff  }
0x1e4: {  	s7 =	sadd.s32 $0xD1, s8;
	s1 =	sadd.s32 $0x100, s1;
	v28 =	vadd.s32 v4, v39;
	[tilespmem:s26+$0x19B00] =	vst v10;
	v54 =	vld [tilespmem:$0x1FDC0];
	v5 =	vadd.f32 v14, v15;
	v15 =	vadd.f32 v52, v41  }
0x1e5: {  	s16 =	sadd.s32 $0xD5, s8;
	v24 =	vmov s7;
	v47 =	vld.idx.msk [tilespmem:v46+s4+$0x0], $0xffff;
	[tilespmem:s1+$0xFFFFFFA0] =	vst v30  }
0x1e6: {  	v51 =	vmov s16;
	v24 =	vand.u32 $0xFFFFFFF9, v24;
	v52 =	vld [tilespmem:$0x1FDB0];
	[tilespmem:s1+$0xFFFFFF80] =	vst v15;
	v15 =	vadd.f32 v57, v59  }
0x1e7: {  	s15 =	sadd.s32 $0xD4, s8;
	v53 =	vadd.s32 v4, v33;
	v33 =	vbroadcast v24, $0x0;
	v23 =	vadd.s32 v4, v35;
	v24 =	vld.idx.msk [tilespmem:v25+s4+$0x0], $0xffff  }
0x1e8: {  	s14 =	sadd.s32 $0xD3, s8;
	v31 =	vmov s15;
	v49 =	vand.u32 $0xFFFFFFFD, v51;
	v51 =	vld.idx.msk [tilespmem:v55+s4+$0x0], $0xffff;
	[tilespmem:s1+$0xFFFFFFC0] =	vst v15  }
0x1e9: {  	v27 =	vmov s14;
	v7 =	vand.u32 $0xFFFFFFFC, v31;
	v25 =	vld.idx.msk [tilespmem:v28+s4+$0x0], $0xffff  }
0x1ea: {  	v63 =	vadd.f32 v62, v1;
	v14 =	vand.u32 $0xFFFFFFFB, v27;
	v27 =	vadd.s32 v4, v37;
	v28 =	vld [tilespmem:$0x1FE40]  }
0x1eb: {  	s13 =	sadd.s32 $0xD2, s8;
	v31 =	vadd.f32 v45, v1;
	v50 =	vadd.s32 v4, v34;
	v35 =	vbroadcast v14, $0x0;
	[tilespmem:s1+$0x40] =	vst v5;
	v55 =	vld [tilespmem:$0x1FDD0]  }
0x1ec: {  	v18 =	vmul.f32 v18, v9;
	v12 =	vmov s13;
	v23 =	vld.idx.msk [tilespmem:v23+s4+$0x0], $0xffff;
	v15 =	vadd.f32 v26, v63  }
0x1ed: {  	v22 =	vmul.f32 v22, v9;
	v21 =	vadd.f32 v21, v31;
	v30 =	vadd.f32 v52, v1  }
0x1ee: {  	v19 =	vmul.f32 v19, v9;
	v12 =	vand.u32 $0xFFFFFFFA, v12;
	[tilespmem:s1+$0xFFFFFFE0] =	vst v15;
	v15 =	vmul.f32 v20, v9  }
0x1ef: {  	v36 =	vbroadcast v7, $0x0;
	[tilespmem:s1+$0x0] =	vst v21;
	v20 =	vadd.f32 v6, v30;
	v26 =	vld.idx.msk [tilespmem:v27+s4+$0x0], $0xffff;
	v22 =	vadd.f32 v22, v28  }
0x1f0: {  	v34 =	vbroadcast v12, $0x0;
	v21 =	vld.idx.msk [tilespmem:v50+s4+$0x0], $0xffff;
	v11 =	vadd.f32 v47, v55;
	v12 =	vadd.f32 v54, v28  }
0x1f1: {  	s2 =	sadd.s32 $0x100, s2;
	v37 =	vbroadcast v49, $0x0;
	[tilespmem:s1+$0x20] =	vst v20;
	v20 =	vld.idx.msk [tilespmem:v35+s22+$0x0], $0xffff;
	v14 =	vadd.f32 v18, v28;
	v18 =	vadd.f32 v23, v22  }
0x1f2: {  	s19 =	sadd.s32 $0xFFFFFFE0, s2;
	v29 =	vbroadcast v32, $0x0;
	[tilespmem:s1+$0x60] =	vst v11;
	v56 =	vadd.f32 v51, v12;
	v12 =	vadd.f32 v19, v28;
	v23 =	vld.idx.msk [tilespmem:v53+s4+$0x0], $0xffff  }
0x1f3: {  	s11 =	sor.u32 $0x50, s19;
	v57 =	vadd.f32 v24, v14;
	v14 =	vmul.f32 v17, v9;
	v24 =	vld.idx.msk [tilespmem:v58+s4+$0x0], $0xffff  }
0x1f4: {  	s17 =	sadd.s32 $0xFFFFFF40, s2;
	v61 =	vld [tilespmem:$0x1FDF0];
	s26 =	sadd.s32 $0xD6, s8;
	s8 =	sadd.s32 $0x8, s8;
	[tilespmem:s11+$0x1D980] =	vst v18;
	v59 =	vadd.f32 v25, v12;
	v12 =	vadd.f32 v15, v28;
	v15 =	vmul.f32 v16, v9  }
0x1f5: {  	s18 =	sadd.s32 $0xFFFFFF60, s2;
	s24 =	sor.u32 $0x30, s17;
	p0 =	slt.u32 s8, $0xC0;
	v17 =	vld.idx.msk [tilespmem:v36+s22+$0x0], $0xffff;
	[tilespmem:s1+$0xFFFFFF90] =	vst v56;
	v60 =	vadd.f32 v14, v28  }
.Ltmp1:
0x1f6: {  	s20 =	sadd.s32 $0xFFFFFF80, s2;
	s10 =	sor.u32 $0x50, s18;
	[tilespmem:s24+$0x1D980] =	vst v57;
	v14 =	vmul.f32 v48, v9;
	v62 =	vadd.f32 v26, v12;
	v12 =	vadd.f32 v15, v28;
	(pc) =	sbr.rel @p0 .LBB2_4-.Ltmp1, $4  }
0x1f7: {  	s12 =	sor.u32 $0x70, s20;
	v16 =	vld.idx.msk [tilespmem:v37+s22+$0x0], $0xffff;
	[tilespmem:s10+$0x1D980] =	vst v59;
	v11 =	vadd.f32 v21, v60  }
0x1f8: {  	s21 =	sadd.s32 $0xFFFFFFC0, s2;
	v22 =	vld.idx.msk [tilespmem:v29+s22+$0x0], $0xffff;
	v15 =	vmov s26;
	v14 =	vadd.f32 v14, v28;
	[tilespmem:s12+$0x1D980] =	vst v62;
	v63 =	vadd.f32 v23, v12  }
0x1f9: {  	s25 =	sor.u32 $0x30, s21;
	v18 =	vld.idx.msk [tilespmem:v33+s22+$0x0], $0xffff;
	v15 =	vand.u32 $0xFFFFFFFE, v15;
	[tilespmem:s1+$0x10] =	vst v11  }
0x1fa: {  	s9 =	sor.u32 $0x70, s2;
	v48 =	vmov v61;
	v19 =	vld.idx.msk [tilespmem:v34+s22+$0x0], $0xffff;
	v26 =	vbroadcast v15, $0x0;
	v31 =	vadd.f32 v24, v14;
	[tilespmem:s25+$0x1D980] =	vst v63  }
0x1fb: {  	_ =	sdelay $0x3  }
0x1fc: {  	v11 =	vld.idx.msk [tilespmem:v29+s23+$0x0], $0xffff  }
0x1fd: {  	v10 =	vld.idx.msk [tilespmem:v26+s23+$0x0], $0xffff  }
0x1fe: {  	v12 =	vld.idx.msk [tilespmem:v33+s23+$0x0], $0xffff  }
0x1ff: {  	v14 =	vld.idx.msk [tilespmem:v34+s23+$0x0], $0xffff  }
0x200: {  	v15 =	vld.idx.msk [tilespmem:v35+s23+$0x0], $0xffff  }
0x201: {  	v29 =	vmul.u32 $0x50, v11  }
0x202: {  	v0 =	vlaneseq.u32;
	v11 =	vld.idx.msk [tilespmem:v37+s23+$0x0], $0xffff;
	v28 =	vmul.u32 $0x50, v10  }
0x203: {  	v25 =	vmul.u32 $0x50, v12;
	v10 =	vld.idx.msk [tilespmem:v36+s23+$0x0], $0xffff;
	v30 =	vor.u32 v0, v29  }
0x204: {  	v5 =	vld [tilespmem:$0x1FF20];
	v24 =	vmul.u32 $0x50, v14;
	v50 =	vor.u32 v0, v28  }
0x205: {  	v23 =	vld.idx.msk [tilespmem:v26+s22+$0x0], $0xffff;
	v26 =	vmul.u32 $0x50, v15;
	v51 =	vor.u32 v0, v25  }
0x206: {  	v1 =	vld [tilespmem:$0x1FE00];
	[tilespmem:s9+$0x1D980] =	vst v31;
	v52 =	vor.u32 v0, v24  }
0x207: {  	v62 =	vld [tilespmem:$0x1FFF0];
	v54 =	vor.u32 v0, v26  }
0x208: {  	v21 =	vmul.u32 $0x50, v13;
	v27 =	vmul.u32 $0x50, v10;
	v10 =	vmul.u32 $0x50, v11;
	v11 =	vld.idx.msk [tilespmem:v30+s4+$0x0], $0xffff  }
0x209: {  	v56 =	vmul.f32 v22, v5;
	v12 =	vld.idx.msk [tilespmem:v50+s4+$0x0], $0xffff  }
0x20a: {  	v32 =	vor.u32 v0, v21;
	v55 =	vmul.f32 v23, v5;
	v14 =	vld.idx.msk [tilespmem:v51+s4+$0x0], $0xffff  }
0x20b: {  	v58 =	vmul.f32 v18, v5;
	v34 =	vadd.f32 v56, v1;
	v13 =	vld.idx.msk [tilespmem:v52+s4+$0x0], $0xffff;
	v57 =	vor.u32 v0, v27  }
0x20c: {  	v40 =	vmul.f32 v19, v5;
	v38 =	vmul.f32 v20, v5;
	v30 =	vadd.f32 v55, v1;
	v33 =	vld.idx.msk [tilespmem:v54+s4+$0x0], $0xffff  }
0x20d: {  	v36 =	vadd.f32 v58, v1;
	v59 =	vor.u32 v0, v10;
	v11 =	vadd.f32 v34, v11  }
0x20e: {  	s0 =	sadd.s32 $0x180, s0;
	v31 =	vadd.f32 v40, v1;
	v12 =	vadd.f32 v30, v12  }
0x20f: {  	v32 =	vld.idx.msk [tilespmem:v32+s4+$0x0], $0xffff;
	v38 =	vadd.f32 v38, v1;
	v14 =	vadd.f32 v36, v14;
	[tilespmem:s0+$0xFFFFFF40] =	vst v11  }
0x210: {  	v43 =	vadd.s32 v62, v29;
	v13 =	vadd.f32 v31, v13;
	v35 =	vld.idx.msk [tilespmem:v57+s4+$0x0], $0xffff;
	[tilespmem:s0+$0x60] =	vst v12  }
0x211: {  	v53 =	vmul.f32 v48, v5;
	v42 =	vadd.s32 v62, v28;
	v33 =	vadd.f32 v38, v33;
	v6 =	vld [tilespmem:$0x1FF40];
	[tilespmem:s0+$0xFFFFFF70] =	vst v14  }
0x212: {  	v41 =	vmul.f32 v17, v5;
	v45 =	vadd.s32 v62, v25;
	v37 =	vld.idx.msk [tilespmem:v59+s4+$0x0], $0xffff;
	[tilespmem:s0+$0xFFFFFFA0] =	vst v13  }
0x213: {  	v44 =	vmul.f32 v16, v5;
	v15 =	vadd.f32 v53, v1;
	v50 =	vadd.s32 v62, v26;
	[tilespmem:s0+$0xFFFFFFD0] =	vst v33  }
0x214: {  	v30 =	vadd.f32 v41, v1;
	v11 =	vadd.s32 v62, v24;
	v0 =	vld [tilespmem:$0x1FE10]  }
0x215: {  	v15 =	vadd.f32 v15, v32;
	v12 =	vadd.f32 v44, v1;
	v36 =	vld.idx.msk [tilespmem:v43+s4+$0x0], $0xffff  }
0x216: {  	v51 =	vadd.s32 v62, v27;
	v54 =	vadd.s32 v62, v10;
	v34 =	vld.idx.msk [tilespmem:v42+s4+$0x0], $0xffff;
	v30 =	vadd.f32 v30, v35  }
0x217: {  	v31 =	vld.idx.msk [tilespmem:v45+s4+$0x0], $0xffff;
	[tilespmem:s0+$0x90] =	vst v15;
	v12 =	vadd.f32 v12, v37;
	v49 =	vmul.f32 v23, v6  }
0x218: {  	v14 =	vadd.s32 v62, v21;
	v33 =	vld.idx.msk [tilespmem:v50+s4+$0x0], $0xffff;
	[tilespmem:s0+$0x0] =	vst v30;
	v46 =	vmul.f32 v22, v6  }
0x219: {  	v11 =	vld.idx.msk [tilespmem:v11+s4+$0x0], $0xffff;
	[tilespmem:s0+$0x30] =	vst v12;
	v47 =	vmul.f32 v18, v6;
	v52 =	vadd.f32 v49, v0  }
0x21a: {  	s5 =	sadd.s32 $0x180, s5;
	v53 =	vmul.f32 v19, v6;
	v60 =	vmul.f32 v20, v6;
	v58 =	vld [tilespmem:$0x1FFC0];
	v38 =	vadd.f32 v46, v0  }
0x21b: {  	s8 =	sadd.s32 $0xFFFFFFD0, s5;
	v61 =	vmul.f32 v17, v6;
	v37 =	vld.idx.msk [tilespmem:v51+s4+$0x0], $0xffff;
	v13 =	vadd.f32 v47, v0;
	v55 =	vadd.f32 v34, v52  }
0x21c: {  	s8 =	sor.u32 $0x30, s8;
	v41 =	vmul.f32 v16, v6;
	v30 =	vld.idx.msk [tilespmem:v54+s4+$0x0], $0xffff;
	v63 =	vadd.f32 v53, v0;
	v40 =	vadd.f32 v36, v38  }
0x21d: {  	v14 =	vld.idx.msk [tilespmem:v14+s4+$0x0], $0xffff;
	v32 =	vadd.f32 v60, v0;
	v13 =	vadd.f32 v31, v13;
	[tilespmem:s8+$0x19B00] =	vst v55  }
0x21e: {  	s10 =	sadd.s32 $0xFFFFFF10, s5;
	v39 =	vmul.f32 v48, v6;
	v15 =	vadd.f32 v61, v0;
	v11 =	vadd.f32 v11, v63;
	v2 =	vld [tilespmem:$0x1FF60];
	[tilespmem:s0+$0xFFFFFF50] =	vst v40  }
0x21f: {  	v46 =	vadd.f32 v41, v0;
	v32 =	vadd.f32 v33, v32;
	s8 =	sor.u32 $0x70, s10;
	v1 =	vld [tilespmem:$0x1FE20];
	[tilespmem:s0+$0xFFFFFF80] =	vst v13  }
0x220: {  	s11 =	sadd.s32 $0xFFFFFF70, s5;
	v45 =	vadd.f32 v39, v0;
	v15 =	vadd.f32 v37, v15;
	[tilespmem:s8+$0x19B00] =	vst v11  }
0x221: {  	s12 =	sor.u32 $0x50, s11;
	v42 =	vadd.s32 v58, v28;
	v30 =	vadd.f32 v30, v46;
	[tilespmem:s0+$0xFFFFFFE0] =	vst v32  }
0x222: {  	v43 =	vadd.s32 v58, v29;
	v14 =	vadd.f32 v14, v45;
	[tilespmem:s12+$0x19B00] =	vst v15  }
0x223: {  	v47 =	vadd.s32 v58, v25;
	[tilespmem:s0+$0x40] =	vst v30  }
0x224: {  	v49 =	vadd.s32 v58, v24;
	[tilespmem:s0+$0xA0] =	vst v14  }
0x225: {  	v53 =	vadd.s32 v58, v26;
	v3 =	vld [tilespmem:$0x1FFE0]  }
0x226: {  	v31 =	vld.idx.msk [tilespmem:v42+s4+$0x0], $0xffff  }
0x227: {  	v12 =	vld.idx.msk [tilespmem:v43+s4+$0x0], $0xffff;
	v51 =	vmul.f32 v23, v2  }
0x228: {  	v36 =	vld.idx.msk [tilespmem:v47+s4+$0x0], $0xffff;
	v50 =	vmul.f32 v22, v2  }
0x229: {  	v54 =	vadd.s32 v58, v27;
	v13 =	vld.idx.msk [tilespmem:v49+s4+$0x0], $0xffff;
	v11 =	vmul.f32 v18, v2;
	v37 =	vadd.f32 v51, v1  }
0x22a: {  	v61 =	vld.idx.msk [tilespmem:v53+s4+$0x0], $0xffff;
	v56 =	vmul.f32 v19, v2;
	v33 =	vadd.f32 v50, v1  }
0x22b: {  	v57 =	vmul.f32 v20, v2;
	v11 =	vadd.f32 v11, v1;
	v31 =	vadd.f32 v31, v37  }
0x22c: {  	v55 =	vadd.s32 v58, v10;
	v30 =	vadd.f32 v56, v1;
	v12 =	vadd.f32 v12, v33  }
0x22d: {  	v11 =	vadd.f32 v36, v11;
	v37 =	vadd.f32 v57, v1;
	[tilespmem:s0+$0x80] =	vst v31  }
0x22e: {  	v52 =	vadd.s32 v58, v21;
	v15 =	vld.idx.msk [tilespmem:v54+s4+$0x0], $0xffff;
	v13 =	vadd.f32 v13, v30;
	[tilespmem:s0+$0xFFFFFF60] =	vst v12  }
0x22f: {  	s13 =	sadd.s32 $0xFFFFFF40, s5;
	v44 =	vmul.f32 v48, v2;
	v59 =	vadd.s32 v3, v28;
	[tilespmem:s0+$0xFFFFFF90] =	vst v11;
	v33 =	vadd.f32 v61, v37  }
0x230: {  	s9 =	sor.u32 $0x30, s13;
	v40 =	vmul.f32 v17, v2;
	v41 =	vmul.f32 v16, v2;
	v8 =	vld [tilespmem:$0x1FF80];
	[tilespmem:s0+$0xFFFFFFC0] =	vst v13  }
0x231: {  	v42 =	vld.idx.msk [tilespmem:v55+s4+$0x0], $0xffff;
	v34 =	vadd.f32 v44, v1;
	[tilespmem:s9+$0x19B00] =	vst v33  }
0x232: {  	v60 =	vadd.s32 v3, v29;
	v30 =	vadd.f32 v41, v1;
	v12 =	vadd.f32 v40, v1;
	v1 =	vld [tilespmem:$0x1FE30]  }
0x233: {  	v32 =	vld.idx.msk [tilespmem:v52+s4+$0x0], $0xffff;
	v63 =	vadd.s32 v3, v25  }
0x234: {  	v11 =	vadd.s32 v3, v24;
	v14 =	vld.idx.msk [tilespmem:v59+s4+$0x0], $0xffff  }
0x235: {  	v45 =	vadd.s32 v3, v26;
	v46 =	vmul.f32 v23, v8  }
0x236: {  	v49 =	vadd.s32 v3, v27;
	v30 =	vadd.f32 v42, v30  }
0x237: {  	v53 =	vadd.s32 v3, v10;
	v31 =	vld.idx.msk [tilespmem:v60+s4+$0x0], $0xffff;
	v12 =	vadd.f32 v15, v12;
	v50 =	vadd.f32 v46, v1  }
0x238: {  	s8 =	sor.u32 $0x60, s11;
	v51 =	vadd.f32 v32, v34;
	v35 =	vld.idx.msk [tilespmem:v63+s4+$0x0], $0xffff;
	[tilespmem:s0+$0x50] =	vst v30;
	v43 =	vmul.f32 v22, v8  }
0x239: {  	s5 =	sor.u32 $0x70, s5;
	[tilespmem:s8+$0x19B00] =	vst v12;
	v11 =	vld.idx.msk [tilespmem:v11+s4+$0x0], $0xffff;
	v44 =	vmul.f32 v18, v8;
	v12 =	vadd.f32 v14, v50  }
0x23a: {  	s14 =	sadd.s32 $0x100, s1;
	[tilespmem:s5+$0x19B00] =	vst v51;
	v37 =	vld.idx.msk [tilespmem:v45+s4+$0x0], $0xffff;
	v52 =	vmul.f32 v19, v8;
	v47 =	vadd.f32 v43, v1  }
0x23b: {  	v39 =	vld.idx.msk [tilespmem:v49+s4+$0x0], $0xffff;
	v38 =	vmul.f32 v20, v8;
	v13 =	vadd.f32 v44, v1;
	[tilespmem:s14+$0x40] =	vst v12  }
0x23c: {  	v63 =	vadd.s32 v3, v21;
	v32 =	vadd.f32 v52, v1;
	v60 =	vadd.f32 v31, v47;
	v56 =	vld [tilespmem:$0x1FFD0]  }
0x23d: {  	v40 =	vmul.f32 v17, v8;
	v13 =	vadd.f32 v35, v13;
	v12 =	vadd.f32 v38, v1  }
0x23e: {  	v11 =	vadd.f32 v11, v32;
	[tilespmem:s14+$0xFFFFFF80] =	vst v60  }
0x23f: {  	v14 =	vadd.f32 v40, v1;
	[tilespmem:s14+$0xFFFFFFA0] =	vst v13;
	v12 =	vadd.f32 v37, v12  }
0x240: {  	v30 =	vld.idx.msk [tilespmem:v53+s4+$0x0], $0xffff;
	[tilespmem:s14+$0xFFFFFFC0] =	vst v11  }
0x241: {  	v31 =	vld.idx.msk [tilespmem:v63+s4+$0x0], $0xffff;
	v11 =	vadd.f32 v39, v14;
	[tilespmem:s14+$0xFFFFFFE0] =	vst v12;
	v28 =	vadd.s32 v56, v28  }
0x242: {  	v41 =	vmul.f32 v16, v8;
	v9 =	vld [tilespmem:$0x1FFA0];
	v29 =	vadd.s32 v56, v29  }
0x243: {  	v61 =	vmul.f32 v48, v8;
	[tilespmem:s14+$0x0] =	vst v11;
	v24 =	vadd.s32 v56, v24  }
0x244: {  	v43 =	vadd.f32 v41, v1;
	v46 =	vadd.s32 v56, v27;
	v51 =	vld [tilespmem:$0x1FE40]  }
0x245: {  	v42 =	vadd.f32 v61, v1;
	v10 =	vadd.s32 v56, v10  }
0x246: {  	v15 =	vadd.f32 v30, v43;
	v11 =	vadd.s32 v56, v21;
	v45 =	vld.idx.msk [tilespmem:v28+s4+$0x0], $0xffff  }
0x247: {  	v13 =	vadd.f32 v31, v42;
	v25 =	vadd.s32 v56, v25;
	v23 =	vmul.f32 v23, v9;
	v47 =	vld.idx.msk [tilespmem:v29+s4+$0x0], $0xffff  }
0x248: {  	v44 =	vadd.s32 v56, v26;
	[tilespmem:s14+$0x20] =	vst v15;
	v49 =	vmul.f32 v22, v9;
	v53 =	vld.idx.msk [tilespmem:v24+s4+$0x0], $0xffff  }
0x249: {  	[tilespmem:s14+$0x60] =	vst v13;
	v54 =	vmul.f32 v19, v9;
	v12 =	vld.idx.msk [tilespmem:v46+s4+$0x0], $0xffff;
	v52 =	vadd.f32 v23, v51  }
0x24a: {  	s15 =	sadd.s32 $0x100, s2;
	v50 =	vmul.f32 v18, v9;
	v57 =	vmul.f32 v17, v9;
	v10 =	vld.idx.msk [tilespmem:v10+s4+$0x0], $0xffff;
	v22 =	vadd.f32 v49, v51  }
0x24b: {  	s2 =	sadd.s32 $0xFFFFFFE0, s15;
	v59 =	vmul.f32 v16, v9;
	v11 =	vld.idx.msk [tilespmem:v11+s4+$0x0], $0xffff;
	v19 =	vadd.f32 v54, v51;
	v21 =	vadd.f32 v45, v52  }
0x24c: {  	s2 =	sor.u32 $0x50, s2;
	v60 =	vmul.f32 v48, v9;
	v25 =	vld.idx.msk [tilespmem:v25+s4+$0x0], $0xffff;
	v17 =	vadd.f32 v57, v51;
	v22 =	vadd.f32 v47, v22  }
0x24d: {  	s17 =	sadd.s32 $0xFFFFFF60, s15;
	v14 =	vld.idx.msk [tilespmem:v44+s4+$0x0], $0xffff;
	v61 =	vadd.f32 v59, v51;
	v15 =	vadd.f32 v53, v19;
	[tilespmem:s2+$0x1D980] =	vst v21  }
0x24e: {  	s5 =	sor.u32 $0x50, s17;
	v55 =	vmul.f32 v20, v9;
	v63 =	vadd.f32 v60, v51;
	v12 =	vadd.f32 v12, v17;
	[tilespmem:s14+$0xFFFFFF90] =	vst v22  }
0x24f: {  	s19 =	sadd.s32 $0xFFFFFFC0, s15;
	v18 =	vadd.f32 v50, v51;
	v10 =	vadd.f32 v10, v61;
	[tilespmem:s5+$0x1D980] =	vst v15  }
0x250: {  	s20 =	sor.u32 $0x30, s19;
	v13 =	vadd.f32 v55, v51;
	v11 =	vadd.f32 v11, v63;
	[tilespmem:s14+$0x10] =	vst v12  }
0x251: {  	s16 =	sadd.s32 $0xFFFFFF40, s15;
	s21 =	sor.u32 $0x70, s15;
	v18 =	vadd.f32 v25, v18;
	[tilespmem:s20+$0x1D980] =	vst v10  }
0x252: {  	s18 =	sadd.s32 $0xFFFFFF80, s15;
	v13 =	vadd.f32 v14, v13;
	s2 =	sor.u32 $0x30, s16;
	[tilespmem:s21+$0x1D980] =	vst v11  }
0x253: {  	[tilespmem:s2+$0x1D980] =	vst v18;
	s2 =	sor.u32 $0x70, s18  }
0x254: {  	[tilespmem:s2+$0x1D980] =	vst v13  }
0x255: {  	s24 =	simm.s32 $0x19B00;
	s26 =	simm.s32 $0x1D980;
	s0 =	rddreg [dreg:$0xc]  }
0x256: {  	[hbm4b:s0+s30] =	stream.strided.scatter [tilespmem:s24], [sflag:$0x1], $0x2580, s31, s30, $0x38;
	[tilespmem:$0x1F280] =	vst v63  }
0x257: {  	s1 =	simm.s32 $0x1;
	s25 =	rddreg [dreg:$0xd];
	s0 =	simm.s32 $0x0  }
0x258: {  	[hbm4b:s25+s30] =	stream.strided.scatter [tilespmem:s26], [sflag:$0x2], $0x1900, s31, s30, $0x38;
	[tilespmem:$0x1F280] =	vst v63  }
.LBB2_6:
0x259: {  	s2 =	sadd.s32 $0xFFFFFFF8, s0  }
0x25a: {  	_ =	swait.ge [sflag:s3], $0x2580;
	s5 =	sadd.s32 $0x19E, s2;
	s8 =	sadd.s32 $0x198, s2  }
0x25b: {  	s16 =	sadd.s32 $0x199, s2;
	s9 =	sadd.s32 $0x19A, s2;
	s17 =	sadd.s32 $0x19B, s2;
	v10 =	vmov s5  }
0x25c: {  	s18 =	sadd.s32 $0x19C, s2;
	s19 =	sadd.s32 $0x19D, s2;
	s2 =	sadd.s32 $0x19F, s2;
	v11 =	vmov s8;
	v14 =	vmov s9;
	v10 =	vand.u32 $0xFFFFFFFE, v10  }
0x25d: {  	[sflag:s3] =	ssyncset.done $0x0;
	v30 =	vmov s2;
	v12 =	vand.u32 $0xFFFFFFF8, v11;
	v15 =	vbroadcast v10, $0x0  }
0x25e: {  	[sflag:s3] =	ssyncadd.s32 $0xFFFFDA80;
	v20 =	vmov s19;
	v17 =	vand.u32 $0xFFFFFFFA, v14;
	v16 =	vbroadcast v12, $0x0  }
0x25f: {  	_ =	swait.ge [sflag:s6], $0x1900;
	v20 =	vand.u32 $0xFFFFFFFD, v20;
	v17 =	vbroadcast v17, $0x0  }
0x260: {  	[sflag:s6] =	ssyncset.done $0x0;
	v23 =	vbroadcast v20, $0x0  }
0x261: {  	v10 =	vmov s16;
	[sflag:s6] =	ssyncadd.s32 $0xFFFFE700  }
0x262: {  	v12 =	vmov s17;
	v10 =	vand.u32 $0xFFFFFFF9, v10;
	v34 =	vld.idx.msk [tilespmem:v30+s23+$0x0], $0xffff  }
0x263: {  	v19 =	vand.u32 $0xFFFFFFFB, v12;
	v18 =	vbroadcast v10, $0x0;
	v22 =	vld.idx.msk [tilespmem:v15+s23+$0x0], $0xffff  }
0x264: {  	v19 =	vbroadcast v19, $0x0;
	v20 =	vld.idx.msk [tilespmem:v16+s23+$0x0], $0xffff  }
0x265: {  	v26 =	vld.idx.msk [tilespmem:v17+s23+$0x0], $0xffff  }
0x266: {  	v32 =	vld.idx.msk [tilespmem:v23+s23+$0x0], $0xffff  }
0x267: {  	v10 =	vmov s18;
	v28 =	vld.idx.msk [tilespmem:v15+s22+$0x0], $0xffff  }
0x268: {  	v10 =	vand.u32 $0xFFFFFFFC, v10;
	v16 =	vld.idx.msk [tilespmem:v16+s22+$0x0], $0xffff  }
0x269: {  	v21 =	vbroadcast v10, $0x0;
	v24 =	vld.idx.msk [tilespmem:v18+s23+$0x0], $0xffff  }
0x26a: {  	v31 =	vld.idx.msk [tilespmem:v19+s23+$0x0], $0xffff  }
0x26b: {  	v15 =	vld.idx.msk [tilespmem:v18+s22+$0x0], $0xffff  }
0x26c: {  	v18 =	vld.idx.msk [tilespmem:v17+s22+$0x0], $0xffff  }
0x26d: {  	v17 =	vld.idx.msk [tilespmem:v19+s22+$0x0], $0xffff  }
0x26e: {  	v19 =	vld.idx.msk [tilespmem:v23+s22+$0x0], $0xffff  }
0x26f: {  	s15 =	smul.u32 $0x280, s1;
	v29 =	vmul.u32 $0x50, v22;
	v22 =	vld.idx.msk [tilespmem:v21+s23+$0x0], $0xffff  }
0x270: {  	v0 =	vlaneseq.u32;
	v27 =	vmul.u32 $0x50, v20;
	v26 =	vmul.u32 $0x50, v26;
	v20 =	vld.idx.msk [tilespmem:v21+s22+$0x0], $0xffff  }
0x271: {  	s5 =	sshra.s32 s15, $0x2;
	v23 =	vmul.u32 $0x50, v32;
	v21 =	vld.idx.msk [tilespmem:v30+s22+$0x0], $0xffff;
	v30 =	vmul.u32 $0x50, v34;
	v45 =	vmul.f32 v16, v5  }
0x272: {  	v11 =	vld [tilespmem:s5+$0x13980];
	v49 =	vmul.f32 v16, v6;
	v50 =	vmul.f32 v28, v6;
	v33 =	vor.u32 v0, v29  }
0x273: {  	v4 =	vld [tilespmem:s5+$0x13990];
	v25 =	vmul.u32 $0x50, v24;
	v35 =	vor.u32 v0, v27;
	v36 =	vadd.s32 v62, v27  }
0x274: {  	v24 =	vmul.u32 $0x50, v31;
	v31 =	vmul.f32 v28, v5;
	v39 =	vor.u32 v0, v26  }
0x275: {  	v7 =	vld [tilespmem:s5+$0x139A0];
	v40 =	vadd.s32 v62, v26;
	v42 =	vadd.s32 v62, v29;
	v53 =	vor.u32 v0, v23  }
0x276: {  	v2 =	vld [tilespmem:s5+$0x139B0];
	v46 =	vmul.f32 v15, v5;
	v47 =	vor.u32 v0, v30;
	v37 =	vor.u32 v0, v25  }
0x277: {  	v45 =	vadd.f32 v45, v11;
	v41 =	vor.u32 v0, v24;
	v22 =	vmul.u32 $0x50, v22;
	v33 =	vld.idx.msk [tilespmem:v33+s4+$0x0], $0xffff  }
0x278: {  	v48 =	vmul.f32 v18, v5;
	v54 =	vmul.f32 v17, v5;
	v50 =	vadd.f32 v50, v4;
	v52 =	vld.idx.msk [tilespmem:v35+s4+$0x0], $0xffff  }
0x279: {  	v57 =	vmul.f32 v15, v6;
	v59 =	vmul.f32 v18, v6;
	v63 =	vor.u32 v0, v22;
	v39 =	vld.idx.msk [tilespmem:v39+s4+$0x0], $0xffff  }
0x27a: {  	v10 =	vld [tilespmem:s5+$0x139C0];
	v60 =	vmul.f32 v19, v5;
	v61 =	vadd.s32 v58, v29;
	v49 =	vadd.f32 v49, v4  }
0x27b: {  	v38 =	vadd.s32 v62, v25;
	v31 =	vadd.f32 v31, v11;
	v43 =	vadd.s32 v62, v24;
	v37 =	vld.idx.msk [tilespmem:v37+s4+$0x0], $0xffff  }
0x27c: {  	v46 =	vadd.f32 v46, v11;
	v48 =	vadd.f32 v48, v11;
	v55 =	vmul.f32 v20, v5;
	v41 =	vld.idx.msk [tilespmem:v41+s4+$0x0], $0xffff  }
0x27d: {  	v44 =	vadd.s32 v62, v22;
	v35 =	vadd.s32 v62, v23;
	v47 =	vld.idx.msk [tilespmem:v47+s4+$0x0], $0xffff;
	v31 =	vadd.f32 v31, v33  }
0x27e: {  	s20 =	simm.s32 $0x17640;
	v51 =	vadd.s32 v58, v22;
	v34 =	vadd.f32 v45, v52;
	v32 =	vld.idx.msk [tilespmem:v63+s4+$0x0], $0xffff;
	v39 =	vadd.f32 v48, v39  }
0x27f: {  	v45 =	vadd.f32 v54, v11;
	v33 =	vld.idx.msk [tilespmem:v53+s4+$0x0], $0xffff;
	v63 =	vmul.f32 v17, v6;
	[tilespmem:s20+$0x60] =	vst v31  }
0x280: {  	v52 =	vmul.f32 v21, v5;
	v53 =	vmul.f32 v20, v6;
	v37 =	vadd.f32 v46, v37;
	v42 =	vld.idx.msk [tilespmem:v42+s4+$0x0], $0xffff  }
0x281: {  	v54 =	vmul.f32 v19, v6;
	v48 =	vadd.f32 v57, v4;
	[tilespmem:s20+$0xFFFFFF40] =	vst v34;
	v41 =	vadd.f32 v45, v41  }
0x282: {  	v57 =	vadd.s32 v58, v27;
	v46 =	vadd.f32 v55, v11;
	v36 =	vld.idx.msk [tilespmem:v36+s4+$0x0], $0xffff;
	[tilespmem:s20+$0xFFFFFF70] =	vst v37  }
0x283: {  	v31 =	vadd.s32 v62, v30;
	v34 =	vadd.f32 v60, v11;
	[tilespmem:s20+$0xFFFFFFD0] =	vst v41;
	v38 =	vld.idx.msk [tilespmem:v38+s4+$0x0], $0xffff  }
0x284: {  	[tilespmem:s20+$0xFFFFFFA0] =	vst v39;
	v32 =	vadd.f32 v46, v32;
	v46 =	vadd.f32 v52, v11;
	v43 =	vld.idx.msk [tilespmem:v43+s4+$0x0], $0xffff  }
0x285: {  	s21 =	simm.s32 $0x120;
	v55 =	vmul.f32 v21, v6;
	v40 =	vld.idx.msk [tilespmem:v40+s4+$0x0], $0xffff;
	v37 =	vadd.f32 v63, v4;
	v42 =	vadd.f32 v42, v50  }
0x286: {  	s5 =	sor.u32 $0x30, s21;
	v60 =	vadd.s32 v58, v25;
	v33 =	vadd.f32 v34, v33;
	v46 =	vadd.f32 v46, v47;
	[tilespmem:s20+$0x0] =	vst v32  }
0x287: {  	v36 =	vadd.f32 v36, v49;
	v44 =	vld.idx.msk [tilespmem:v44+s4+$0x0], $0xffff;
	v49 =	vadd.s32 v58, v24;
	[tilespmem:s5+$0x17580] =	vst v42  }
0x288: {  	v50 =	vadd.f32 v59, v4;
	v38 =	vadd.f32 v38, v48;
	v48 =	vadd.s32 v58, v26;
	v1 =	vld [tilespmem:$0x1FF60];
	[tilespmem:s20+$0x30] =	vst v33  }
0x289: {  	v39 =	vadd.f32 v54, v4;
	v37 =	vadd.f32 v43, v37;
	v45 =	vld.idx.msk [tilespmem:v61+s4+$0x0], $0xffff;
	[tilespmem:s20+$0x90] =	vst v46  }
0x28a: {  	s24 =	simm.s32 $0x60;
	v63 =	vadd.s32 v3, v29;
	v52 =	vadd.f32 v40, v50;
	[tilespmem:s20+$0xFFFFFF50] =	vst v36;
	v35 =	vld.idx.msk [tilespmem:v35+s4+$0x0], $0xffff  }
0x28b: {  	v29 =	vadd.s32 v56, v29;
	v42 =	vadd.f32 v53, v4;
	s5 =	sor.u32 $0x70, s24;
	v31 =	vld.idx.msk [tilespmem:v31+s4+$0x0], $0xffff;
	[tilespmem:s20+$0xFFFFFFE0] =	vst v37  }
0x28c: {  	v61 =	vadd.f32 v55, v4;
	[tilespmem:s5+$0x17580] =	vst v52;
	v36 =	vld.idx.msk [tilespmem:v49+s4+$0x0], $0xffff;
	v49 =	vmul.f32 v15, v8  }
0x28d: {  	v42 =	vadd.f32 v44, v42;
	v44 =	vld.idx.msk [tilespmem:v48+s4+$0x0], $0xffff;
	v48 =	vmul.f32 v16, v8;
	v59 =	vmul.f32 v28, v1  }
0x28e: {  	v41 =	vld.idx.msk [tilespmem:v57+s4+$0x0], $0xffff;
	[tilespmem:s20+$0xFFFFFF80] =	vst v38;
	v54 =	vmul.f32 v16, v1;
	v55 =	vmul.f32 v15, v1  }
0x28f: {  	v53 =	vadd.s32 v58, v23;
	v47 =	vld.idx.msk [tilespmem:v60+s4+$0x0], $0xffff;
	v57 =	vmul.f32 v18, v1;
	v60 =	vmul.f32 v17, v1  }
0x290: {  	v52 =	vmul.f32 v21, v1;
	v35 =	vadd.f32 v35, v39;
	v31 =	vadd.f32 v31, v61  }
0x291: {  	v61 =	vmul.f32 v20, v1;
	v32 =	vadd.f32 v59, v7;
	v43 =	vadd.f32 v54, v7  }
0x292: {  	s25 =	simm.s32 $0xC0;
	v59 =	vmul.f32 v28, v8;
	v38 =	vadd.f32 v55, v7;
	v37 =	vadd.f32 v57, v7  }
0x293: {  	s26 =	sor.u32 $0x50, s25;
	v33 =	vadd.f32 v60, v7;
	v55 =	vadd.s32 v3, v26;
	v57 =	vadd.s32 v3, v24  }
0x294: {  	[tilespmem:s26+$0x17580] =	vst v42;
	v46 =	vadd.f32 v52, v7;
	v52 =	vmul.f32 v18, v8;
	v26 =	vadd.s32 v56, v26  }
0x295: {  	v24 =	vadd.s32 v56, v24;
	[tilespmem:s20+$0xA0] =	vst v31;
	v31 =	vadd.s32 v3, v25;
	v32 =	vadd.f32 v45, v32  }
0x296: {  	[tilespmem:s20+$0x40] =	vst v35;
	v54 =	vadd.f32 v61, v7;
	v45 =	vld.idx.msk [tilespmem:v51+s4+$0x0], $0xffff;
	v41 =	vadd.f32 v41, v43  }
0x297: {  	v25 =	vadd.s32 v56, v25;
	v40 =	vld.idx.msk [tilespmem:v53+s4+$0x0], $0xffff;
	v38 =	vadd.f32 v47, v38;
	[tilespmem:s20+$0x80] =	vst v32  }
0x298: {  	v53 =	vadd.s32 v3, v27;
	v37 =	vadd.f32 v44, v37;
	[tilespmem:s20+$0xFFFFFF60] =	vst v41;
	v34 =	vld.idx.msk [tilespmem:v63+s4+$0x0], $0xffff  }
0x299: {  	s3 =	simm.s32 $0x90;
	v39 =	vadd.f32 v59, v2;
	v59 =	vadd.s32 v3, v22;
	v33 =	vadd.f32 v36, v33;
	v9 =	vld [tilespmem:$0x1FFA0];
	[tilespmem:s20+$0xFFFFFF90] =	vst v38  }
0x29a: {  	s8 =	sor.u32 $0x30, s3;
	v32 =	vadd.s32 v58, v30;
	v63 =	vmul.f32 v19, v1;
	[tilespmem:s20+$0xFFFFFFC0] =	vst v37;
	v31 =	vld.idx.msk [tilespmem:v31+s4+$0x0], $0xffff  }
0x29b: {  	s6 =	sadd.s32 $0x0, s0;
	v51 =	vadd.s32 v3, v30;
	v27 =	vadd.s32 v56, v27;
	[tilespmem:s8+$0x17580] =	vst v33;
	v50 =	vld.idx.msk [tilespmem:v55+s4+$0x0], $0xffff  }
0x29c: {  	s7 =	sadd.s32 $0x19E, s6;
	v37 =	vadd.f32 v48, v2;
	v43 =	vld.idx.msk [tilespmem:v57+s4+$0x0], $0xffff;
	v35 =	vadd.f32 v63, v7;
	v63 =	vadd.s32 v3, v23  }
0x29d: {  	v55 =	vmov s7;
	v60 =	vadd.f32 v45, v54;
	v61 =	vld.idx.msk [tilespmem:v53+s4+$0x0], $0xffff;
	v53 =	vmul.f32 v17, v8  }
0x29e: {  	s5 =	sor.u32 $0x60, s25;
	v57 =	vand.u32 $0xFFFFFFFE, v55;
	v35 =	vadd.f32 v40, v35;
	v40 =	vadd.f32 v49, v2  }
0x29f: {  	v33 =	vadd.f32 v52, v2;
	v38 =	vbroadcast v57, $0x0;
	v32 =	vld.idx.msk [tilespmem:v32+s4+$0x0], $0xffff;
	[tilespmem:s5+$0x17580] =	vst v60;
	v34 =	vadd.f32 v34, v39  }
0x2a0: {  	s19 =	simm.s32 $0x1C100;
	s11 =	sadd.s32 $0x198, s6;
	s13 =	sadd.s32 $0x19A, s6;
	v45 =	vadd.f32 v53, v2;
	v31 =	vadd.f32 v31, v40;
	[tilespmem:s20+$0x50] =	vst v35;
	v35 =	vld.idx.msk [tilespmem:v59+s4+$0x0], $0xffff  }
0x2a1: {  	v48 =	vmov s13;
	v33 =	vadd.f32 v50, v33;
	v59 =	vmov s11;
	[tilespmem:s19+$0x40] =	vst v34;
	v36 =	vld.idx.msk [tilespmem:v63+s4+$0x0], $0xffff  }
0x2a2: {  	s16 =	sadd.s32 $0x19D, s6;
	v60 =	vadd.f32 v43, v45;
	v54 =	vadd.f32 v61, v37;
	v37 =	vand.u32 $0xFFFFFFF8, v59;
	v29 =	vld.idx.msk [tilespmem:v29+s4+$0x0], $0xffff;
	[tilespmem:s19+$0xFFFFFFA0] =	vst v31  }
0x2a3: {  	s17 =	sadd.s32 $0x19F, s6;
	v50 =	vmov s16;
	v34 =	vand.u32 $0xFFFFFFFA, v48;
	v37 =	vbroadcast v37, $0x0;
	[tilespmem:s19+$0xFFFFFFC0] =	vst v33;
	v25 =	vld.idx.msk [tilespmem:v25+s4+$0x0], $0xffff  }
0x2a4: {  	v47 =	vmov s17;
	v52 =	vand.u32 $0xFFFFFFFD, v50;
	v42 =	vbroadcast v34, $0x0;
	v26 =	vld.idx.msk [tilespmem:v26+s4+$0x0], $0xffff  }
0x2a5: {  	s10 =	simm.s32 $0x150;
	s14 =	sadd.s32 $0x19B, s6;
	s15 =	sadd.s32 $0x19C, s6;
	v55 =	vmul.f32 v21, v8;
	[tilespmem:s19+$0xFFFFFFE0] =	vst v60;
	v44 =	vbroadcast v52, $0x0;
	v32 =	vadd.f32 v32, v46;
	v53 =	vld.idx.msk [tilespmem:v38+s23+$0x0], $0xffff  }
0x2a6: {  	s9 =	sor.u32 $0x70, s10;
	s12 =	sadd.s32 $0x199, s6;
	v49 =	vmov s15;
	v28 =	vmul.f32 v28, v9;
	v31 =	vmov s14;
	[tilespmem:s19+$0xFFFFFF80] =	vst v54;
	v24 =	vld.idx.msk [tilespmem:v24+s4+$0x0], $0xffff  }
0x2a7: {  	v16 =	vmul.f32 v16, v9;
	v61 =	vmov s12;
	v31 =	vand.u32 $0xFFFFFFFB, v31;
	v27 =	vld.idx.msk [tilespmem:v27+s4+$0x0], $0xffff;
	[tilespmem:s9+$0x17580] =	vst v32  }
0x2a8: {  	v39 =	vand.u32 $0xFFFFFFF9, v61;
	v41 =	vbroadcast v31, $0x0;
	v31 =	vmul.f32 v20, v8;
	v63 =	vld.idx.msk [tilespmem:v51+s4+$0x0], $0xffff  }
0x2a9: {  	v15 =	vmul.f32 v15, v9;
	v28 =	vadd.f32 v28, v10;
	v39 =	vbroadcast v39, $0x0;
	v57 =	vld.idx.msk [tilespmem:v37+s23+$0x0], $0xffff  }
0x2aa: {  	v54 =	vmul.f32 v19, v8;
	v51 =	vand.u32 $0xFFFFFFFC, v49;
	v31 =	vadd.f32 v31, v2;
	v61 =	vld.idx.msk [tilespmem:v42+s23+$0x0], $0xffff  }
0x2ab: {  	v18 =	vmul.f32 v18, v9;
	v43 =	vbroadcast v51, $0x0;
	v28 =	vadd.f32 v29, v28;
	v51 =	vld.idx.msk [tilespmem:v44+s23+$0x0], $0xffff  }
0x2ac: {  	v17 =	vmul.f32 v17, v9;
	v29 =	vadd.f32 v54, v2;
	v60 =	vadd.f32 v35, v31;
	v31 =	vld.idx.msk [tilespmem:v38+s22+$0x0], $0xffff  }
0x2ad: {  	v34 =	vadd.s32 v56, v22;
	v20 =	vmul.f32 v20, v9;
	v32 =	vadd.f32 v55, v2;
	v38 =	vld.idx.msk [tilespmem:v47+s23+$0x0], $0xffff  }
0x2ae: {  	v55 =	vadd.f32 v17, v10;
	v17 =	vld.idx.msk [tilespmem:v37+s22+$0x0], $0xffff;
	v22 =	vadd.f32 v36, v29;
	v36 =	vmul.u32 $0x50, v53  }
0x2af: {  	s18 =	simm.s32 $0xC0;
	v54 =	vadd.f32 v18, v10;
	v59 =	vld.idx.msk [tilespmem:v39+s23+$0x0], $0xffff;
	v53 =	vadd.f32 v16, v10;
	v16 =	vmul.f32 v19, v9  }
0x2b0: {  	s2 =	sor.u32 $0x50, s18;
	v19 =	vmul.f32 v21, v9;
	v21 =	vadd.f32 v15, v10;
	v18 =	vld.idx.msk [tilespmem:v39+s22+$0x0], $0xffff;
	v52 =	vor.u32 v0, v36  }
0x2b1: {  	v35 =	vadd.s32 v56, v23;
	[tilespmem:s2+$0x1C080] =	vst v28;
	v26 =	vadd.f32 v26, v54;
	v29 =	vld.idx.msk [tilespmem:v41+s23+$0x0], $0xffff  }
0x2b2: {  	s20 =	simm.s32 $0x20;
	[tilespmem:s19+$0x0] =	vst v60;
	v23 =	vadd.f32 v19, v10;
	v19 =	vld.idx.msk [tilespmem:v42+s22+$0x0], $0xffff;
	v25 =	vadd.f32 v25, v21;
	v33 =	vmul.u32 $0x50, v57  }
0x2b3: {  	s21 =	simm.s32 $0x40;
	s2 =	sor.u32 $0x30, s20;
	v40 =	vadd.f32 v63, v32;
	[tilespmem:s19+$0x20] =	vst v22;
	v22 =	vadd.f32 v27, v53;
	v21 =	vld.idx.msk [tilespmem:v41+s22+$0x0], $0xffff;
	v28 =	vmul.u32 $0x50, v61  }
0x2b4: {  	s5 =	sor.u32 $0x50, s21;
	v63 =	vld.idx.msk [tilespmem:v43+s23+$0x0], $0xffff;
	v53 =	vmul.f32 v31, v5;
	[tilespmem:s2+$0x1C080] =	vst v25;
	v25 =	vmul.u32 $0x50, v51;
	v48 =	vor.u32 v0, v33  }
0x2b5: {  	v15 =	vadd.f32 v20, v10;
	[tilespmem:s5+$0x1C080] =	vst v26;
	v32 =	vmul.u32 $0x50, v59;
	v45 =	vor.u32 v0, v28;
	v52 =	vld.idx.msk [tilespmem:v52+s4+$0x0], $0xffff  }
0x2b6: {  	v20 =	vld.idx.msk [tilespmem:v43+s22+$0x0], $0xffff;
	v26 =	vmul.f32 v17, v5;
	v57 =	vadd.f32 v53, v11;
	v53 =	vor.u32 v0, v25  }
0x2b7: {  	[tilespmem:s19+$0xFFFFFF90] =	vst v22;
	v22 =	vld.idx.msk [tilespmem:v44+s22+$0x0], $0xffff;
	v29 =	vmul.u32 $0x50, v29;
	v27 =	vor.u32 v0, v32  }
0x2b8: {  	s24 =	simm.s32 $0x60;
	v60 =	vadd.f32 v24, v55;
	v59 =	vadd.s32 v62, v36;
	v55 =	vadd.f32 v26, v11;
	v26 =	vld.idx.msk [tilespmem:v47+s22+$0x0], $0xffff  }
0x2b9: {  	v16 =	vadd.f32 v16, v10;
	s2 =	sor.u32 $0x70, s24;
	v54 =	vmul.f32 v18, v5;
	v61 =	vor.u32 v0, v29;
	v37 =	vld.idx.msk [tilespmem:v48+s4+$0x0], $0xffff  }
0x2ba: {  	[tilespmem:s2+$0x1C080] =	vst v60;
	v60 =	vmul.f32 v31, v6;
	v24 =	vmul.u32 $0x50, v63;
	v45 =	vld.idx.msk [tilespmem:v45+s4+$0x0], $0xffff;
	v39 =	vadd.f32 v57, v52  }
0x2bb: {  	s5 =	simm.s32 $0x177C0;
	v43 =	vadd.s32 v62, v33;
	v46 =	vadd.s32 v62, v28;
	v50 =	vadd.s32 v62, v32;
	v48 =	vld.idx.msk [tilespmem:v53+s4+$0x0], $0xffff  }
0x2bc: {  	v63 =	vor.u32 v0, v24;
	v52 =	vld.idx.msk [tilespmem:v27+s4+$0x0], $0xffff;
	v57 =	vmul.f32 v19, v5;
	[tilespmem:s5+$0x60] =	vst v39  }
0x2bd: {  	v49 =	vadd.f32 v60, v4;
	v53 =	vmul.f32 v22, v5;
	v27 =	vmul.u32 $0x50, v38;
	v41 =	vld.idx.msk [tilespmem:v59+s4+$0x0], $0xffff  }
0x2be: {  	v60 =	vadd.s32 v62, v24;
	v44 =	vld.idx.msk [tilespmem:v61+s4+$0x0], $0xffff;
	v61 =	vmul.f32 v21, v5;
	v42 =	vadd.f32 v57, v11  }
0x2bf: {  	v38 =	vadd.f32 v54, v11;
	v59 =	vor.u32 v0, v27;
	v37 =	vadd.f32 v55, v37  }
0x2c0: {  	[tilespmem:s19+$0x60] =	vst v40;
	v54 =	vadd.s32 v58, v36;
	v51 =	vadd.f32 v61, v11;
	v42 =	vadd.f32 v42, v45  }
0x2c1: {  	v40 =	vld.idx.msk [tilespmem:v63+s4+$0x0], $0xffff;
	v63 =	vmul.f32 v20, v5;
	v38 =	vadd.f32 v38, v52;
	[tilespmem:s5+$0xFFFFFF40] =	vst v37  }
0x2c2: {  	s25 =	simm.s32 $0x2A0;
	v57 =	vadd.s32 v62, v29;
	v55 =	vmul.f32 v26, v5;
	[tilespmem:s5+$0xFFFFFFA0] =	vst v42;
	v52 =	vadd.f32 v41, v49  }
0x2c3: {  	s2 =	sor.u32 $0x30, s25;
	v45 =	vadd.f32 v63, v11;
	v37 =	vadd.f32 v51, v44;
	[tilespmem:s5+$0xFFFFFF70] =	vst v38;
	v43 =	vld.idx.msk [tilespmem:v43+s4+$0x0], $0xffff  }
0x2c4: {  	v42 =	vadd.s32 v56, v30;
	v47 =	vld.idx.msk [tilespmem:v59+s4+$0x0], $0xffff;
	v59 =	vmul.f32 v17, v6;
	[tilespmem:s2+$0x17580] =	vst v52  }
0x2c5: {  	v30 =	vadd.f32 v55, v11;
	v63 =	vadd.s32 v62, v25;
	v41 =	vadd.f32 v53, v11;
	[tilespmem:$0x1FCF0] =	vst v11  }
0x2c6: {  	v55 =	vadd.s32 v62, v27;
	v53 =	vmul.f32 v31, v1;
	v39 =	vadd.f32 v59, v4;
	v61 =	vld.idx.msk [tilespmem:v50+s4+$0x0], $0xffff  }
0x2c7: {  	v40 =	vadd.f32 v45, v40;
	v41 =	vadd.f32 v41, v48;
	v52 =	vmul.f32 v18, v6;
	v38 =	vld.idx.msk [tilespmem:v54+s4+$0x0], $0xffff  }
0x2c8: {  	v59 =	vmul.f32 v20, v6;
	[tilespmem:s5+$0xFFFFFFD0] =	vst v37;
	v46 =	vld.idx.msk [tilespmem:v46+s4+$0x0], $0xffff;
	v39 =	vadd.f32 v43, v39  }
0x2c9: {  	[tilespmem:s5+$0x0] =	vst v40;
	v54 =	vmul.f32 v19, v6;
	v40 =	vadd.f32 v53, v7;
	v30 =	vadd.f32 v30, v47  }
0x2ca: {  	[tilespmem:s5+$0x30] =	vst v41;
	v48 =	vadd.f32 v59, v4;
	v47 =	vadd.f32 v52, v4;
	v45 =	vld.idx.msk [tilespmem:v57+s4+$0x0], $0xffff  }
0x2cb: {  	v53 =	vadd.s32 v58, v28;
	v59 =	vadd.s32 v58, v27;
	[tilespmem:s5+$0x90] =	vst v30;
	v30 =	vmul.f32 v21, v6  }
0x2cc: {  	v57 =	vadd.s32 v3, v36;
	v44 =	vld.idx.msk [tilespmem:v60+s4+$0x0], $0xffff;
	v43 =	vadd.f32 v54, v4;
	v47 =	vadd.f32 v61, v47  }
0x2cd: {  	v60 =	vmul.f32 v22, v6;
	[tilespmem:s5+$0xFFFFFF50] =	vst v39;
	v30 =	vadd.f32 v30, v4;
	v38 =	vadd.f32 v38, v40  }
0x2ce: {  	s26 =	simm.s32 $0x1E0;
	v37 =	vld.idx.msk [tilespmem:v63+s4+$0x0], $0xffff;
	v43 =	vadd.f32 v46, v43;
	v61 =	vadd.s32 v58, v33;
	[tilespmem:s5+$0xFFFFFF80] =	vst v47  }
0x2cf: {  	s2 =	sor.u32 $0x70, s26;
	v52 =	vadd.s32 v58, v32;
	v41 =	vld.idx.msk [tilespmem:v55+s4+$0x0], $0xffff;
	v30 =	vadd.f32 v45, v30;
	[tilespmem:s5+$0x80] =	vst v38  }
0x2d0: {  	v50 =	vadd.s32 v3, v25;
	v63 =	vmul.f32 v26, v6;
	v36 =	vadd.s32 v56, v36;
	[tilespmem:s2+$0x17580] =	vst v43  }
0x2d1: {  	v54 =	vadd.s32 v58, v29;
	v55 =	vadd.s32 v58, v24;
	v40 =	vadd.f32 v60, v4;
	[tilespmem:s5+$0xFFFFFFE0] =	vst v30  }
0x2d2: {  	s11 =	simm.s32 $0x240;
	v44 =	vadd.f32 v44, v48;
	v47 =	vadd.f32 v63, v4;
	v39 =	vld.idx.msk [tilespmem:v57+s4+$0x0], $0xffff;
	[tilespmem:$0x1FD00] =	vst v4  }
0x2d3: {  	s3 =	sor.u32 $0x50, s11;
	v60 =	vmul.f32 v17, v1;
	v37 =	vadd.f32 v37, v40;
	v30 =	vmul.f32 v31, v8;
	v46 =	vld.idx.msk [tilespmem:v61+s4+$0x0], $0xffff  }
0x2d4: {  	v57 =	vadd.s32 v58, v25;
	v41 =	vadd.f32 v41, v47;
	[tilespmem:s3+$0x17580] =	vst v44;
	v45 =	vld.idx.msk [tilespmem:v52+s4+$0x0], $0xffff  }
0x2d5: {  	v63 =	vmul.f32 v19, v1;
	v30 =	vadd.f32 v30, v2;
	v38 =	vld.idx.msk [tilespmem:v53+s4+$0x0], $0xffff;
	[tilespmem:s5+$0x40] =	vst v37  }
0x2d6: {  	v47 =	vadd.f32 v60, v7;
	v61 =	vmul.f32 v18, v1;
	v43 =	vld.idx.msk [tilespmem:v54+s4+$0x0], $0xffff;
	[tilespmem:s5+$0xA0] =	vst v41  }
0x2d7: {  	v52 =	vmul.f32 v21, v1;
	v53 =	vmul.f32 v22, v1;
	v34 =	vld.idx.msk [tilespmem:v34+s4+$0x0], $0xffff;
	v30 =	vadd.f32 v39, v30  }
0x2d8: {  	v54 =	vmul.f32 v26, v1;
	v44 =	vld.idx.msk [tilespmem:v59+s4+$0x0], $0xffff;
	v37 =	vadd.f32 v61, v7;
	v39 =	vadd.f32 v63, v7  }
0x2d9: {  	v40 =	vld.idx.msk [tilespmem:v57+s4+$0x0], $0xffff;
	v41 =	vadd.f32 v52, v7;
	v57 =	vadd.s32 v3, v28;
	v59 =	vadd.f32 v53, v7  }
0x2da: {  	s9 =	simm.s32 $0x1C200;
	v48 =	vld.idx.msk [tilespmem:v55+s4+$0x0], $0xffff;
	v53 =	vadd.s32 v3, v29;
	v60 =	vadd.f32 v54, v7;
	v61 =	vmul.f32 v31, v9  }
0x2db: {  	s31 =	simm.s32 $0x160;
	s8 =	sshll.u32 s1, $0x1;
	v63 =	vadd.s32 v3, v24;
	[tilespmem:s9+$0x40] =	vst v30;
	v30 =	vmul.f32 v20, v1;
	v46 =	vadd.f32 v46, v47  }
0x2dc: {  	s13 =	simm.s32 $0x210;
	s7 =	simm.s32 $0xA0;
	s2 =	rddreg [dreg:$0x5];
	v37 =	vadd.f32 v45, v37;
	v38 =	vadd.f32 v38, v39;
	v39 =	vadd.s32 v3, v33;
	v52 =	vld.idx.msk [tilespmem:v36+s4+$0x0], $0xffff  }
0x2dd: {  	s15 =	simm.s32 $0xE0;
	s21 =	simm.s32 $0x1A0;
	v45 =	vmul.f32 v17, v8;
	s2 =	sadd.s32 s2, s8;
	v55 =	vadd.f32 v30, v7;
	v30 =	vld.idx.msk [tilespmem:v35+s4+$0x0], $0xffff;
	[tilespmem:s5+$0xFFFFFF60] =	vst v46  }
0x2de: {  	s15 =	sor.u32 $0x70, s15;
	s16 =	simm.s32 $0x2D0;
	v35 =	vadd.f32 v43, v41;
	v43 =	vadd.f32 v44, v60;
	s10 =	sshrl.u32 s2, $0x3;
	v46 =	vadd.s32 v3, v32;
	[tilespmem:$0x1FD10] =	vst v7  }
0x2df: {  	s12 =	sshll.u32 s1, $0x8;
	s11 =	sor.u32 $0x60, s11;
	v44 =	vadd.s32 v3, v27;
	v60 =	vmul.f32 v21, v8;
	v54 =	vadd.f32 v40, v59;
	s2 =	smul.u32 $0x12C00, s10;
	[tilespmem:s5+$0xFFFFFF90] =	vst v37  }
0x2e0: {  	s18 =	sand.u32 $0x300, s12;
	s20 =	simm.s32 $0x120;
	v59 =	vmul.f32 v19, v8;
	s17 =	smul.u32 $0xC800, s10;
	v48 =	vadd.f32 v48, v55;
	v31 =	vld.idx.msk [tilespmem:v42+s4+$0x0], $0xffff;
	[tilespmem:s5+$0xFFFFFFC0] =	vst v38  }
0x2e1: {  	s14 =	sor.u32 $0x30, s13;
	s30 =	sor.u32 $0x30, s20;
	v55 =	vadd.f32 v61, v10;
	v61 =	vmul.f32 v20, v8;
	s6 =	sor.u32 s18, s2;
	v36 =	vld.idx.msk [tilespmem:v39+s4+$0x0], $0xffff;
	[tilespmem:$0x1FD20] =	vst v10  }
0x2e2: {  	s24 =	smov.u32 s28;
	v4 =	vmov v56;
	v47 =	vadd.f32 v45, v2;
	v45 =	vadd.f32 v60, v2;
	s12 =	sor.u32 s18, s17;
	s10 =	sshrl.u32 s6, $0x3;
	[tilespmem:s14+$0x17580] =	vst v35;
	v39 =	vld.idx.msk [tilespmem:v57+s4+$0x0], $0xffff  }
0x2e3: {  	s25 =	smov.u32 s29;
	v9 =	vmov v1;
	v42 =	vadd.s32 v56, v33;
	v33 =	vadd.f32 v61, v2;
	s12 =	sshrl.u32 s12, $0x3;
	[tilespmem:s11+$0x17580] =	vst v48;
	s10 =	sadd.s32 s28, s10;
	v38 =	vld.idx.msk [tilespmem:v46+s4+$0x0], $0xffff  }
0x2e4: {  	v7 =	vmov v5;
	v57 =	vadd.f32 v52, v55;
	[tilespmem:s5+$0x50] =	vst v54;
	s13 =	sadd.s32 s29, s12;
	v46 =	vmul.f32 v18, v8;
	s12 =	simm.s32 $0x1C0;
	v40 =	vld.idx.msk [tilespmem:v53+s4+$0x0], $0xffff;
	s28 =	sor.u32 $0x70, s16  }
0x2e5: {  	v5 =	vmov v3;
	s14 =	sor.u32 $0x30, s7;
	v48 =	vadd.f32 v59, v2;
	v35 =	vld.idx.msk [tilespmem:v63+s4+$0x0], $0xffff;
	v63 =	vmul.f32 v22, v8;
	s29 =	simm.s32 $0x140;
	s26 =	sor.u32 $0x50, s12;
	[tilespmem:s28+$0x17580] =	vst v43  }
0x2e6: {  	v3 =	vmov v62;
	s11 =	simm.s32 $0x8;
	v37 =	vld.idx.msk [tilespmem:v50+s4+$0x0], $0xffff;
	s12 =	simm.s32 $0x1E0;
	v43 =	vmul.f32 v26, v8;
	s29 =	sor.u32 $0x50, s29;
	[tilespmem:s26+$0x1C080] =	vst v57;
	v46 =	vadd.f32 v46, v2  }
0x2e7: {  	s28 =	sor.u32 $0x70, s31;
	s26 =	sor.u32 $0x30, s21;
	s31 =	sor.u32 $0x70, s12;
	v41 =	vld.idx.msk [tilespmem:v44+s4+$0x0], $0xffff;
	v44 =	vadd.s32 v56, v32;
	v32 =	vadd.f32 v63, v2;
	[tilespmem:$0x1FD30] =	vst v2;
	v2 =	vmov v58  }
.LBB2_7:
0x2e8: {  	s3 =	sadd.s32 s11, s0  }
0x2e9: {  	v28 =	vadd.s32 v4, v28;
	v29 =	vadd.s32 v4, v29;
	v15 =	vadd.f32 v34, v15;
	s7 =	sadd.s32 $0x198, s3  }
0x2ea: {  	v16 =	vadd.f32 v30, v16;
	v36 =	vadd.f32 v36, v47;
	s6 =	sadd.s32 $0x19E, s3;
	s20 =	sadd.s32 $0x19A, s3;
	v52 =	vmov s7  }
0x2eb: {  	v13 =	vld [tilespmem:$0x1FD30];
	s21 =	sadd.s32 $0x19B, s3;
	s7 =	sadd.s32 $0x199, s3;
	v53 =	vmov s6;
	v54 =	vadd.f32 v40, v45;
	v56 =	vmov s20  }
0x2ec: {  	v10 =	vld [tilespmem:$0x1FFA0];
	v57 =	vmov s21;
	v55 =	vmov s7;
	v47 =	vand.u32 $0xFFFFFFFE, v53  }
0x2ed: {  	v11 =	vld [tilespmem:$0x1FD20];
	[tilespmem:s9+$0xFFFFFF80] =	vst v36;
	v59 =	vand.u32 $0xFFFFFFF8, v52;
	v38 =	vadd.f32 v38, v46;
	v47 =	vbroadcast v47, $0x0  }
0x2ee: {  	v61 =	vand.u32 $0xFFFFFFFA, v56;
	v39 =	vadd.f32 v39, v48;
	v42 =	vld.idx.msk [tilespmem:v42+s4+$0x0], $0xffff;
	[tilespmem:s9+$0xFFFFFFE0] =	vst v54;
	v63 =	vbroadcast v59, $0x0  }
0x2ef: {  	s20 =	sadd.s32 $0x19D, s3;
	v40 =	vand.u32 $0xFFFFFFF9, v55;
	v55 =	vbroadcast v61, $0x0;
	v33 =	vadd.f32 v35, v33;
	v29 =	vld.idx.msk [tilespmem:v29+s4+$0x0], $0xffff;
	[tilespmem:s9+$0xFFFFFFA0] =	vst v38  }
0x2f0: {  	s7 =	sadd.s32 $0x19C, s3;
	s3 =	sadd.s32 $0x19F, s3;
	v60 =	vmov s20;
	v36 =	vadd.s32 v4, v24;
	v23 =	vadd.f32 v31, v23;
	[tilespmem:s9+$0xFFFFFFC0] =	vst v39;
	v44 =	vld.idx.msk [tilespmem:v44+s4+$0x0], $0xffff  }
0x2f1: {  	v58 =	vmov s7;
	v54 =	vand.u32 $0xFFFFFFFD, v60;
	v50 =	vmov s3;
	[tilespmem:s9+$0x0] =	vst v33;
	v28 =	vld.idx.msk [tilespmem:v28+s4+$0x0], $0xffff  }
0x2f2: {  	v24 =	vadd.f32 v37, v32;
	v43 =	vadd.f32 v43, v13;
	v40 =	vbroadcast v40, $0x0;
	[tilespmem:s19+$0x10] =	vst v15;
	v15 =	vld [tilespmem:$0x1FCF0]  }
0x2f3: {  	v62 =	vand.u32 $0xFFFFFFFC, v58;
	v51 =	vbroadcast v54, $0x0;
	v17 =	vmul.f32 v17, v10;
	v56 =	vld.idx.msk [tilespmem:v47+s23+$0x0], $0xffff  }
0x2f4: {  	v38 =	vand.u32 $0xFFFFFFFB, v57;
	v45 =	vbroadcast v62, $0x0;
	[tilespmem:s9+$0x20] =	vst v24;
	v57 =	vadd.f32 v41, v43;
	v24 =	vld.idx.msk [tilespmem:v63+s23+$0x0], $0xffff  }
0x2f5: {  	v37 =	vadd.s32 v4, v25;
	v35 =	vadd.s32 v4, v27;
	v18 =	vmul.f32 v18, v10;
	v27 =	vld.idx.msk [tilespmem:v55+s23+$0x0], $0xffff  }
0x2f6: {  	v21 =	vmul.f32 v21, v10;
	v49 =	vbroadcast v38, $0x0;
	v17 =	vadd.f32 v17, v11;
	[tilespmem:s9+$0x60] =	vst v57;
	v38 =	vld.idx.msk [tilespmem:v47+s22+$0x0], $0xffff  }
0x2f7: {  	v19 =	vmul.f32 v19, v10;
	v22 =	vmul.f32 v22, v10;
	v18 =	vadd.f32 v18, v11;
	v59 =	vld.idx.msk [tilespmem:v50+s23+$0x0], $0xffff  }
0x2f8: {  	v20 =	vmul.f32 v20, v10;
	v21 =	vadd.f32 v21, v11;
	v17 =	vadd.f32 v42, v17;
	v25 =	vld.idx.msk [tilespmem:v40+s23+$0x0], $0xffff  }
0x2f9: {  	v26 =	vmul.f32 v26, v10;
	v19 =	vadd.f32 v19, v11;
	v43 =	vadd.f32 v22, v11;
	v22 =	vld.idx.msk [tilespmem:v51+s23+$0x0], $0xffff  }
0x2fa: {  	v0 =	vlaneseq.u32;
	v12 =	vadd.f32 v20, v11;
	v21 =	vadd.f32 v29, v21;
	[tilespmem:s9+$0xFFFFFF90] =	vst v17;
	v20 =	vld.idx.msk [tilespmem:v45+s23+$0x0], $0xffff  }
0x2fb: {  	v39 =	vadd.f32 v26, v11;
	[tilespmem:s14+$0x1C080] =	vst v16;
	v18 =	vadd.f32 v44, v18;
	v17 =	vld.idx.msk [tilespmem:v63+s22+$0x0], $0xffff;
	v34 =	vmul.u32 $0x50, v56  }
0x2fc: {  	v19 =	vadd.f32 v28, v19;
	v58 =	vld.idx.msk [tilespmem:v49+s23+$0x0], $0xffff;
	[tilespmem:s28+$0x1C080] =	vst v21;
	v32 =	vmul.u32 $0x50, v24;
	v28 =	vmul.u32 $0x50, v27  }
0x2fd: {  	[tilespmem:s30+$0x1C080] =	vst v18;
	v21 =	vld.idx.msk [tilespmem:v49+s22+$0x0], $0xffff;
	v16 =	vmul.f32 v38, v7;
	v27 =	vmul.u32 $0x50, v59;
	v26 =	vor.u32 v0, v34  }
0x2fe: {  	[tilespmem:s29+$0x1C080] =	vst v19;
	v18 =	vld.idx.msk [tilespmem:v40+s22+$0x0], $0xffff;
	v33 =	vmul.u32 $0x50, v25;
	v25 =	vmul.u32 $0x50, v22;
	v30 =	vor.u32 v0, v32  }
0x2ff: {  	v19 =	vld.idx.msk [tilespmem:v55+s22+$0x0], $0xffff;
	v31 =	vadd.s32 v3, v32;
	v61 =	vor.u32 v0, v28;
	v47 =	vadd.s32 v3, v28  }
0x300: {  	[tilespmem:s15+$0x1C080] =	vst v23;
	v22 =	vld.idx.msk [tilespmem:v51+s22+$0x0], $0xffff;
	v24 =	vmul.u32 $0x50, v20;
	v23 =	vmul.f32 v17, v7;
	v16 =	vadd.f32 v16, v15  }
0x301: {  	v14 =	vmovc v43;
	v20 =	vld.idx.msk [tilespmem:v45+s22+$0x0], $0xffff;
	v42 =	vadd.s32 v3, v34;
	v60 =	vor.u32 v0, v33;
	v29 =	vmul.u32 $0x50, v58  }
0x302: {  	v55 =	vadd.s32 v3, v27;
	v56 =	vmul.f32 v17, v6;
	v49 =	vor.u32 v0, v24;
	v62 =	vld.idx.msk [tilespmem:v26+s4+$0x0], $0xffff  }
0x303: {  	v1 =	vadd.s32 v2, v34;
	v44 =	vadd.s32 v3, v33;
	v46 =	vor.u32 v0, v29;
	v26 =	vld.idx.msk [tilespmem:v50+s22+$0x0], $0xffff  }
0x304: {  	v45 =	vor.u32 v0, v25;
	v54 =	vadd.s32 v3, v25;
	v53 =	vadd.s32 v3, v24;
	v30 =	vld.idx.msk [tilespmem:v30+s4+$0x0], $0xffff  }
0x305: {  	v23 =	vadd.f32 v23, v15;
	v59 =	vmul.f32 v21, v7;
	v50 =	vor.u32 v0, v27;
	v41 =	vld.idx.msk [tilespmem:v61+s4+$0x0], $0xffff  }
0x306: {  	v52 =	vadd.s32 v3, v29;
	v63 =	vmul.f32 v18, v7;
	v57 =	vmul.f32 v19, v7;
	v40 =	vld.idx.msk [tilespmem:v60+s4+$0x0], $0xffff  }
0x307: {  	v51 =	vmul.f32 v18, v6;
	v58 =	vmul.f32 v19, v6;
	v59 =	vadd.f32 v59, v15;
	v49 =	vld.idx.msk [tilespmem:v49+s4+$0x0], $0xffff  }
0x308: {  	v43 =	vadd.f32 v57, v15;
	v57 =	vmul.f32 v21, v6;
	v60 =	vmul.f32 v20, v7;
	v46 =	vld.idx.msk [tilespmem:v46+s4+$0x0], $0xffff  }
0x309: {  	v16 =	vadd.f32 v16, v62;
	v62 =	vmul.f32 v22, v7;
	v23 =	vadd.f32 v23, v30;
	v30 =	vld.idx.msk [tilespmem:v45+s4+$0x0], $0xffff  }
0x30a: {  	s5 =	sadd.s32 $0x180, s5;
	v48 =	vadd.f32 v63, v15;
	v61 =	vmul.f32 v20, v6;
	v0 =	vmul.f32 v26, v7;
	v50 =	vld.idx.msk [tilespmem:v50+s4+$0x0], $0xffff  }
0x30b: {  	v63 =	vmul.f32 v38, v6;
	v60 =	vadd.f32 v60, v15;
	[tilespmem:s5+$0x60] =	vst v16;
	v45 =	vadd.f32 v62, v15;
	v16 =	vld [tilespmem:$0x1FD00]  }
0x30c: {  	v62 =	vmul.f32 v22, v6;
	v0 =	vadd.f32 v0, v15;
	v15 =	vmovc v12;
	v12 =	vadd.f32 v48, v40  }
0x30d: {  	[tilespmem:s5+$0xFFFFFF40] =	vst v23;
	v40 =	vadd.f32 v43, v41;
	v41 =	vmul.f32 v26, v6;
	v42 =	vld.idx.msk [tilespmem:v42+s4+$0x0], $0xffff  }
0x30e: {  	v48 =	vadd.s32 v2, v32;
	v49 =	vadd.f32 v60, v49;
	v31 =	vld.idx.msk [tilespmem:v31+s4+$0x0], $0xffff;
	[tilespmem:s5+$0xFFFFFF70] =	vst v12  }
0x30f: {  	v46 =	vadd.f32 v59, v46;
	v59 =	vadd.s32 v5, v34;
	[tilespmem:s5+$0xFFFFFFA0] =	vst v40;
	v12 =	vld [tilespmem:$0x1FD10];
	v30 =	vadd.f32 v45, v30  }
0x310: {  	[tilespmem:s5+$0x0] =	vst v49;
	v44 =	vld.idx.msk [tilespmem:v44+s4+$0x0], $0xffff;
	v0 =	vadd.f32 v0, v50;
	v63 =	vadd.f32 v63, v16  }
0x311: {  	v23 =	vmov v39;
	v40 =	vld.idx.msk [tilespmem:v47+s4+$0x0], $0xffff;
	[tilespmem:s5+$0xFFFFFFD0] =	vst v46;
	v43 =	vadd.f32 v56, v16;
	v51 =	vadd.f32 v51, v16  }
0x312: {  	s16 =	sadd.s32 $0x180, s16;
	v45 =	vld.idx.msk [tilespmem:v52+s4+$0x0], $0xffff;
	v56 =	vadd.s32 v2, v33;
	v58 =	vadd.f32 v58, v16;
	v39 =	vadd.f32 v57, v16  }
0x313: {  	s21 =	sadd.s32 $0xFFFFFFD0, s16;
	s7 =	sadd.s32 $0xFFFFFF10, s16;
	v46 =	vadd.f32 v62, v16;
	v57 =	vmul.f32 v38, v9;
	[tilespmem:s5+$0x30] =	vst v30;
	v42 =	vadd.f32 v42, v63  }
0x314: {  	s3 =	sor.u32 $0x70, s7;
	s7 =	sor.u32 $0x30, s21;
	v30 =	vadd.f32 v41, v16;
	[tilespmem:s5+$0x90] =	vst v0;
	v31 =	vadd.f32 v31, v43;
	v43 =	vld.idx.msk [tilespmem:v53+s4+$0x0], $0xffff  }
0x315: {  	v62 =	vadd.s32 v2, v24;
	v60 =	vld.idx.msk [tilespmem:v55+s4+$0x0], $0xffff;
	v0 =	vadd.f32 v44, v51;
	[tilespmem:s7+$0x17580] =	vst v42  }
0x316: {  	v47 =	vadd.f32 v57, v12;
	[tilespmem:s5+$0xFFFFFF50] =	vst v31;
	v31 =	vadd.s32 v2, v28;
	v1 =	vld.idx.msk [tilespmem:v1+s4+$0x0], $0xffff  }
0x317: {  	v63 =	vadd.s32 v2, v25;
	v42 =	vadd.f32 v61, v16;
	[tilespmem:s5+$0xFFFFFF80] =	vst v0;
	v0 =	vadd.f32 v40, v58  }
0x318: {  	v41 =	vld.idx.msk [tilespmem:v54+s4+$0x0], $0xffff;
	v57 =	vmul.f32 v17, v9;
	v51 =	vadd.s32 v5, v24;
	v39 =	vadd.f32 v45, v39  }
0x319: {  	s20 =	sadd.s32 $0xFFFFFF70, s16;
	v44 =	vadd.s32 v4, v33;
	v48 =	vld.idx.msk [tilespmem:v48+s4+$0x0], $0xffff;
	[tilespmem:s3+$0x17580] =	vst v0;
	v0 =	vadd.f32 v43, v42  }
0x31a: {  	s29 =	sor.u32 $0x50, s20;
	v61 =	vadd.s32 v2, v29;
	v58 =	vmul.f32 v19, v9;
	v53 =	vld.idx.msk [tilespmem:v56+s4+$0x0], $0xffff;
	[tilespmem:s5+$0xFFFFFFE0] =	vst v39  }
0x31b: {  	v40 =	vadd.s32 v4, v34;
	v31 =	vld.idx.msk [tilespmem:v31+s4+$0x0], $0xffff;
	[tilespmem:s29+$0x17580] =	vst v0;
	v1 =	vadd.f32 v1, v47  }
0x31c: {  	v30 =	vadd.f32 v60, v30;
	v60 =	vmul.f32 v21, v9;
	v47 =	vadd.s32 v2, v27;
	v45 =	vld.idx.msk [tilespmem:v62+s4+$0x0], $0xffff  }
0x31d: {  	v56 =	vmul.f32 v26, v9;
	v58 =	vadd.f32 v58, v12;
	v34 =	vld.idx.msk [tilespmem:v36+s4+$0x0], $0xffff;
	[tilespmem:s5+$0x80] =	vst v1  }
0x31e: {  	v43 =	vmul.f32 v26, v8;
	[tilespmem:s5+$0xA0] =	vst v30;
	v0 =	vmul.f32 v38, v8;
	v42 =	vld.idx.msk [tilespmem:v59+s4+$0x0], $0xffff  }
0x31f: {  	v38 =	vmul.f32 v38, v10;
	v59 =	vadd.f32 v41, v46;
	v41 =	vld.idx.msk [tilespmem:v61+s4+$0x0], $0xffff;
	v61 =	vmul.f32 v20, v9  }
0x320: {  	v62 =	vadd.f32 v57, v12;
	v1 =	vmul.f32 v18, v9;
	v54 =	vadd.f32 v31, v58;
	v31 =	vld.idx.msk [tilespmem:v35+s4+$0x0], $0xffff  }
0x321: {  	[tilespmem:s5+$0x40] =	vst v59;
	v47 =	vld.idx.msk [tilespmem:v47+s4+$0x0], $0xffff;
	v59 =	vadd.f32 v60, v12;
	v60 =	vadd.f32 v61, v12  }
0x322: {  	v57 =	vadd.s32 v5, v32;
	v0 =	vadd.f32 v0, v13;
	v1 =	vadd.f32 v1, v12;
	v39 =	vld.idx.msk [tilespmem:v63+s4+$0x0], $0xffff  }
0x323: {  	v58 =	vadd.s32 v5, v27;
	v63 =	vmul.f32 v22, v9;
	v30 =	vld.idx.msk [tilespmem:v37+s4+$0x0], $0xffff;
	v55 =	vadd.f32 v45, v60  }
0x324: {  	s21 =	sor.u32 $0x60, s20;
	v37 =	vadd.s32 v5, v28;
	v1 =	vadd.f32 v53, v1;
	[tilespmem:s5+$0xFFFFFFC0] =	vst v54;
	v0 =	vadd.f32 v42, v0  }
0x325: {  	s19 =	smov.u32 s9;
	s9 =	sadd.s32 $0x100, s9;
	v60 =	vmul.f32 v18, v8;
	v61 =	vadd.f32 v63, v12;
	v63 =	vadd.f32 v56, v12;
	[tilespmem:s21+$0x17580] =	vst v55  }
0x326: {  	v42 =	vadd.s32 v5, v33;
	[tilespmem:s9+$0x40] =	vst v0;
	v0 =	vadd.f32 v48, v62;
	v35 =	vld.idx.msk [tilespmem:v51+s4+$0x0], $0xffff  }
0x327: {  	[tilespmem:s5+$0xFFFFFF90] =	vst v1;
	v62 =	vadd.s32 v5, v29;
	v56 =	vadd.f32 v47, v63;
	v40 =	vld.idx.msk [tilespmem:v40+s4+$0x0], $0xffff  }
0x328: {  	s11 =	sadd.s32 $0x8, s11;
	s15 =	smov.u32 s31;
	s31 =	sor.u32 $0x70, s16;
	v1 =	vadd.f32 v39, v61;
	[tilespmem:s5+$0xFFFFFF60] =	vst v0;
	v0 =	vadd.f32 v41, v59;
	v41 =	vadd.s32 v5, v25  }
0x329: {  	p0 =	slt.u32 s11, $0xC0;
	s14 =	smov.u32 s26;
	s26 =	sadd.s32 $0xFFFFFF40, s16;
	v46 =	vadd.f32 v60, v13;
	v63 =	vmul.f32 v20, v8;
	v39 =	vld.idx.msk [tilespmem:v37+s4+$0x0], $0xffff;
	[tilespmem:s31+$0x17580] =	vst v56  }
.Ltmp2:
0x32a: {  	s12 =	sadd.s32 $0x100, s12;
	s28 =	sor.u32 $0x30, s26;
	v59 =	vmul.f32 v17, v8;
	v36 =	vld.idx.msk [tilespmem:v57+s4+$0x0], $0xffff;
	v57 =	vadd.f32 v38, v11;
	[tilespmem:s5+$0x50] =	vst v1;
	(pc) =	sbr.rel @p0 .LBB2_7-.Ltmp2, $4  }
0x32b: {  	s6 =	sadd.s32 $0xFFFFFF60, s12;
	s26 =	sadd.s32 $0xFFFFFFC0, s12;
	v33 =	vadd.f32 v63, v13;
	v38 =	vld.idx.msk [tilespmem:v42+s4+$0x0], $0xffff;
	v1 =	vmul.f32 v22, v8;
	[tilespmem:s28+$0x17580] =	vst v0  }
0x32c: {  	s20 =	sadd.s32 $0xFFFFFFE0, s12;
	s26 =	sor.u32 $0x30, s26;
	s3 =	sadd.s32 $0xFFFFFF40, s12;
	v0 =	vmul.f32 v19, v8;
	v61 =	vadd.f32 v40, v57;
	v40 =	vld.idx.msk [tilespmem:v62+s4+$0x0], $0xffff;
	v62 =	vmul.f32 v21, v8  }
0x32d: {  	s7 =	sor.u32 $0x50, s20;
	s30 =	sor.u32 $0x30, s3;
	s21 =	sadd.s32 $0xFFFFFF80, s12;
	v42 =	vadd.s32 v4, v32;
	v47 =	vadd.f32 v59, v13;
	v32 =	vadd.f32 v1, v13;
	v37 =	vld.idx.msk [tilespmem:v41+s4+$0x0], $0xffff  }
0x32e: {  	v16 =	vmov v14;
	s29 =	sor.u32 $0x50, s6;
	s31 =	sor.u32 $0x70, s12;
	s28 =	sor.u32 $0x70, s21;
	v48 =	vadd.f32 v0, v13;
	v41 =	vld.idx.msk [tilespmem:v58+s4+$0x0], $0xffff;
	[tilespmem:s7+$0x1C080] =	vst v61;
	v45 =	vadd.f32 v62, v13  }
0x32f: {  	v0 =	vadd.f32 v36, v47  }
0x330: {  	v11 =	vadd.f32 v38, v46  }
0x331: {  	v13 =	vadd.f32 v39, v48;
	[tilespmem:s9+$0xFFFFFF80] =	vst v0  }
0x332: {  	[tilespmem:s9+$0xFFFFFFA0] =	vst v11  }
0x333: {  	[tilespmem:s9+$0xFFFFFFC0] =	vst v13  }
0x334: {  	v11 =	vadd.f32 v40, v45;
	v10 =	vld [tilespmem:$0x1FD30];
	_ =	sdelay $0x1  }
0x335: {  	v13 =	vadd.f32 v35, v33;
	[tilespmem:s9+$0xFFFFFFE0] =	vst v11  }
0x336: {  	v54 =	vld [tilespmem:$0x1FFA0]  }
0x337: {  	v1 =	vadd.s32 v4, v28;
	[tilespmem:s9+$0x0] =	vst v13  }
0x338: {  	v14 =	vadd.s32 v4, v29;
	v12 =	vadd.f32 v43, v10;
	v10 =	vld [tilespmem:$0x1FD20];
	_ =	sdelay $0x1  }
0x339: {  	v0 =	vld.idx.msk [tilespmem:v42+s4+$0x0], $0xffff  }
0x33a: {  	v15 =	vadd.f32 v34, v15;
	v28 =	vld.idx.msk [tilespmem:v44+s4+$0x0], $0xffff;
	v11 =	vadd.s32 v4, v24;
	v17 =	vmul.f32 v17, v54  }
0x33b: {  	v25 =	vadd.s32 v4, v25;
	v16 =	vadd.f32 v30, v16;
	v1 =	vld.idx.msk [tilespmem:v1+s4+$0x0], $0xffff;
	v24 =	vadd.f32 v37, v32  }
0x33c: {  	v14 =	vld.idx.msk [tilespmem:v14+s4+$0x0], $0xffff;
	v13 =	vadd.s32 v4, v27;
	v18 =	vmul.f32 v18, v54;
	v17 =	vadd.f32 v17, v10  }
0x33d: {  	[tilespmem:s9+$0x20] =	vst v24;
	v12 =	vadd.f32 v41, v12;
	v19 =	vmul.f32 v19, v54;
	v21 =	vmul.f32 v21, v54  }
0x33e: {  	[tilespmem:s19+$0x10] =	vst v15;
	v18 =	vadd.f32 v18, v10;
	v0 =	vadd.f32 v0, v17  }
0x33f: {  	v11 =	vld.idx.msk [tilespmem:v11+s4+$0x0], $0xffff;
	[tilespmem:s9+$0x60] =	vst v12;
	v12 =	vadd.f32 v19, v10;
	v15 =	vadd.f32 v21, v10  }
0x340: {  	v17 =	vadd.f32 v28, v18;
	v18 =	vmul.f32 v20, v54;
	[tilespmem:s9+$0xFFFFFF90] =	vst v0;
	v0 =	vld.idx.msk [tilespmem:v25+s4+$0x0], $0xffff  }
0x341: {  	[tilespmem:s14+$0x1C080] =	vst v16;
	v13 =	vld.idx.msk [tilespmem:v13+s4+$0x0], $0xffff;
	v1 =	vadd.f32 v1, v12;
	v12 =	vmul.f32 v22, v54  }
0x342: {  	v14 =	vadd.f32 v14, v15;
	v15 =	vmul.f32 v26, v54;
	[tilespmem:s30+$0x1C080] =	vst v17;
	v17 =	vadd.f32 v18, v10  }
0x343: {  	[tilespmem:s29+$0x1C080] =	vst v1;
	v1 =	vadd.f32 v12, v10;
	v12 =	vadd.f32 v31, v23  }
0x344: {  	[tilespmem:s28+$0x1C080] =	vst v14;
	v10 =	vadd.f32 v15, v10;
	v11 =	vadd.f32 v11, v17  }
0x345: {  	[tilespmem:s15+$0x1C080] =	vst v12;
	v0 =	vadd.f32 v0, v1  }
0x346: {  	[tilespmem:s9+$0x10] =	vst v11;
	v1 =	vadd.f32 v13, v10  }
0x347: {  	s3 =	simm.s32 $0x17580;
	s12 =	simm.s32 $0x1C080;
	[tilespmem:s26+$0x1C080] =	vst v0  }
0x348: {  	s14 =	sadd.s32 $0xFFFFFFF8, s0;
	s30 =	simm.s32 $0x80;
	[tilespmem:s31+$0x1C080] =	vst v1;
	s31 =	simm.s32 $0x400  }
0x349: {  	[hbm4b:s10+s30] =	stream.strided.scatter [tilespmem:s3], [sflag:$0x1], $0x2580, s31, s30, $0x38;
	[tilespmem:$0x1F280] =	vst v63  }
0x34a: {  	s6 =	simm.s32 $0x1;
	s5 =	sadd.s32 $0x266, s14;
	s19 =	sadd.s32 $0x260, s14  }
0x34b: {  	v0 =	vmov s5;
	[hbm4b:s13+s30] =	stream.strided.scatter [tilespmem:s12], [sflag:$0x2], $0x1900, s31, s30, $0x38;
	[tilespmem:$0x1F280] =	vst v63  }
0x34c: {  	s20 =	sadd.s32 $0x261, s14;
	v1 =	vmov s19;
	v0 =	vand.u32 $0xFFFFFFFE, v0;
	_ =	swait.ge [sflag:s6], $0x2580  }
0x34d: {  	s7 =	simm.s32 $0x2;
	v10 =	vmov s20;
	s26 =	sadd.s32 $0x263, s14;
	v1 =	vand.u32 $0xFFFFFFF8, v1;
	v0 =	vbroadcast v0, $0x0;
	[sflag:s6] =	ssyncset.done $0x0  }
0x34e: {  	s15 =	sor.u32 $0x1, s8;
	s8 =	sadd.s32 $0x264, s14;
	v10 =	vand.u32 $0xFFFFFFF9, v10;
	v15 =	vmov s26;
	v1 =	vbroadcast v1, $0x0;
	[sflag:s6] =	ssyncadd.s32 $0xFFFFDA80  }
0x34f: {  	s16 =	smul.u32 $0x140, s15;
	s9 =	sadd.s32 $0x265, s14;
	v17 =	vbroadcast v10, $0x0;
	v10 =	vmov s8;
	v15 =	vand.u32 $0xFFFFFFFB, v15;
	_ =	swait.ge [sflag:s7], $0x1900  }
0x350: {  	v16 =	vmov s9;
	v10 =	vand.u32 $0xFFFFFFFC, v10;
	v19 =	vbroadcast v15, $0x0;
	[sflag:s7] =	ssyncset.done $0x0  }
0x351: {  	s5 =	sshra.s32 s16, $0x2;
	v20 =	vbroadcast v10, $0x0;
	v15 =	vand.u32 $0xFFFFFFFD, v16;
	[sflag:s7] =	ssyncadd.s32 $0xFFFFE700  }
0x352: {  	v21 =	vbroadcast v15, $0x0;
	v11 =	vld [tilespmem:s5+$0x13980]  }
0x353: {  	v16 =	vld.idx.msk [tilespmem:v0+s23+$0x0], $0xffff  }
0x354: {  	s3 =	sadd.s32 $0x267, s14;
	v15 =	vld.idx.msk [tilespmem:v1+s23+$0x0], $0xffff  }
0x355: {  	v30 =	vmov s3;
	v22 =	vld.idx.msk [tilespmem:v17+s23+$0x0], $0xffff  }
0x356: {  	v24 =	vld.idx.msk [tilespmem:v19+s23+$0x0], $0xffff  }
0x357: {  	s21 =	sadd.s32 $0x262, s14;
	v31 =	vld.idx.msk [tilespmem:v20+s23+$0x0], $0xffff  }
0x358: {  	v12 =	vmov s21;
	v56 =	vld.idx.msk [tilespmem:v21+s23+$0x0], $0xffff  }
0x359: {  	v12 =	vand.u32 $0xFFFFFFFA, v12;
	v28 =	vld.idx.msk [tilespmem:v0+s22+$0x0], $0xffff  }
0x35a: {  	v18 =	vbroadcast v12, $0x0;
	v0 =	vld.idx.msk [tilespmem:v30+s23+$0x0], $0xffff  }
0x35b: {  	v29 =	vmul.u32 $0x50, v16;
	v16 =	vld.idx.msk [tilespmem:v1+s22+$0x0], $0xffff  }
0x35c: {  	v27 =	vmul.u32 $0x50, v15;
	v15 =	vld.idx.msk [tilespmem:v17+s22+$0x0], $0xffff  }
0x35d: {  	v17 =	vld.idx.msk [tilespmem:v19+s22+$0x0], $0xffff  }
0x35e: {  	v10 =	vlaneseq.u32;
	v25 =	vmul.u32 $0x50, v22;
	v24 =	vmul.u32 $0x50, v24;
	v19 =	vld.idx.msk [tilespmem:v21+s22+$0x0], $0xffff  }
0x35f: {  	v22 =	vmul.u32 $0x50, v31;
	v21 =	vld.idx.msk [tilespmem:v30+s22+$0x0], $0xffff;
	v30 =	vmul.u32 $0x50, v0;
	v26 =	vor.u32 v10, v29  }
0x360: {  	v23 =	vld.idx.msk [tilespmem:v18+s23+$0x0], $0xffff;
	v1 =	vor.u32 v10, v27;
	v34 =	vadd.s32 v3, v27;
	v58 =	vor.u32 v10, v25  }
0x361: {  	v13 =	vld [tilespmem:s5+$0x13990];
	v36 =	vadd.s32 v3, v25;
	v31 =	vor.u32 v10, v24;
	v62 =	vor.u32 v10, v22  }
0x362: {  	v20 =	vld.idx.msk [tilespmem:v20+s22+$0x0], $0xffff;
	v61 =	vadd.s32 v3, v29;
	v41 =	vadd.s32 v3, v24;
	v42 =	vadd.s32 v3, v22  }
0x363: {  	v18 =	vld.idx.msk [tilespmem:v18+s22+$0x0], $0xffff;
	v53 =	vor.u32 v10, v30;
	v51 =	vmul.f32 v16, v7;
	v52 =	vmul.f32 v15, v7  }
0x364: {  	v49 =	vadd.s32 v2, v30;
	v47 =	vmul.f32 v16, v6;
	v50 =	vmul.f32 v16, v9;
	v57 =	vld.idx.msk [tilespmem:v26+s4+$0x0], $0xffff  }
0x365: {  	v26 =	vmul.u32 $0x50, v23;
	v23 =	vmul.f32 v28, v7;
	v35 =	vld.idx.msk [tilespmem:v58+s4+$0x0], $0xffff;
	v43 =	vadd.f32 v51, v11  }
0x366: {  	v44 =	vadd.f32 v52, v11;
	v58 =	vmul.f32 v17, v7;
	v32 =	vld.idx.msk [tilespmem:v62+s4+$0x0], $0xffff;
	v62 =	vadd.s32 v2, v29  }
0x367: {  	v0 =	vld.idx.msk [tilespmem:v1+s4+$0x0], $0xffff;
	v51 =	vmul.f32 v21, v7;
	v52 =	vmul.f32 v20, v6;
	v59 =	vor.u32 v10, v26  }
0x368: {  	v14 =	vld [tilespmem:s5+$0x139A0];
	v60 =	vadd.f32 v23, v11;
	v23 =	vmul.u32 $0x50, v56;
	v56 =	vmul.f32 v18, v7  }
0x369: {  	v45 =	vld.idx.msk [tilespmem:v53+s4+$0x0], $0xffff;
	v53 =	vmul.f32 v19, v6;
	v47 =	vadd.f32 v47, v13;
	v38 =	vadd.s32 v3, v26  }
0x36a: {  	v31 =	vld.idx.msk [tilespmem:v31+s4+$0x0], $0xffff;
	v63 =	vor.u32 v10, v23;
	v39 =	vadd.s32 v3, v23;
	v46 =	vadd.f32 v56, v11  }
0x36b: {  	v12 =	vld [tilespmem:s5+$0x139B0];
	v56 =	vmul.f32 v21, v6;
	v1 =	vadd.f32 v60, v57;
	v57 =	vmul.f32 v28, v6  }
0x36c: {  	s10 =	simm.s32 $0x19BC0;
	v55 =	vld [tilespmem:s5+$0x139C0];
	v0 =	vadd.f32 v43, v0;
	v35 =	vadd.f32 v44, v35;
	v60 =	vmul.f32 v15, v6  }
0x36d: {  	v43 =	vadd.f32 v58, v11;
	v58 =	vadd.s32 v2, v25;
	v37 =	vld.idx.msk [tilespmem:v59+s4+$0x0], $0xffff;
	[tilespmem:s10+$0x60] =	vst v1  }
0x36e: {  	v1 =	vadd.s32 v3, v30;
	v59 =	vmul.f32 v20, v7;
	[tilespmem:s10+$0xFFFFFF40] =	vst v0;
	v40 =	vld.idx.msk [tilespmem:v61+s4+$0x0], $0xffff  }
0x36f: {  	v48 =	vadd.f32 v57, v13;
	v0 =	vmul.f32 v19, v7;
	v31 =	vadd.f32 v43, v31;
	v34 =	vld.idx.msk [tilespmem:v34+s4+$0x0], $0xffff  }
0x370: {  	v57 =	vmul.f32 v28, v9;
	v61 =	vmul.f32 v18, v6;
	v44 =	vadd.f32 v59, v11;
	v33 =	vld.idx.msk [tilespmem:v63+s4+$0x0], $0xffff  }
0x371: {  	v63 =	vmul.f32 v17, v6;
	v0 =	vadd.f32 v0, v11;
	[tilespmem:s10+$0xFFFFFFD0] =	vst v31;
	v31 =	vadd.s32 v2, v27  }
0x372: {  	[tilespmem:s10+$0xFFFFFF70] =	vst v35;
	v59 =	vadd.s32 v5, v29;
	v32 =	vadd.f32 v44, v32;
	v44 =	vadd.f32 v51, v11  }
0x373: {  	v36 =	vld.idx.msk [tilespmem:v36+s4+$0x0], $0xffff;
	v29 =	vadd.s32 v4, v29;
	v35 =	vadd.f32 v63, v13;
	v37 =	vadd.f32 v46, v37  }
0x374: {  	v51 =	vmul.f32 v15, v9;
	v46 =	vadd.f32 v60, v13;
	v40 =	vadd.f32 v40, v48  }
0x375: {  	v41 =	vld.idx.msk [tilespmem:v41+s4+$0x0], $0xffff;
	v60 =	vadd.s32 v2, v26;
	v48 =	vadd.f32 v61, v13;
	v44 =	vadd.f32 v44, v45  }
0x376: {  	s11 =	simm.s32 $0x120;
	[tilespmem:s10+$0x0] =	vst v32;
	v34 =	vadd.f32 v34, v47;
	v32 =	vadd.f32 v57, v14;
	v61 =	vadd.s32 v2, v24  }
0x377: {  	s3 =	sor.u32 $0x30, s11;
	v57 =	vmul.f32 v20, v9;
	v47 =	vadd.s32 v5, v22;
	[tilespmem:s10+$0xFFFFFFA0] =	vst v37;
	v0 =	vadd.f32 v0, v33  }
0x378: {  	v37 =	vadd.f32 v53, v13;
	v42 =	vld.idx.msk [tilespmem:v42+s4+$0x0], $0xffff;
	v36 =	vadd.f32 v36, v46;
	[tilespmem:s3+$0x19B00] =	vst v40  }
0x379: {  	v53 =	vmul.f32 v18, v9;
	v38 =	vld.idx.msk [tilespmem:v38+s4+$0x0], $0xffff;
	v40 =	vadd.f32 v52, v13;
	[tilespmem:s10+$0x90] =	vst v44  }
0x37a: {  	[tilespmem:s10+$0xFFFFFF50] =	vst v34;
	v35 =	vadd.f32 v41, v35;
	v41 =	vadd.f32 v50, v14;
	v43 =	vld.idx.msk [tilespmem:v62+s4+$0x0], $0xffff  }
0x37b: {  	v50 =	vadd.s32 v5, v23;
	[tilespmem:s10+$0x30] =	vst v0;
	v0 =	vadd.f32 v56, v13;
	v1 =	vld.idx.msk [tilespmem:v1+s4+$0x0], $0xffff  }
0x37c: {  	v31 =	vld.idx.msk [tilespmem:v31+s4+$0x0], $0xffff;
	v62 =	vadd.s32 v2, v22;
	[tilespmem:s10+$0xFFFFFF80] =	vst v36;
	v56 =	vmul.f32 v28, v8  }
0x37d: {  	v36 =	vadd.f32 v51, v14;
	v28 =	vmul.f32 v28, v54;
	v51 =	vmul.f32 v16, v8;
	v39 =	vld.idx.msk [tilespmem:v39+s4+$0x0], $0xffff  }
0x37e: {  	v16 =	vmul.f32 v16, v54;
	v45 =	vld.idx.msk [tilespmem:v58+s4+$0x0], $0xffff;
	[tilespmem:s10+$0xFFFFFFE0] =	vst v35;
	v35 =	vadd.f32 v53, v14  }
0x37f: {  	s13 =	simm.s32 $0xC0;
	v58 =	vmul.f32 v19, v9;
	v34 =	vld.idx.msk [tilespmem:v61+s4+$0x0], $0xffff;
	v61 =	vadd.f32 v57, v14;
	v40 =	vadd.f32 v42, v40  }
0x380: {  	s12 =	simm.s32 $0x60;
	s14 =	sor.u32 $0x50, s13;
	v57 =	vmul.f32 v17, v8;
	v28 =	vadd.f32 v28, v55;
	v63 =	vadd.f32 v38, v48  }
0x381: {  	s3 =	sor.u32 $0x70, s12;
	v48 =	vadd.s32 v2, v23;
	v32 =	vadd.f32 v43, v32;
	[tilespmem:s14+$0x19B00] =	vst v40;
	v0 =	vadd.f32 v1, v0  }
0x382: {  	v1 =	vmul.f32 v17, v9;
	v31 =	vadd.f32 v31, v41;
	[tilespmem:s3+$0x19B00] =	vst v63;
	v37 =	vadd.f32 v39, v37  }
0x383: {  	v43 =	vld.idx.msk [tilespmem:v62+s4+$0x0], $0xffff;
	v39 =	vadd.f32 v56, v12;
	v62 =	vadd.s32 v5, v26;
	v63 =	vadd.s32 v5, v24  }
0x384: {  	v36 =	vadd.f32 v45, v36;
	[tilespmem:s10+$0x80] =	vst v32;
	v52 =	vld.idx.msk [tilespmem:v60+s4+$0x0], $0xffff;
	v60 =	vadd.s32 v5, v27  }
0x385: {  	v56 =	vadd.s32 v5, v30;
	v26 =	vadd.s32 v4, v26;
	[tilespmem:s10+$0xA0] =	vst v0;
	v0 =	vadd.s32 v5, v25  }
0x386: {  	v24 =	vadd.s32 v4, v24;
	v1 =	vadd.f32 v1, v14;
	[tilespmem:s10+$0xFFFFFF60] =	vst v31;
	v33 =	vld.idx.msk [tilespmem:v59+s4+$0x0], $0xffff  }
0x387: {  	v27 =	vadd.s32 v4, v27;
	[tilespmem:s10+$0x40] =	vst v37;
	v59 =	vmul.f32 v21, v9;
	v32 =	vld.idx.msk [tilespmem:v49+s4+$0x0], $0xffff  }
0x388: {  	s15 =	simm.s32 $0x90;
	v25 =	vadd.s32 v4, v25;
	v37 =	vadd.f32 v58, v14;
	v38 =	vld.idx.msk [tilespmem:v48+s4+$0x0], $0xffff;
	v1 =	vadd.f32 v34, v1  }
0x389: {  	s16 =	sadd.s32 $0x0, s0;
	s3 =	sor.u32 $0x30, s15;
	[tilespmem:s10+$0xFFFFFF90] =	vst v36;
	v44 =	vadd.f32 v59, v14;
	v31 =	vadd.f32 v43, v61;
	v48 =	vld.idx.msk [tilespmem:v60+s4+$0x0], $0xffff  }
0x38a: {  	s21 =	sor.u32 $0x60, s13;
	s14 =	sadd.s32 $0x267, s16;
	[tilespmem:s3+$0x19B00] =	vst v1;
	v1 =	vmul.f32 v18, v8;
	v35 =	vadd.f32 v52, v35;
	v0 =	vld.idx.msk [tilespmem:v0+s4+$0x0], $0xffff  }
0x38b: {  	s20 =	sadd.s32 $0x266, s16;
	v45 =	vmov s14;
	v43 =	vadd.f32 v57, v12;
	v41 =	vld.idx.msk [tilespmem:v63+s4+$0x0], $0xffff;
	v33 =	vadd.f32 v33, v39;
	[tilespmem:s21+$0x19B00] =	vst v31  }
0x38c: {  	s19 =	simm.s32 $0x1DA00;
	s26 =	simm.s32 $0x150;
	v59 =	vmov s20;
	v52 =	vmul.f32 v15, v8;
	v32 =	vadd.f32 v32, v44;
	[tilespmem:s10+$0xFFFFFFC0] =	vst v35;
	v60 =	vld.idx.msk [tilespmem:v47+s4+$0x0], $0xffff  }
0x38d: {  	s3 =	sor.u32 $0x70, s26;
	v31 =	vand.u32 $0xFFFFFFFE, v59;
	v49 =	vadd.f32 v38, v37;
	v35 =	vadd.f32 v51, v12;
	v53 =	vld.idx.msk [tilespmem:v62+s4+$0x0], $0xffff;
	[tilespmem:s19+$0x40] =	vst v33  }
0x38e: {  	s7 =	sadd.s32 $0x260, s16;
	v1 =	vadd.f32 v1, v12;
	v38 =	vadd.f32 v52, v12;
	v36 =	vbroadcast v31, $0x0;
	[tilespmem:s3+$0x19B00] =	vst v32;
	v29 =	vld.idx.msk [tilespmem:v29+s4+$0x0], $0xffff  }
0x38f: {  	s8 =	sadd.s32 $0x261, s16;
	v61 =	vmov s7;
	v51 =	vmul.f32 v20, v8;
	[tilespmem:s10+$0x50] =	vst v49;
	v63 =	vld.idx.msk [tilespmem:v56+s4+$0x0], $0xffff;
	v58 =	vadd.f32 v48, v35  }
0x390: {  	v62 =	vmov s8;
	v0 =	vadd.f32 v0, v38;
	v37 =	vld.idx.msk [tilespmem:v50+s4+$0x0], $0xffff;
	v35 =	vand.u32 $0xFFFFFFF8, v61  }
0x391: {  	s12 =	sadd.s32 $0x264, s16;
	v32 =	vand.u32 $0xFFFFFFF9, v62;
	v39 =	vbroadcast v35, $0x0;
	v35 =	vadd.f32 v51, v12;
	v51 =	vld.idx.msk [tilespmem:v45+s23+$0x0], $0xffff;
	[tilespmem:s19+$0xFFFFFF80] =	vst v58  }
0x392: {  	v49 =	vmov s12;
	v31 =	vadd.f32 v41, v43;
	v40 =	vbroadcast v32, $0x0;
	[tilespmem:s19+$0xFFFFFFA0] =	vst v0;
	v27 =	vld.idx.msk [tilespmem:v27+s4+$0x0], $0xffff  }
0x393: {  	v17 =	vmul.f32 v17, v54;
	v18 =	vmul.f32 v18, v54;
	v32 =	vand.u32 $0xFFFFFFFC, v49;
	v25 =	vld.idx.msk [tilespmem:v25+s4+$0x0], $0xffff  }
0x394: {  	s13 =	sadd.s32 $0x265, s16;
	v15 =	vmul.f32 v15, v54;
	s10 =	sadd.s32 $0x262, s16;
	v41 =	vbroadcast v32, $0x0;
	[tilespmem:s19+$0xFFFFFFE0] =	vst v31;
	v1 =	vadd.f32 v53, v1;
	v52 =	vld.idx.msk [tilespmem:v36+s23+$0x0], $0xffff  }
0x395: {  	s11 =	sadd.s32 $0x263, s16;
	v20 =	vmul.f32 v20, v54;
	v48 =	vmov s10;
	v50 =	vmov s13;
	v24 =	vld.idx.msk [tilespmem:v24+s4+$0x0], $0xffff  }
0x396: {  	v33 =	vand.u32 $0xFFFFFFFA, v48;
	v0 =	vmov s11;
	v31 =	vand.u32 $0xFFFFFFFD, v50;
	v36 =	vld.idx.msk [tilespmem:v36+s22+$0x0], $0xffff;
	[tilespmem:s19+$0xFFFFFFC0] =	vst v1  }
0x397: {  	v50 =	vadd.f32 v16, v55;
	v16 =	vmul.f32 v19, v54;
	v42 =	vbroadcast v31, $0x0;
	v26 =	vld.idx.msk [tilespmem:v26+s4+$0x0], $0xffff  }
0x398: {  	v0 =	vand.u32 $0xFFFFFFFB, v0;
	v53 =	vmul.f32 v19, v8;
	v1 =	vbroadcast v33, $0x0;
	v57 =	vld.idx.msk [tilespmem:v40+s23+$0x0], $0xffff  }
0x399: {  	v31 =	vmul.f32 v21, v8;
	v59 =	vadd.f32 v60, v35;
	v0 =	vbroadcast v0, $0x0;
	v56 =	vld.idx.msk [tilespmem:v39+s23+$0x0], $0xffff  }
0x39a: {  	v28 =	vadd.f32 v29, v28;
	v29 =	vadd.f32 v53, v12;
	v62 =	vld.idx.msk [tilespmem:v41+s23+$0x0], $0xffff;
	v35 =	vmul.u32 $0x50, v52  }
0x39b: {  	v19 =	vmul.f32 v21, v54;
	v58 =	vadd.f32 v31, v12;
	v53 =	vadd.f32 v17, v55;
	v17 =	vld.idx.msk [tilespmem:v39+s22+$0x0], $0xffff  }
0x39c: {  	v21 =	vadd.f32 v15, v55;
	v52 =	vadd.f32 v18, v55;
	v18 =	vld.idx.msk [tilespmem:v40+s22+$0x0], $0xffff;
	v49 =	vor.u32 v10, v35  }
0x39d: {  	v34 =	vadd.s32 v4, v23;
	v15 =	vadd.f32 v20, v55;
	v61 =	vadd.f32 v63, v58;
	v63 =	vld.idx.msk [tilespmem:v42+s23+$0x0], $0xffff  }
0x39e: {  	v16 =	vadd.f32 v16, v55;
	v31 =	vadd.s32 v4, v22;
	v22 =	vadd.f32 v37, v29;
	v60 =	vld.idx.msk [tilespmem:v1+s23+$0x0], $0xffff  }
0x39f: {  	s15 =	simm.s32 $0xC0;
	[tilespmem:s19+$0x0] =	vst v59;
	v23 =	vadd.f32 v19, v55;
	v25 =	vadd.f32 v25, v21;
	v29 =	vld.idx.msk [tilespmem:v0+s23+$0x0], $0xffff;
	v32 =	vmul.u32 $0x50, v57  }
0x3a0: {  	s3 =	sor.u32 $0x50, s15;
	[tilespmem:s19+$0x20] =	vst v22;
	v22 =	vadd.f32 v27, v50;
	v19 =	vld.idx.msk [tilespmem:v1+s22+$0x0], $0xffff;
	v1 =	vmul.f32 v36, v7;
	v33 =	vmul.u32 $0x50, v56  }
0x3a1: {  	s16 =	simm.s32 $0x20;
	[tilespmem:s3+$0x1D980] =	vst v28;
	v57 =	vadd.f32 v24, v53;
	v24 =	vmul.u32 $0x50, v62;
	v27 =	vor.u32 v10, v32;
	v49 =	vld.idx.msk [tilespmem:v49+s4+$0x0], $0xffff  }
0x3a2: {  	s20 =	simm.s32 $0x40;
	s3 =	sor.u32 $0x30, s16;
	v20 =	vld.idx.msk [tilespmem:v41+s22+$0x0], $0xffff;
	v26 =	vadd.f32 v26, v52;
	v53 =	vmul.f32 v36, v6;
	v46 =	vor.u32 v10, v33  }
0x3a3: {  	s5 =	sor.u32 $0x50, s20;
	v21 =	vld.idx.msk [tilespmem:v0+s22+$0x0], $0xffff;
	[tilespmem:s3+$0x1D980] =	vst v25;
	v0 =	vadd.f32 v1, v11;
	v59 =	vor.u32 v10, v24;
	v28 =	vmul.u32 $0x50, v60  }
0x3a4: {  	v1 =	vadd.s32 v3, v35;
	[tilespmem:s5+$0x1D980] =	vst v26;
	v26 =	vmul.f32 v17, v7;
	v62 =	vmul.f32 v18, v7  }
0x3a5: {  	s21 =	simm.s32 $0x60;
	[tilespmem:s19+$0xFFFFFF90] =	vst v22;
	v22 =	vld.idx.msk [tilespmem:v42+s22+$0x0], $0xffff;
	v47 =	vadd.f32 v53, v13;
	v25 =	vmul.u32 $0x50, v63;
	v56 =	vor.u32 v10, v28  }
0x3a6: {  	[tilespmem:s19+$0x60] =	vst v61;
	s3 =	sor.u32 $0x70, s21;
	v53 =	vmul.f32 v36, v9;
	v29 =	vmul.u32 $0x50, v29;
	v60 =	vld.idx.msk [tilespmem:v27+s4+$0x0], $0xffff;
	v0 =	vadd.f32 v0, v49  }
0x3a7: {  	s5 =	simm.s32 $0x19D40;
	[tilespmem:s3+$0x1D980] =	vst v57;
	v41 =	vadd.s32 v3, v33;
	v61 =	vor.u32 v10, v25;
	v27 =	vmul.u32 $0x50, v51;
	v39 =	vld.idx.msk [tilespmem:v46+s4+$0x0], $0xffff  }
0x3a8: {  	v63 =	vmul.f32 v19, v7;
	v58 =	vor.u32 v10, v29;
	v40 =	vld.idx.msk [tilespmem:v59+s4+$0x0], $0xffff;
	[tilespmem:s5+$0x60] =	vst v0  }
0x3a9: {  	v50 =	vadd.s32 v3, v24;
	v57 =	vmul.f32 v21, v7;
	v52 =	vor.u32 v10, v27;
	v1 =	vld.idx.msk [tilespmem:v1+s4+$0x0], $0xffff  }
0x3aa: {  	v48 =	vadd.s32 v2, v29;
	v37 =	vadd.f32 v63, v11;
	v46 =	vadd.f32 v62, v11;
	v43 =	vld.idx.msk [tilespmem:v56+s4+$0x0], $0xffff  }
0x3ab: {  	v63 =	vadd.s32 v3, v29;
	v59 =	vmul.f32 v20, v7;
	v0 =	vadd.f32 v26, v11;
	v26 =	vld.idx.msk [tilespmem:v45+s22+$0x0], $0xffff  }
0x3ac: {  	v44 =	vld.idx.msk [tilespmem:v61+s4+$0x0], $0xffff;
	v61 =	vadd.s32 v2, v35;
	v42 =	vadd.f32 v46, v60;
	v60 =	vmul.f32 v22, v7  }
0x3ad: {  	v38 =	vld.idx.msk [tilespmem:v58+s4+$0x0], $0xffff;
	v58 =	vadd.s32 v3, v28;
	v56 =	vadd.s32 v3, v32;
	v0 =	vadd.f32 v0, v39  }
0x3ae: {  	s26 =	simm.s32 $0x2A0;
	[tilespmem:s5+$0xFFFFFF70] =	vst v42;
	v45 =	vld.idx.msk [tilespmem:v52+s4+$0x0], $0xffff;
	v39 =	vadd.f32 v60, v11;
	v1 =	vadd.f32 v1, v47  }
0x3af: {  	s3 =	sor.u32 $0x30, s26;
	v52 =	vmul.f32 v18, v6;
	v60 =	vadd.s32 v2, v33;
	[tilespmem:s5+$0xFFFFFF40] =	vst v0;
	v37 =	vadd.f32 v37, v43  }
0x3b0: {  	v0 =	vadd.f32 v57, v11;
	v57 =	vadd.s32 v3, v27;
	v62 =	vmul.f32 v26, v7;
	[tilespmem:s3+$0x19B00] =	vst v1  }
0x3b1: {  	v41 =	vld.idx.msk [tilespmem:v41+s4+$0x0], $0xffff;
	v49 =	vadd.f32 v39, v44;
	v43 =	vadd.f32 v59, v11;
	[tilespmem:s5+$0xFFFFFFA0] =	vst v37  }
0x3b2: {  	v0 =	vadd.f32 v0, v38;
	v59 =	vmul.f32 v22, v6;
	v1 =	vmul.f32 v17, v6;
	[tilespmem:$0x1FCA0] =	vst v11  }
0x3b3: {  	v40 =	vadd.f32 v43, v40;
	v37 =	vadd.s32 v4, v30;
	v30 =	vadd.f32 v62, v11;
	v51 =	vld.idx.msk [tilespmem:v56+s4+$0x0], $0xffff  }
0x3b4: {  	v62 =	vadd.s32 v2, v32;
	v1 =	vadd.f32 v1, v13;
	[tilespmem:s5+$0xFFFFFFD0] =	vst v0;
	v42 =	vld.idx.msk [tilespmem:v61+s4+$0x0], $0xffff  }
0x3b5: {  	v0 =	vadd.s32 v3, v25;
	v30 =	vadd.f32 v30, v45;
	v46 =	vld.idx.msk [tilespmem:v58+s4+$0x0], $0xffff;
	[tilespmem:s5+$0x0] =	vst v40  }
0x3b6: {  	v56 =	vmul.f32 v19, v6;
	v45 =	vadd.f32 v52, v13;
	v40 =	vadd.f32 v53, v14;
	v43 =	vld.idx.msk [tilespmem:v63+s4+$0x0], $0xffff  }
0x3b7: {  	v58 =	vmul.f32 v20, v6;
	v1 =	vadd.f32 v41, v1;
	[tilespmem:s5+$0x90] =	vst v30;
	v30 =	vmul.f32 v21, v6  }
0x3b8: {  	[tilespmem:s5+$0x30] =	vst v49;
	v61 =	vmul.f32 v26, v6;
	v41 =	vadd.f32 v56, v13;
	v44 =	vadd.f32 v51, v45  }
0x3b9: {  	[tilespmem:s5+$0xFFFFFF50] =	vst v1;
	v1 =	vadd.s32 v5, v35;
	v30 =	vadd.f32 v30, v13;
	v40 =	vadd.f32 v42, v40  }
0x3ba: {  	s6 =	simm.s32 $0x1E0;
	v49 =	vadd.s32 v2, v24;
	v52 =	vmul.f32 v17, v9;
	v41 =	vadd.f32 v46, v41;
	[tilespmem:s5+$0xFFFFFF80] =	vst v44  }
0x3bb: {  	s3 =	sor.u32 $0x70, s6;
	v53 =	vmul.f32 v21, v9;
	v39 =	vld.idx.msk [tilespmem:v50+s4+$0x0], $0xffff;
	v30 =	vadd.f32 v43, v30;
	[tilespmem:s5+$0x80] =	vst v40  }
0x3bc: {  	v63 =	vadd.s32 v2, v28;
	v50 =	vadd.s32 v2, v25;
	v38 =	vld.idx.msk [tilespmem:v57+s4+$0x0], $0xffff;
	[tilespmem:s3+$0x19B00] =	vst v41  }
0x3bd: {  	v56 =	vadd.s32 v4, v35;
	v57 =	vmul.f32 v22, v9;
	v0 =	vld.idx.msk [tilespmem:v0+s4+$0x0], $0xffff;
	[tilespmem:s5+$0xFFFFFFE0] =	vst v30  }
0x3be: {  	v45 =	vadd.f32 v58, v13;
	v42 =	vadd.f32 v59, v13;
	v1 =	vld.idx.msk [tilespmem:v1+s4+$0x0], $0xffff;
	[tilespmem:$0x1FCB0] =	vst v13  }
0x3bf: {  	v51 =	vadd.s32 v2, v27;
	v58 =	vmul.f32 v26, v9;
	v44 =	vadd.f32 v61, v13;
	v46 =	vld.idx.msk [tilespmem:v60+s4+$0x0], $0xffff  }
0x3c0: {  	s7 =	simm.s32 $0x240;
	v59 =	vadd.s32 v5, v33;
	v39 =	vadd.f32 v39, v45;
	v30 =	vmul.f32 v36, v8;
	v43 =	vld.idx.msk [tilespmem:v62+s4+$0x0], $0xffff  }
0x3c1: {  	s11 =	sor.u32 $0x50, s7;
	v61 =	vadd.s32 v5, v28;
	v38 =	vadd.f32 v38, v44;
	v44 =	vadd.f32 v52, v14;
	v40 =	vld.idx.msk [tilespmem:v63+s4+$0x0], $0xffff  }
0x3c2: {  	v0 =	vadd.f32 v0, v42;
	[tilespmem:s11+$0x19B00] =	vst v39;
	v30 =	vadd.f32 v30, v12;
	v41 =	vld.idx.msk [tilespmem:v48+s4+$0x0], $0xffff  }
0x3c3: {  	v35 =	vld.idx.msk [tilespmem:v31+s4+$0x0], $0xffff;
	[tilespmem:s5+$0xA0] =	vst v38;
	v38 =	vadd.f32 v53, v14;
	v53 =	vmul.f32 v36, v54  }
0x3c4: {  	v62 =	vadd.f32 v57, v14;
	v45 =	vld.idx.msk [tilespmem:v49+s4+$0x0], $0xffff;
	[tilespmem:s5+$0x40] =	vst v0;
	v0 =	vmul.f32 v18, v9  }
0x3c5: {  	v42 =	vld.idx.msk [tilespmem:v50+s4+$0x0], $0xffff;
	v57 =	vadd.f32 v53, v55;
	v1 =	vadd.f32 v1, v30;
	v30 =	vmul.f32 v19, v9  }
0x3c6: {  	s8 =	simm.s32 $0x1DB00;
	v52 =	vadd.s32 v5, v29;
	v39 =	vld.idx.msk [tilespmem:v51+s4+$0x0], $0xffff;
	v0 =	vadd.f32 v0, v14;
	v44 =	vadd.f32 v46, v44  }
0x3c7: {  	v60 =	vadd.f32 v41, v38;
	[tilespmem:s8+$0x40] =	vst v1;
	v1 =	vmul.f32 v20, v9;
	v30 =	vadd.f32 v30, v14  }
0x3c8: {  	v0 =	vadd.f32 v43, v0;
	v43 =	vadd.f32 v58, v14;
	[tilespmem:s5+$0xFFFFFF60] =	vst v44;
	v63 =	vld.idx.msk [tilespmem:v56+s4+$0x0], $0xffff  }
0x3c9: {  	s28 =	smov.u32 s24;
	v44 =	vadd.s32 v5, v32;
	v40 =	vadd.f32 v40, v30;
	v30 =	vld.idx.msk [tilespmem:v34+s4+$0x0], $0xffff;
	[tilespmem:$0x1FCC0] =	vst v14  }
0x3ca: {  	s29 =	smov.u32 s25;
	s14 =	simm.s32 $0xA0;
	s12 =	sor.u32 $0x80, s18;
	v58 =	vadd.s32 v5, v27;
	v1 =	vadd.f32 v1, v14;
	v54 =	vadd.f32 v42, v62;
	[tilespmem:s5+$0xFFFFFF90] =	vst v0  }
0x3cb: {  	s20 =	simm.s32 $0x120;
	s2 =	sor.u32 s12, s2;
	s13 =	simm.s32 $0x210;
	v62 =	vmul.f32 v21, v8;
	v0 =	vadd.s32 v5, v24;
	v31 =	vld.idx.msk [tilespmem:v37+s4+$0x0], $0xffff;
	[tilespmem:s5+$0xFFFFFFC0] =	vst v40  }
0x3cc: {  	s10 =	sor.u32 $0x30, s14;
	s14 =	simm.s32 $0x2D0;
	s6 =	sor.u32 $0x30, s13;
	v36 =	vld.idx.msk [tilespmem:v59+s4+$0x0], $0xffff;
	v59 =	vmul.f32 v17, v8;
	v1 =	vadd.f32 v45, v1;
	[tilespmem:$0x1FCD0] =	vst v55  }
0x3cd: {  	s15 =	sor.u32 $0x60, s7;
	s2 =	sshrl.u32 s2, $0x3;
	s18 =	sor.u32 $0x70, s14;
	v56 =	vadd.s32 v5, v25;
	v43 =	vadd.f32 v39, v43;
	v42 =	vadd.s32 v4, v33;
	[tilespmem:s6+$0x19B00] =	vst v60  }
0x3ce: {  	s2 =	sadd.s32 s24, s2;
	s24 =	simm.s32 $0x160;
	s16 =	simm.s32 $0xE0;
	v45 =	vadd.f32 v62, v12;
	v47 =	vadd.f32 v59, v12;
	v38 =	vld.idx.msk [tilespmem:v44+s4+$0x0], $0xffff;
	[tilespmem:s15+$0x19B00] =	vst v1  }
0x3cf: {  	s21 =	simm.s32 $0x140;
	s26 =	sor.u32 $0x30, s20;
	s3 =	sor.u32 s12, s17;
	v60 =	vmul.f32 v18, v8;
	v39 =	vld.idx.msk [tilespmem:v61+s4+$0x0], $0xffff;
	v1 =	vadd.f32 v63, v57;
	[tilespmem:s5+$0x50] =	vst v54  }
0x3d0: {  	s13 =	sor.u32 $0x70, s16;
	s17 =	simm.s32 $0x1C0;
	s3 =	sshrl.u32 s3, $0x3;
	v61 =	vmul.f32 v19, v8;
	v63 =	vmul.f32 v20, v8;
	[tilespmem:s18+$0x19B00] =	vst v43;
	v40 =	vld.idx.msk [tilespmem:v52+s4+$0x0], $0xffff  }
0x3d1: {  	s12 =	simm.s32 $0x1E0;
	s9 =	sadd.s32 s25, s3;
	s3 =	sor.u32 $0x50, s17;
	v43 =	vmul.f32 v26, v8;
	v44 =	vadd.s32 v4, v32;
	v34 =	vld.idx.msk [tilespmem:v0+s4+$0x0], $0xffff;
	v0 =	vmul.f32 v22, v8  }
0x3d2: {  	s25 =	simm.s32 $0x1A0;
	s17 =	sor.u32 $0x70, s24;
	s11 =	simm.s32 $0x8;
	v37 =	vld.idx.msk [tilespmem:v56+s4+$0x0], $0xffff;
	[tilespmem:s3+$0x1D980] =	vst v1;
	v46 =	vadd.f32 v60, v12;
	v48 =	vadd.f32 v61, v12  }
0x3d3: {  	s16 =	sor.u32 $0x30, s25;
	s18 =	sor.u32 $0x50, s21;
	s15 =	sor.u32 $0x70, s12;
	v41 =	vld.idx.msk [tilespmem:v58+s4+$0x0], $0xffff;
	v33 =	vadd.f32 v63, v12;
	[tilespmem:$0x1FCE0] =	vst v12;
	v32 =	vadd.f32 v0, v12  }
.LBB2_9:
0x3d4: {  	s3 =	sadd.s32 s11, s0  }
0x3d5: {  	v1 =	vadd.s32 v4, v28;
	v29 =	vadd.s32 v4, v29;
	s6 =	sadd.s32 $0x260, s3  }
0x3d6: {  	v15 =	vadd.f32 v35, v15;
	v0 =	vadd.f32 v36, v47;
	s7 =	sadd.s32 $0x266, s3;
	s25 =	sadd.s32 $0x261, s3;
	s20 =	sadd.s32 $0x262, s3;
	v50 =	vmov s6  }
0x3d7: {  	v13 =	vld [tilespmem:$0x1FCE0];
	s21 =	sadd.s32 $0x263, s3;
	s24 =	sadd.s32 $0x264, s3;
	v51 =	vmov s7;
	v52 =	vmov s25;
	v53 =	vmov s20  }
0x3d8: {  	v54 =	vmov s21;
	v55 =	vmov s24;
	[tilespmem:s8+$0xFFFFFF80] =	vst v0;
	v0 =	vadd.f32 v40, v45  }
0x3d9: {  	v10 =	vld [tilespmem:$0x1FFA0];
	v56 =	vand.u32 $0xFFFFFFF8, v50;
	v57 =	vand.u32 $0xFFFFFFF9, v52;
	v36 =	vand.u32 $0xFFFFFFFB, v54  }
0x3da: {  	v11 =	vld [tilespmem:$0x1FCD0];
	v59 =	vand.u32 $0xFFFFFFFC, v55;
	v63 =	vadd.f32 v38, v46;
	v60 =	vbroadcast v56, $0x0  }
0x3db: {  	v49 =	vadd.f32 v39, v48;
	v42 =	vld.idx.msk [tilespmem:v42+s4+$0x0], $0xffff;
	v61 =	vbroadcast v57, $0x0;
	v45 =	vbroadcast v59, $0x0;
	[tilespmem:s8+$0xFFFFFFE0] =	vst v0  }
0x3dc: {  	s25 =	sadd.s32 $0x265, s3;
	s3 =	sadd.s32 $0x267, s3;
	v33 =	vadd.f32 v34, v33;
	v28 =	vadd.f32 v43, v13;
	v43 =	vand.u32 $0xFFFFFFFE, v51;
	[tilespmem:s8+$0xFFFFFFA0] =	vst v63;
	v29 =	vld.idx.msk [tilespmem:v29+s4+$0x0], $0xffff  }
0x3dd: {  	v56 =	vmov s3;
	v0 =	vand.u32 $0xFFFFFFFA, v53;
	v43 =	vbroadcast v43, $0x0;
	[tilespmem:s8+$0xFFFFFFC0] =	vst v49;
	v44 =	vld.idx.msk [tilespmem:v44+s4+$0x0], $0xffff  }
0x3de: {  	v63 =	vbroadcast v36, $0x0;
	v36 =	vadd.s32 v4, v24;
	v24 =	vadd.f32 v37, v32;
	[tilespmem:s8+$0x0] =	vst v33;
	v1 =	vld.idx.msk [tilespmem:v1+s4+$0x0], $0xffff  }
0x3df: {  	v58 =	vmov s25;
	v0 =	vbroadcast v0, $0x0;
	[tilespmem:s19+$0x10] =	vst v15;
	v15 =	vld [tilespmem:$0x1FCA0]  }
0x3e0: {  	v62 =	vand.u32 $0xFFFFFFFD, v58;
	v20 =	vmul.f32 v20, v10;
	v28 =	vadd.f32 v41, v28;
	[tilespmem:s8+$0x20] =	vst v24;
	v24 =	vld.idx.msk [tilespmem:v60+s23+$0x0], $0xffff  }
0x3e1: {  	v16 =	vadd.f32 v30, v16;
	v49 =	vbroadcast v62, $0x0;
	v37 =	vadd.s32 v4, v25;
	v25 =	vld.idx.msk [tilespmem:v61+s23+$0x0], $0xffff  }
0x3e2: {  	v17 =	vmul.f32 v17, v10;
	v12 =	vadd.f32 v20, v11;
	[tilespmem:s8+$0x60] =	vst v28;
	v20 =	vld.idx.msk [tilespmem:v45+s23+$0x0], $0xffff  }
0x3e3: {  	v23 =	vadd.f32 v31, v23;
	v18 =	vmul.f32 v18, v10;
	v19 =	vmul.f32 v19, v10;
	v59 =	vld.idx.msk [tilespmem:v56+s23+$0x0], $0xffff  }
0x3e4: {  	v34 =	vadd.s32 v4, v27;
	v21 =	vmul.f32 v21, v10;
	v17 =	vadd.f32 v17, v11;
	v57 =	vld.idx.msk [tilespmem:v43+s23+$0x0], $0xffff  }
0x3e5: {  	v22 =	vmul.f32 v22, v10;
	v18 =	vadd.f32 v18, v11;
	v19 =	vadd.f32 v19, v11;
	v27 =	vld.idx.msk [tilespmem:v0+s23+$0x0], $0xffff  }
0x3e6: {  	v26 =	vmul.f32 v26, v10;
	v21 =	vadd.f32 v21, v11;
	v17 =	vadd.f32 v42, v17;
	v58 =	vld.idx.msk [tilespmem:v63+s23+$0x0], $0xffff  }
0x3e7: {  	v53 =	vlaneseq.u32;
	v50 =	vadd.f32 v22, v11;
	v22 =	vld.idx.msk [tilespmem:v49+s23+$0x0], $0xffff;
	v18 =	vadd.f32 v44, v18  }
0x3e8: {  	v39 =	vadd.f32 v26, v11;
	[tilespmem:s8+$0xFFFFFF90] =	vst v17;
	v38 =	vld.idx.msk [tilespmem:v43+s22+$0x0], $0xffff;
	v1 =	vadd.f32 v1, v19;
	v32 =	vmul.u32 $0x50, v24  }
0x3e9: {  	v19 =	vadd.f32 v29, v21;
	v17 =	vld.idx.msk [tilespmem:v60+s22+$0x0], $0xffff;
	[tilespmem:s26+$0x1D980] =	vst v18;
	v33 =	vmul.u32 $0x50, v25;
	v35 =	vmul.u32 $0x50, v57  }
0x3ea: {  	[tilespmem:s18+$0x1D980] =	vst v1;
	v18 =	vld.idx.msk [tilespmem:v61+s22+$0x0], $0xffff;
	v24 =	vmul.u32 $0x50, v20;
	v30 =	vor.u32 v53, v32;
	v31 =	vadd.s32 v3, v32  }
0x3eb: {  	[tilespmem:s17+$0x1D980] =	vst v19;
	v19 =	vld.idx.msk [tilespmem:v0+s22+$0x0], $0xffff;
	v28 =	vmul.u32 $0x50, v27;
	v60 =	vor.u32 v53, v33;
	v26 =	vor.u32 v53, v35  }
0x3ec: {  	v14 =	vmovc v50;
	[tilespmem:s10+$0x1D980] =	vst v16;
	v21 =	vld.idx.msk [tilespmem:v63+s22+$0x0], $0xffff;
	v44 =	vadd.s32 v3, v33;
	v29 =	vmul.u32 $0x50, v58;
	v25 =	vmul.u32 $0x50, v22  }
0x3ed: {  	v20 =	vld.idx.msk [tilespmem:v45+s22+$0x0], $0xffff;
	v40 =	vor.u32 v53, v24;
	v51 =	vadd.s32 v3, v24;
	v16 =	vmul.f32 v38, v7  }
0x3ee: {  	[tilespmem:s13+$0x1D980] =	vst v23;
	v27 =	vmul.u32 $0x50, v59;
	v23 =	vmul.f32 v17, v7;
	v22 =	vld.idx.msk [tilespmem:v49+s22+$0x0], $0xffff;
	v54 =	vmul.f32 v17, v6  }
0x3ef: {  	v1 =	vor.u32 v53, v28;
	v41 =	vadd.s32 v3, v28;
	v0 =	vor.u32 v53, v29;
	v30 =	vld.idx.msk [tilespmem:v30+s4+$0x0], $0xffff  }
0x3f0: {  	v47 =	vadd.s32 v3, v29;
	v45 =	vor.u32 v53, v25;
	v52 =	vadd.s32 v3, v25;
	v61 =	vld.idx.msk [tilespmem:v26+s4+$0x0], $0xffff  }
0x3f1: {  	v16 =	vadd.f32 v16, v15;
	v62 =	vadd.s32 v3, v35;
	v48 =	vor.u32 v53, v27;
	v43 =	vld.idx.msk [tilespmem:v60+s4+$0x0], $0xffff  }
0x3f2: {  	v53 =	vadd.s32 v3, v27;
	v63 =	vmul.f32 v18, v7;
	v49 =	vmul.f32 v18, v6;
	v40 =	vld.idx.msk [tilespmem:v40+s4+$0x0], $0xffff  }
0x3f3: {  	v23 =	vadd.f32 v23, v15;
	v55 =	vmul.f32 v19, v7;
	v57 =	vmul.f32 v21, v7;
	v26 =	vld.idx.msk [tilespmem:v56+s22+$0x0], $0xffff  }
0x3f4: {  	v58 =	vmul.f32 v20, v7;
	v59 =	vmul.f32 v20, v6;
	v46 =	vadd.f32 v63, v15;
	v0 =	vld.idx.msk [tilespmem:v0+s4+$0x0], $0xffff  }
0x3f5: {  	v50 =	vadd.f32 v55, v15;
	v55 =	vmul.f32 v21, v6;
	v1 =	vld.idx.msk [tilespmem:v1+s4+$0x0], $0xffff;
	v16 =	vadd.f32 v16, v61  }
0x3f6: {  	s5 =	sadd.s32 $0x180, s5;
	v60 =	vmul.f32 v22, v7;
	v58 =	vadd.f32 v58, v15;
	v23 =	vadd.f32 v23, v30;
	v30 =	vld.idx.msk [tilespmem:v45+s4+$0x0], $0xffff  }
0x3f7: {  	v57 =	vadd.f32 v57, v15;
	v63 =	vadd.s32 v2, v35;
	v56 =	vmul.f32 v19, v6;
	[tilespmem:s5+$0x60] =	vst v16;
	v16 =	vld [tilespmem:$0x1FCB0]  }
0x3f8: {  	v48 =	vld.idx.msk [tilespmem:v48+s4+$0x0], $0xffff;
	v45 =	vadd.f32 v60, v15;
	v60 =	vmul.f32 v22, v6;
	v40 =	vadd.f32 v58, v40  }
0x3f9: {  	[tilespmem:s5+$0xFFFFFF40] =	vst v23;
	v0 =	vadd.f32 v57, v0;
	v42 =	vld.idx.msk [tilespmem:v62+s4+$0x0], $0xffff;
	v62 =	vmul.f32 v26, v7  }
0x3fa: {  	v58 =	vmul.f32 v38, v9;
	v61 =	vmul.f32 v38, v6;
	v1 =	vadd.f32 v50, v1;
	[tilespmem:s5+$0x0] =	vst v40  }
0x3fb: {  	v31 =	vld.idx.msk [tilespmem:v31+s4+$0x0], $0xffff;
	[tilespmem:s5+$0xFFFFFFD0] =	vst v0;
	v30 =	vadd.f32 v45, v30;
	v62 =	vadd.f32 v62, v15  }
0x3fc: {  	v15 =	vmovc v12;
	v12 =	vadd.f32 v46, v43;
	v43 =	vmul.f32 v26, v6;
	v61 =	vadd.f32 v61, v16  }
0x3fd: {  	s14 =	sadd.s32 $0x180, s14;
	v50 =	vadd.s32 v2, v32;
	v45 =	vld.idx.msk [tilespmem:v47+s4+$0x0], $0xffff;
	[tilespmem:s5+$0x30] =	vst v30;
	v46 =	vadd.f32 v54, v16  }
0x3fe: {  	s24 =	sadd.s32 $0xFFFFFFD0, s14;
	[tilespmem:s5+$0xFFFFFFA0] =	vst v1;
	v30 =	vadd.f32 v43, v16;
	v43 =	vld.idx.msk [tilespmem:v52+s4+$0x0], $0xffff;
	v42 =	vadd.f32 v42, v61  }
0x3ff: {  	s7 =	sor.u32 $0x30, s24;
	[tilespmem:s5+$0xFFFFFF70] =	vst v12;
	v49 =	vadd.f32 v49, v16;
	v54 =	vadd.s32 v2, v33;
	v56 =	vadd.f32 v56, v16;
	v12 =	vld [tilespmem:$0x1FCC0]  }
0x400: {  	v1 =	vadd.f32 v55, v16;
	v0 =	vadd.f32 v59, v16;
	v44 =	vld.idx.msk [tilespmem:v44+s4+$0x0], $0xffff;
	[tilespmem:s7+$0x19B00] =	vst v42  }
0x401: {  	v57 =	vadd.f32 v62, v48;
	v40 =	vadd.f32 v60, v16;
	v48 =	vadd.s32 v5, v35;
	v55 =	vld.idx.msk [tilespmem:v63+s4+$0x0], $0xffff  }
0x402: {  	v41 =	vld.idx.msk [tilespmem:v41+s4+$0x0], $0xffff;
	v59 =	vadd.s32 v2, v28;
	v61 =	vadd.s32 v2, v29;
	v1 =	vadd.f32 v45, v1  }
0x403: {  	v62 =	vadd.s32 v2, v24;
	v31 =	vadd.f32 v31, v46;
	v46 =	vld.idx.msk [tilespmem:v51+s4+$0x0], $0xffff;
	[tilespmem:s5+$0x90] =	vst v57  }
0x404: {  	v60 =	vld.idx.msk [tilespmem:v53+s4+$0x0], $0xffff;
	[tilespmem:s5+$0xFFFFFFE0] =	vst v1;
	v47 =	vadd.f32 v58, v12;
	v1 =	vadd.f32 v43, v40  }
0x405: {  	v57 =	vadd.s32 v2, v25;
	[tilespmem:s5+$0xFFFFFF50] =	vst v31;
	v58 =	vadd.s32 v2, v27;
	v31 =	vadd.f32 v44, v49  }
0x406: {  	v23 =	vmov v39;
	v63 =	vmul.f32 v17, v9;
	v49 =	vld.idx.msk [tilespmem:v50+s4+$0x0], $0xffff;
	[tilespmem:s5+$0x40] =	vst v1;
	v39 =	vadd.f32 v55, v47  }
0x407: {  	s20 =	sadd.s32 $0xFFFFFF10, s14;
	v43 =	vmul.f32 v26, v8;
	v40 =	vld.idx.msk [tilespmem:v61+s4+$0x0], $0xffff;
	[tilespmem:s5+$0xFFFFFF80] =	vst v31;
	v31 =	vadd.f32 v41, v56  }
0x408: {  	s21 =	sadd.s32 $0xFFFFFF70, s14;
	s3 =	sor.u32 $0x70, s20;
	v0 =	vadd.f32 v46, v0;
	v61 =	vmul.f32 v20, v9;
	v53 =	vld.idx.msk [tilespmem:v54+s4+$0x0], $0xffff;
	[tilespmem:s5+$0x80] =	vst v39  }
0x409: {  	s25 =	sor.u32 $0x50, s21;
	v56 =	vmul.f32 v18, v9;
	v30 =	vadd.f32 v60, v30;
	[tilespmem:s3+$0x19B00] =	vst v31;
	v31 =	vld.idx.msk [tilespmem:v48+s4+$0x0], $0xffff  }
0x40a: {  	v60 =	vmul.f32 v21, v9;
	v1 =	vld.idx.msk [tilespmem:v57+s4+$0x0], $0xffff;
	[tilespmem:s25+$0x19B00] =	vst v0;
	v0 =	vmul.f32 v38, v8  }
0x40b: {  	v41 =	vadd.s32 v4, v35;
	v57 =	vmul.f32 v26, v9;
	v54 =	vadd.s32 v5, v33;
	v44 =	vld.idx.msk [tilespmem:v62+s4+$0x0], $0xffff  }
0x40c: {  	v38 =	vmul.f32 v38, v10;
	v35 =	vld.idx.msk [tilespmem:v36+s4+$0x0], $0xffff;
	v0 =	vadd.f32 v0, v13;
	v39 =	vadd.f32 v56, v12  }
0x40d: {  	[tilespmem:s5+$0xA0] =	vst v30;
	v62 =	vadd.f32 v63, v12;
	v42 =	vld.idx.msk [tilespmem:v59+s4+$0x0], $0xffff;
	v59 =	vmul.f32 v19, v9  }
0x40e: {  	v63 =	vmul.f32 v22, v9;
	v30 =	vld.idx.msk [tilespmem:v37+s4+$0x0], $0xffff;
	v39 =	vadd.f32 v53, v39;
	v0 =	vadd.f32 v31, v0  }
0x40f: {  	v37 =	vadd.s32 v5, v28;
	v47 =	vld.idx.msk [tilespmem:v58+s4+$0x0], $0xffff;
	v31 =	vadd.f32 v59, v12;
	v59 =	vadd.f32 v60, v12  }
0x410: {  	s19 =	smov.u32 s8;
	s8 =	sadd.s32 $0x100, s8;
	v55 =	vadd.s32 v5, v25;
	[tilespmem:s5+$0xFFFFFF90] =	vst v39;
	v60 =	vadd.f32 v61, v12;
	v61 =	vadd.f32 v63, v12  }
0x411: {  	v58 =	vadd.s32 v5, v32;
	v63 =	vadd.f32 v57, v12;
	[tilespmem:s8+$0x40] =	vst v0;
	v0 =	vadd.f32 v49, v62  }
0x412: {  	v57 =	vadd.f32 v38, v11;
	v38 =	vld.idx.msk [tilespmem:v54+s4+$0x0], $0xffff;
	v62 =	vadd.s32 v5, v29;
	v42 =	vadd.f32 v42, v31  }
0x413: {  	v49 =	vadd.s32 v5, v24;
	v31 =	vld.idx.msk [tilespmem:v34+s4+$0x0], $0xffff;
	v53 =	vadd.f32 v44, v60;
	[tilespmem:s5+$0xFFFFFF60] =	vst v0  }
0x414: {  	s11 =	sadd.s32 $0x8, s11;
	s6 =	sor.u32 $0x60, s21;
	v1 =	vadd.f32 v1, v61;
	v56 =	vadd.f32 v47, v63;
	v41 =	vld.idx.msk [tilespmem:v41+s4+$0x0], $0xffff;
	[tilespmem:s5+$0xFFFFFFC0] =	vst v42  }
0x415: {  	p0 =	slt.u32 s11, $0xC0;
	v60 =	vmul.f32 v18, v8;
	v63 =	vmul.f32 v20, v8;
	v44 =	vadd.s32 v4, v33;
	[tilespmem:s6+$0x19B00] =	vst v53  }
0x416: {  	s13 =	smov.u32 s15;
	s15 =	sor.u32 $0x70, s14;
	s26 =	sadd.s32 $0xFFFFFF40, s14;
	v0 =	vadd.f32 v40, v59;
	[tilespmem:s5+$0x50] =	vst v1;
	v36 =	vld.idx.msk [tilespmem:v58+s4+$0x0], $0xffff;
	v58 =	vadd.s32 v5, v27  }
.Ltmp3:
0x417: {  	s12 =	sadd.s32 $0x100, s12;
	s17 =	sor.u32 $0x30, s26;
	v59 =	vmul.f32 v17, v8;
	v1 =	vmul.f32 v22, v8;
	[tilespmem:s15+$0x19B00] =	vst v56;
	v39 =	vld.idx.msk [tilespmem:v37+s4+$0x0], $0xffff;
	(pc) =	sbr.rel @p0 .LBB2_9-.Ltmp3, $4  }
0x418: {  	s21 =	sadd.s32 $0xFFFFFFE0, s12;
	s24 =	sadd.s32 $0xFFFFFF80, s12;
	s18 =	sadd.s32 $0xFFFFFF40, s12;
	v46 =	vadd.f32 v60, v13;
	v33 =	vadd.f32 v63, v13;
	v37 =	vld.idx.msk [tilespmem:v55+s4+$0x0], $0xffff;
	[tilespmem:s17+$0x19B00] =	vst v0  }
0x419: {  	s20 =	sadd.s32 $0xFFFFFF60, s12;
	s10 =	smov.u32 s16;
	s26 =	sor.u32 $0x30, s18;
	v0 =	vmul.f32 v19, v8;
	v40 =	vld.idx.msk [tilespmem:v62+s4+$0x0], $0xffff;
	v62 =	vmul.f32 v21, v8;
	v61 =	vadd.f32 v41, v57  }
0x41a: {  	s18 =	sor.u32 $0x50, s20;
	s7 =	sor.u32 $0x50, s21;
	s25 =	sadd.s32 $0xFFFFFFC0, s12;
	v42 =	vadd.s32 v4, v32;
	v47 =	vadd.f32 v59, v13;
	v32 =	vadd.f32 v1, v13;
	v34 =	vld.idx.msk [tilespmem:v49+s4+$0x0], $0xffff  }
0x41b: {  	v16 =	vmov v14;
	s16 =	sor.u32 $0x30, s25;
	s15 =	sor.u32 $0x70, s12;
	s17 =	sor.u32 $0x70, s24;
	v48 =	vadd.f32 v0, v13;
	v45 =	vadd.f32 v62, v13;
	[tilespmem:s7+$0x1D980] =	vst v61;
	v41 =	vld.idx.msk [tilespmem:v58+s4+$0x0], $0xffff  }
0x41c: {  	v0 =	vadd.f32 v36, v47  }
0x41d: {  	v11 =	vadd.f32 v38, v46  }
0x41e: {  	v13 =	vadd.f32 v39, v48;
	[tilespmem:s8+$0xFFFFFF80] =	vst v0  }
0x41f: {  	[tilespmem:s8+$0xFFFFFFA0] =	vst v11  }
0x420: {  	[tilespmem:s8+$0xFFFFFFC0] =	vst v13  }
0x421: {  	v10 =	vld [tilespmem:$0x1FCE0];
	_ =	sdelay $0x1  }
0x422: {  	v11 =	vadd.f32 v40, v45;
	_ =	sdelay $0x1  }
0x423: {  	v52 =	vadd.f32 v34, v33;
	[tilespmem:s8+$0xFFFFFFE0] =	vst v11  }
0x424: {  	v12 =	vadd.f32 v43, v10;
	v10 =	vld [tilespmem:$0x1FFA0]  }
0x425: {  	[tilespmem:s8+$0x0] =	vst v52  }
0x426: {  	v1 =	vadd.s32 v4, v28;
	v55 =	vld [tilespmem:$0x1FCD0];
	_ =	sdelay $0x1  }
0x427: {  	v14 =	vadd.s32 v4, v29;
	v25 =	vadd.s32 v4, v25;
	v0 =	vld.idx.msk [tilespmem:v42+s4+$0x0], $0xffff  }
0x428: {  	v53 =	vadd.f32 v37, v32;
	v11 =	vadd.s32 v4, v24;
	v17 =	vmul.f32 v17, v10  }
0x429: {  	v54 =	vadd.s32 v4, v27;
	v15 =	vadd.f32 v35, v15;
	v16 =	vadd.f32 v30, v16  }
0x42a: {  	v63 =	vadd.f32 v31, v23;
	v1 =	vld.idx.msk [tilespmem:v1+s4+$0x0], $0xffff;
	[tilespmem:s8+$0x20] =	vst v53;
	v17 =	vadd.f32 v17, v55  }
0x42b: {  	v51 =	vld.idx.msk [tilespmem:v44+s4+$0x0], $0xffff;
	[tilespmem:s19+$0x10] =	vst v15;
	v12 =	vadd.f32 v41, v12;
	v19 =	vmul.f32 v19, v10  }
0x42c: {  	v14 =	vld.idx.msk [tilespmem:v14+s4+$0x0], $0xffff;
	[tilespmem:s10+$0x1D980] =	vst v16;
	v18 =	vmul.f32 v18, v10;
	v0 =	vadd.f32 v0, v17  }
0x42d: {  	v11 =	vld.idx.msk [tilespmem:v11+s4+$0x0], $0xffff;
	[tilespmem:s8+$0x60] =	vst v12;
	v21 =	vmul.f32 v21, v10;
	v56 =	vadd.f32 v19, v55  }
0x42e: {  	v59 =	vmul.f32 v20, v10;
	v18 =	vadd.f32 v18, v55;
	[tilespmem:s8+$0xFFFFFF90] =	vst v0;
	v0 =	vld.idx.msk [tilespmem:v25+s4+$0x0], $0xffff  }
0x42f: {  	v60 =	vmul.f32 v22, v10;
	v13 =	vld.idx.msk [tilespmem:v54+s4+$0x0], $0xffff;
	v57 =	vadd.f32 v21, v55;
	v1 =	vadd.f32 v1, v56  }
0x430: {  	[tilespmem:s13+$0x1D980] =	vst v63;
	v61 =	vmul.f32 v26, v10;
	v62 =	vadd.f32 v59, v55;
	v58 =	vadd.f32 v51, v18  }
0x431: {  	v14 =	vadd.f32 v14, v57;
	[tilespmem:s18+$0x1D980] =	vst v1;
	v1 =	vadd.f32 v60, v55  }
0x432: {  	v10 =	vadd.f32 v61, v55;
	v11 =	vadd.f32 v11, v62;
	[tilespmem:s26+$0x1D980] =	vst v58  }
0x433: {  	s1 =	sadd.s32 $0x1, s1;
	[tilespmem:s17+$0x1D980] =	vst v14;
	v0 =	vadd.f32 v0, v1  }
0x434: {  	p0 =	sne.s32 s1, $0x10;
	[tilespmem:s8+$0x10] =	vst v11;
	v1 =	vadd.f32 v13, v10  }
.Ltmp4:
0x435: {  	[tilespmem:s16+$0x1D980] =	vst v0;
	(pc) =	sbr.rel @p0 .LBB2_6-.Ltmp4, $4  }
0x436: {  	s3 =	simm.s32 $0x19B00;
	s0 =	sadd.s32 $0x190, s0;
	[tilespmem:s15+$0x1D980] =	vst v1  }
0x437: {  	[hbm4b:s2+s30] =	stream.strided.scatter [tilespmem:s3], [sflag:$0x1], $0x2580, s31, s30, $0x38;
	[tilespmem:$0x1F280] =	vst v63  }
0x438: {  	s6 =	simm.s32 $0x2;
	s26 =	simm.s32 $0x1D980;
	s3 =	simm.s32 $0x1  }
0x439: {  	v62 =	vmovc v3;
	v3 =	vmovc v5;
	v56 =	vmov v4;
	v5 =	vmov v7;
	v58 =	vmov v2;
	[hbm4b:s9+s30] =	stream.strided.scatter [tilespmem:s26], [sflag:$0x2], $0x1900, s31, s30, $0x38;
	[tilespmem:$0x1F280] =	vst v63  }
0x43a: {  	_ =	swait.ge [sflag:s3], $0x2580  }
0x43b: {  	[sflag:s3] =	ssyncset.done $0x0  }
0x43c: {  	[sflag:s3] =	ssyncadd.s32 $0xFFFFDA80  }
0x43d: {  	_ =	swait.ge [sflag:s6], $0x1900  }
0x43e: {  	[sflag:s6] =	ssyncset.done $0x0  }
0x43f: {  	[sflag:s6] =	ssyncadd.s32 $0xFFFFE700  }
0x440: {  	_ =	swait.ge [sflag:s3], $0x2580  }
0x441: {  	[sflag:s3] =	ssyncset.done $0x0  }
0x442: {  	[sflag:s3] =	ssyncadd.s32 $0xFFFFDA80  }
0x443: {  	_ =	swait.ge [sflag:s6], $0x1900  }
0x444: {  	s1 =	rddreg [dreg:$0xf]  }
0x445: {  	s0 =	rddreg [dreg:$0xe];
	s1 =	sadd.s32 $0x1, s1  }
0x446: {  	p0 =	sne.s32 s1, s0  }
.Ltmp5:
0x447: {  	_ = 	snop;
	(pc) =	sbr.rel @p0 .LBB2_1-.Ltmp5, $3  }
0x448: {  	_ =	sdelay $0x1  }
0x449: {  	[sflag:s6] =	ssyncset.done $0x0  }
0x44a: {  	[sflag:s6] =	ssyncadd.s32 $0xFFFFE700  }
0x44b: {  	_ =	sfence.sel $0x180000  }
0x44c: {  	[bflag:$0x0] =	sbarrier.arrive $0xFFFF  }
0x44d: {  	_ =	strace $0x90000047  }
0x44e: {  	s0 =	stileid.u32;
	[bflag:$0x2] =	sbarrier.arrive $0xFFFF  }
0x44f: {  	p0 =	sne.s32 s0, $0x0;
	s0 =	rddreg [dreg:$0x3]  }
0x450: {  	s0 =	sadd.s32 @!p0 $0x100000, s0  }
0x451: {  	[sflag:s0] =	ssyncadd.tile.s32 @!p0 $0x1;
	_ =	shalt  }
.Lfunc_end2:
_tile_overlayer_lowered:
.L_overlay_start_2:
0x452: {  	(tag) =	ssettag $0x2  }
0x453: {  	s0 =	rddreg [dreg:$0x0];
	s2 =	stileid.u32  }
0x454: {  	s1 =	rddreg [dreg:$0x1];
	p0 =	sne.s32 s2, $0x0  }
0x455: {  	s3 =	rddreg [dreg:$0x2];
	[bflag:$0x3] =	sbarrier.arrive $0xFFFF;
	s2 =	simm.s32 @!p0 $0x1C03  }
0x456: {  	[timem:s3], [sflag:s2] =	dma.local @!p0 [hbm:s0], s1  }
0x457: {  	s0 =	simm.s32 @!p0 $0x3  }
0x458: {  	_ =	swait.ge @!p0 [sflag:s0], s1  }
0x459: {  	s1 =	ssub.s32 @!p0 $0x0, s1;
	[sflag:s0] =	ssyncset.done @!p0 $0x0  }
0x45a: {  	[sflag:s0] =	ssyncadd.s32 @!p0 s1  }
0x45b: {  	[bflag:$0x3] =	sbarrier.arrive $0xFFFF  }
0x45c: {  	_ =	shalt  }

</sc_bundles>
